<compile_context>
chip_gen: v7x
topology: tpu7x:2x2x1
jax: 0.10.2.dev20260603
libtpu: 0.0.44.dev20260713+nightly
codegen_flags: <defaults>
</compile_context>

<pallas_src>
import functools

import jax
import jax.numpy as jnp
from jax import lax
from jax.experimental import pallas as pl
from jax.experimental.pallas import tpu as pltpu
from jax.experimental.pallas import tpu_sc as plsc

NPTS = 262144
NC, NS = 2, 16
NW = NC * NS
PPW = NPTS // NW
CH = 32
NCHUNK = PPW // CH
DEPTH = 8
SLICE = NPTS // NS
IMG_N = 512

_mesh = plsc.VectorSubcoreMesh(core_axis_name="c", subcore_axis_name="s")


@functools.partial(
    pl.kernel,
    mesh=_mesh,
    out_type=jax.ShapeDtypeStruct((NC, 2, NPTS), jnp.float32),
    scratch_types=[
        pltpu.VMEM((PPW,), jnp.float32),
        pltpu.VMEM((PPW,), jnp.float32),
        pltpu.VMEM((DEPTH, 4 * CH), jnp.int32),
        pltpu.VMEM((DEPTH, 4 * CH), jnp.float32),
        pltpu.VMEM((DEPTH, 4 * CH), jnp.float32),
        pltpu.VMEM((SLICE,), jnp.float32),
        pltpu.VMEM_SHARED((NPTS,), jnp.float32),
        pltpu.VMEM_SHARED((NPTS,), jnp.float32),
        pltpu.SemaphoreType.DMA,
    ],
)
def _sc_fields(z0_hbm, z1_hbm, zero_hbm, out_hbm,
               z0_v, z1_v, idx_v, vx_v, vy_v, buf_v, a0_sh, a1_sh, sem):
    c = lax.axis_index("c")
    s = lax.axis_index("s")
    wid = s * NC + c

    pltpu.sync_copy(zero_hbm, buf_v)
    pltpu.sync_copy(buf_v, a0_sh.at[pl.ds(s * SLICE, SLICE)])
    pltpu.sync_copy(buf_v, a1_sh.at[pl.ds(s * SLICE, SLICE)])
    plsc.subcore_barrier()

    pltpu.sync_copy(z0_hbm.at[pl.ds(wid * PPW, PPW)], z0_v)
    pltpu.sync_copy(z1_hbm.at[pl.ds(wid * PPW, PPW)], z1_v)

    def build_chunk(k, d):
        for j in range(CH // 16):
            off = k * CH + j * 16
            yf = z0_v[pl.ds(off, 16)] * float(IMG_N - 1)
            xf = z1_v[pl.ds(off, 16)] * float(IMG_N - 1)
            y = yf.astype(jnp.int32)
            x = xf.astype(jnp.int32)
            fx = x.astype(jnp.float32) - xf
            fy = y.astype(jnp.float32) - yf
            p = y * IMG_N + x
            one = jnp.float32(1.0)
            for g, (dp, wx, wy) in enumerate((
                    (0, -one - fx, -one - fy),
                    (1, fx, one + fy),
                    (IMG_N, one + fx, fy),
                    (IMG_N + 1, -fx, -fy),
            )):
                r = g * CH + j * 16
                idx_v[d, pl.ds(r, 16)] = p + dp
                vx_v[d, pl.ds(r, 16)] = wx
                vy_v[d, pl.ds(r, 16)] = wy

    def fire(d):
        h0 = pltpu.async_copy(vx_v.at[d], a0_sh.at[idx_v.at[d]], sem, add=True)
        h1 = pltpu.async_copy(vy_v.at[d], a1_sh.at[idx_v.at[d]], sem, add=True)
        return h0, h1

    def round_(kk, _):
        handles = []
        for d in range(DEPTH):
            build_chunk(kk * DEPTH + d, d)
            handles.append(fire(d))
        for h0, h1 in handles:
            h0.wait()
            h1.wait()
        return 0

    lax.fori_loop(0, NCHUNK // DEPTH, round_, 0)

    plsc.subcore_barrier()
    pltpu.sync_copy(a0_sh.at[pl.ds(s * SLICE, SLICE)], buf_v)
    pltpu.sync_copy(buf_v, out_hbm.at[c, 0, pl.ds(s * SLICE, SLICE)])
    pltpu.sync_copy(a1_sh.at[pl.ds(s * SLICE, SLICE)], buf_v)
    pltpu.sync_copy(buf_v, out_hbm.at[c, 1, pl.ds(s * SLICE, SLICE)])


def _tc_body(img_ref, a_ref, out_ref):
    blk = img_ref[...]
    s2 = blk[0, 0] + blk[0, 1] + blk[0, 2]
    a = a_ref[...]
    a0 = a[0, 0] + a[1, 0]
    a1 = a[0, 1] + a[1, 1]
    b = pl.program_id(0)
    p0 = jnp.sum(s2 * a0).reshape(1, 1)
    p1 = jnp.sum(s2 * a1).reshape(1, 1)
    out_ref[pl.ds(b, 1), :] = jnp.concatenate([p0, p1], axis=1)


_tc_contract = pl.pallas_call(
    _tc_body,
    grid=(8,),
    in_specs=[
        pl.BlockSpec((1, 3, IMG_N, IMG_N), lambda b: (b, 0, 0, 0)),
        pl.BlockSpec((2, 2, IMG_N, IMG_N), lambda b: (0, 0, 0, 0)),
    ],
    out_specs=pl.BlockSpec((8, 2), lambda b: (0, 0)),
    out_shape=jax.ShapeDtypeStruct((8, 2), jnp.float32),
)


def kernel(img, z):
    zeros_tile = jnp.zeros((SLICE,), jnp.float32)
    a2 = _sc_fields(z[:, 0], z[:, 1], zeros_tile)
    a4 = a2.reshape(2, 2, IMG_N, IMG_N)
    return _tc_contract(img, a4)

# --- scband reference (transcript-rebuilt; emitter-appended) ---
"""Pipeline reference for scband-fastbatchcolorimage-interp-net-76312978915400 (READ-ONLY COPY).

The authoritative reference and input builder live on the scoring server;
editing this copy changes nothing except your own understanding.
"""

import jax, jax.numpy as jnp
import numpy as np


def setup_inputs(seed: int = 0) -> dict:
    key = jax.random.key(seed)
    k1, k2 = jax.random.split(key)
    img = jax.random.normal(k1, (8, 3, 512, 512), dtype=jnp.float32)
    z = jax.random.uniform(k2, (262144, 2), dtype=jnp.float32)
    return {"img": img, "z": z}


def reference(img, z):
    b, nc, ny, nx = img.shape
    # x0 = z.clone().detach() scaled to pixel coordinates
    x0 = jax.lax.stop_gradient(
        jnp.stack([z[:, 0] * (ny - 1), z[:, 1] * (nx - 1)], axis=1)
    )
    locs = jnp.logical_or(
        jnp.logical_or(x0[:, 0] < 0.0, x0[:, 0] > ny - 1),
        jnp.logical_or(x0[:, 1] < 0.0, x0[:, 1] > nx - 1),
    )
    x0 = jnp.where(locs[:, None], 0.0, x0)
    y_grid = jnp.floor(x0[:, 0]).astype(jnp.int32)
    x_grid = jnp.floor(x0[:, 1]).astype(jnp.int32)
    # gathers: [b, nc, num_pts]
    a1 = img[:, :, y_grid + 1, x_grid] - img[:, :, y_grid, x_grid]
    a2 = img[:, :, y_grid + 1, x_grid + 1] - img[:, :, y_grid, x_grid + 1]
    a3 = img[:, :, y_grid, x_grid + 1] - img[:, :, y_grid, x_grid]
    fx = x_grid.astype(x0.dtype) - x0[:, 1]
    fy = y_grid.astype(x0.dtype) - x0[:, 0]
    term1 = jnp.stack([(a1 - a2) * fx, (a1 - a2) * fy], axis=2)  # [b, nc, 2, N]
    term2 = jnp.stack([a1, a3], axis=2)  # [b, nc, 2, N]
    grad_calc = term1 + term2
    grad_calc = jnp.where(locs[None, None, None, :], 0.0, grad_calc)
    return jnp.sum(grad_calc, axis=(1, 3))  # [b, 2]

if __name__ == "__main__":
    import jax
    _d = setup_inputs()
    print(jax.jit(kernel)(*tuple(_d.values())))

</pallas_src>

<mosaic_0001>
#map = affine_map<(d0, d1) -> (0)>
#map1 = affine_map<(d0, d1) -> (0, 0, 0)>
module attributes {stable_mosaic.version = 14 : i64} {
  func.func @_sc_fields(%arg0: i32, %arg1: i32, %arg2: memref<262144xf32, #tpu.memory_space<hbm>>, %arg3: memref<262144xf32, #tpu.memory_space<hbm>>, %arg4: memref<16384xf32, #tpu.memory_space<hbm>>, %arg5: memref<2x2x262144xf32, #tpu.memory_space<hbm>>, %arg6: memref<8192xf32, #tpu.memory_space<vmem>>, %arg7: memref<8192xf32, #tpu.memory_space<vmem>>, %arg8: memref<8x128xi32, #tpu.memory_space<vmem>>, %arg9: memref<8x128xf32, #tpu.memory_space<vmem>>, %arg10: memref<8x128xf32, #tpu.memory_space<vmem>>, %arg11: memref<16384xf32, #tpu.memory_space<vmem>>, %arg12: memref<262144xf32, #tpu.memory_space<vmem_shared>>, %arg13: memref<262144xf32, #tpu.memory_space<vmem_shared>>, %arg14: memref<!tpu.dma_semaphore, #tpu.memory_space<semaphore_mem>>) attributes {dimension_semantics = [#tpu.dimension_semantics<core_parallel>, #tpu.dimension_semantics<subcore_parallel>], iteration_bounds = array<i64: 2, 16>, scalar_prefetch = 0 : i64, scratch_operands = 9 : i64, tpu.core_type = #tpu.core_type<sc_vector_subcore>, window_params = [{transform_indices = #map}, {transform_indices = #map}, {transform_indices = #map}, {transform_indices = #map1}]} {
    %mul3A = arith.constant 2 : i32
    %mul3A_0 = arith.muli %arg1, %mul3A : i32
    %add3A = arith.addi %mul3A_0, %arg0 : i32
    "tpu.region"() ({
      %run_scoped3A_25 = tpu.sem_alloc : memref<!tpu.dma_semaphore, #tpu.memory_space<semaphore_mem>>
      tpu.enqueue_dma source(%arg4 : memref<16384xf32, #tpu.memory_space<hbm>>) target(%arg11 : memref<16384xf32, #tpu.memory_space<vmem>>) target_semaphore(%run_scoped3A_25 : memref<!tpu.dma_semaphore, #tpu.memory_space<semaphore_mem>>)
      tpu.wait_dma2 semaphore(%run_scoped3A_25 : memref<!tpu.dma_semaphore, #tpu.memory_space<semaphore_mem>>) src(%arg4 : memref<16384xf32, #tpu.memory_space<hbm>>) dst(%arg11 : memref<16384xf32, #tpu.memory_space<vmem>>)
      tpu.yield
    }) : () -> ()
    %mul3A_1 = arith.constant 16384 : i32
    %mul3A_2 = arith.muli %arg1, %mul3A_1 : i32
    "tpu.region"() ({
      %run_scoped3A_25 = tpu.sem_alloc : memref<!tpu.dma_semaphore, #tpu.memory_space<semaphore_mem>>
      %dma_start3A = tpu.memref_slice %arg12[%mul3A_2] : memref<262144xf32, #tpu.memory_space<vmem_shared>> -> memref<16384xf32, #tpu.memory_space<vmem_shared>>
      %dma_start3A_26 = tpu.memref_slice %arg12[%mul3A_2] : memref<262144xf32, #tpu.memory_space<vmem_shared>> -> memref<16384xf32, #tpu.memory_space<vmem_shared>>
      tpu.enqueue_dma source(%arg11 : memref<16384xf32, #tpu.memory_space<vmem>>) target(%dma_start3A_26 : memref<16384xf32, #tpu.memory_space<vmem_shared>>) target_semaphore(%run_scoped3A_25 : memref<!tpu.dma_semaphore, #tpu.memory_space<semaphore_mem>>)
      %dma_wait3A = tpu.memref_slice %arg12[%mul3A_2] : memref<262144xf32, #tpu.memory_space<vmem_shared>> -> memref<16384xf32, #tpu.memory_space<vmem_shared>>
      %dma_wait3A_27 = tpu.memref_slice %arg12[%mul3A_2] : memref<262144xf32, #tpu.memory_space<vmem_shared>> -> memref<16384xf32, #tpu.memory_space<vmem_shared>>
      tpu.wait_dma2 semaphore(%run_scoped3A_25 : memref<!tpu.dma_semaphore, #tpu.memory_space<semaphore_mem>>) src(%arg11 : memref<16384xf32, #tpu.memory_space<vmem>>) dst(%dma_wait3A_27 : memref<16384xf32, #tpu.memory_space<vmem_shared>>)
      tpu.yield
    }) : () -> ()
    %mul3A_3 = arith.constant 16384 : i32
    %mul3A_4 = arith.muli %arg1, %mul3A_3 : i32
    "tpu.region"() ({
      %run_scoped3A_25 = tpu.sem_alloc : memref<!tpu.dma_semaphore, #tpu.memory_space<semaphore_mem>>
      %dma_start3A = tpu.memref_slice %arg13[%mul3A_4] : memref<262144xf32, #tpu.memory_space<vmem_shared>> -> memref<16384xf32, #tpu.memory_space<vmem_shared>>
      %dma_start3A_26 = tpu.memref_slice %arg13[%mul3A_4] : memref<262144xf32, #tpu.memory_space<vmem_shared>> -> memref<16384xf32, #tpu.memory_space<vmem_shared>>
      tpu.enqueue_dma source(%arg11 : memref<16384xf32, #tpu.memory_space<vmem>>) target(%dma_start3A_26 : memref<16384xf32, #tpu.memory_space<vmem_shared>>) target_semaphore(%run_scoped3A_25 : memref<!tpu.dma_semaphore, #tpu.memory_space<semaphore_mem>>)
      %dma_wait3A = tpu.memref_slice %arg13[%mul3A_4] : memref<262144xf32, #tpu.memory_space<vmem_shared>> -> memref<16384xf32, #tpu.memory_space<vmem_shared>>
      %dma_wait3A_27 = tpu.memref_slice %arg13[%mul3A_4] : memref<262144xf32, #tpu.memory_space<vmem_shared>> -> memref<16384xf32, #tpu.memory_space<vmem_shared>>
      tpu.wait_dma2 semaphore(%run_scoped3A_25 : memref<!tpu.dma_semaphore, #tpu.memory_space<semaphore_mem>>) src(%arg11 : memref<16384xf32, #tpu.memory_space<vmem>>) dst(%dma_wait3A_27 : memref<16384xf32, #tpu.memory_space<vmem_shared>>)
      tpu.yield
    }) : () -> ()
    %barrier3A = arith.constant 0 : index
    tpu.barrier barrier_id(%barrier3A)
    %mul3A_5 = arith.constant 8192 : i32
    %mul3A_6 = arith.muli %add3A, %mul3A_5 : i32
    "tpu.region"() ({
      %run_scoped3A_25 = tpu.sem_alloc : memref<!tpu.dma_semaphore, #tpu.memory_space<semaphore_mem>>
      %dma_start3A = tpu.memref_slice %arg2[%mul3A_6] : memref<262144xf32, #tpu.memory_space<hbm>> -> memref<8192xf32, #tpu.memory_space<hbm>>
      %dma_start3A_26 = tpu.memref_slice %arg2[%mul3A_6] : memref<262144xf32, #tpu.memory_space<hbm>> -> memref<8192xf32, #tpu.memory_space<hbm>>
      tpu.enqueue_dma source(%dma_start3A_26 : memref<8192xf32, #tpu.memory_space<hbm>>) target(%arg6 : memref<8192xf32, #tpu.memory_space<vmem>>) target_semaphore(%run_scoped3A_25 : memref<!tpu.dma_semaphore, #tpu.memory_space<semaphore_mem>>)
      %dma_wait3A = tpu.memref_slice %arg2[%mul3A_6] : memref<262144xf32, #tpu.memory_space<hbm>> -> memref<8192xf32, #tpu.memory_space<hbm>>
      %dma_wait3A_27 = tpu.memref_slice %arg2[%mul3A_6] : memref<262144xf32, #tpu.memory_space<hbm>> -> memref<8192xf32, #tpu.memory_space<hbm>>
      tpu.wait_dma2 semaphore(%run_scoped3A_25 : memref<!tpu.dma_semaphore, #tpu.memory_space<semaphore_mem>>) src(%dma_wait3A_27 : memref<8192xf32, #tpu.memory_space<hbm>>) dst(%arg6 : memref<8192xf32, #tpu.memory_space<vmem>>)
      tpu.yield
    }) : () -> ()
    %mul3A_7 = arith.constant 8192 : i32
    %mul3A_8 = arith.muli %add3A, %mul3A_7 : i32
    "tpu.region"() ({
      %run_scoped3A_25 = tpu.sem_alloc : memref<!tpu.dma_semaphore, #tpu.memory_space<semaphore_mem>>
      %dma_start3A = tpu.memref_slice %arg3[%mul3A_8] : memref<262144xf32, #tpu.memory_space<hbm>> -> memref<8192xf32, #tpu.memory_space<hbm>>
      %dma_start3A_26 = tpu.memref_slice %arg3[%mul3A_8] : memref<262144xf32, #tpu.memory_space<hbm>> -> memref<8192xf32, #tpu.memory_space<hbm>>
      tpu.enqueue_dma source(%dma_start3A_26 : memref<8192xf32, #tpu.memory_space<hbm>>) target(%arg7 : memref<8192xf32, #tpu.memory_space<vmem>>) target_semaphore(%run_scoped3A_25 : memref<!tpu.dma_semaphore, #tpu.memory_space<semaphore_mem>>)
      %dma_wait3A = tpu.memref_slice %arg3[%mul3A_8] : memref<262144xf32, #tpu.memory_space<hbm>> -> memref<8192xf32, #tpu.memory_space<hbm>>
      %dma_wait3A_27 = tpu.memref_slice %arg3[%mul3A_8] : memref<262144xf32, #tpu.memory_space<hbm>> -> memref<8192xf32, #tpu.memory_space<hbm>>
      tpu.wait_dma2 semaphore(%run_scoped3A_25 : memref<!tpu.dma_semaphore, #tpu.memory_space<semaphore_mem>>) src(%dma_wait3A_27 : memref<8192xf32, #tpu.memory_space<hbm>>) dst(%arg7 : memref<8192xf32, #tpu.memory_space<vmem>>)
      tpu.yield
    }) : () -> ()
    %scan3A = arith.constant 0 : i32
    %scan3A_9 = arith.constant 0 : i32
    %scan3A_10 = arith.constant 32 : i32
    %scan3A_11 = arith.addi %scan3A_9, %scan3A_10 : i32
    %scan3A_12 = arith.constant 1 : i32
    %scan3A_13 = scf.for %scan3A_25 = %scan3A_9 to %scan3A_11 step %scan3A_12 iter_args(%scan3A_26 = %scan3A) -> (i32)  : i32 {
      %mul3A_27 = arith.constant 8 : i32
      %mul3A_28 = arith.muli %scan3A_25, %mul3A_27 : i32
      %add3A_29 = arith.constant 0 : i32
      %add3A_30 = arith.addi %mul3A_28, %add3A_29 : i32
      %mul3A_31 = arith.constant 32 : i32
      %mul3A_32 = arith.muli %add3A_30, %mul3A_31 : i32
      %add3A_33 = arith.constant 0 : i32
      %add3A_34 = arith.addi %mul3A_32, %add3A_33 : i32
      %get3A = arith.index_cast %add3A_34 : i32 to index
      %get3A_35 = tpu.vector_load %arg6[%get3A] {strides = array<i32>} : memref<8192xf32, #tpu.memory_space<vmem>>, vector<16xf32>,
      %get3A_36 = vector.shape_cast %get3A_35 : vector<16xf32> to vector<16xf32>
      %mul3A_37 = arith.constant 5.110000e+02 : f32
      %mul3A_38 = vector.broadcast %mul3A_37 : f32 to vector<16xf32>
      %mul3A_39 = arith.mulf %get3A_36, %mul3A_38 : vector<16xf32>
      %get3A_40 = arith.index_cast %add3A_34 : i32 to index
      %get3A_41 = tpu.vector_load %arg7[%get3A_40] {strides = array<i32>} : memref<8192xf32, #tpu.memory_space<vmem>>, vector<16xf32>,
      %get3A_42 = vector.shape_cast %get3A_41 : vector<16xf32> to vector<16xf32>
      %mul3A_43 = arith.constant 5.110000e+02 : f32
      %mul3A_44 = vector.broadcast %mul3A_43 : f32 to vector<16xf32>
      %mul3A_45 = arith.mulf %get3A_42, %mul3A_44 : vector<16xf32>
      %convert_element_type3A = arith.fptosi %mul3A_39 : vector<16xf32> to vector<16xi32>
      %convert_element_type3A_46 = arith.fptosi %mul3A_45 : vector<16xf32> to vector<16xi32>
      %convert_element_type3A_47 = arith.sitofp %convert_element_type3A_46 : vector<16xi32> to vector<16xf32>
      %sub3A = arith.subf %convert_element_type3A_47, %mul3A_45 : vector<16xf32>
      %convert_element_type3A_48 = arith.sitofp %convert_element_type3A : vector<16xi32> to vector<16xf32>
      %sub3A_49 = arith.subf %convert_element_type3A_48, %mul3A_39 : vector<16xf32>
      %mul3A_50 = arith.constant 512 : i32
      %mul3A_51 = vector.broadcast %mul3A_50 : i32 to vector<16xi32>
      %mul3A_52 = arith.muli %convert_element_type3A, %mul3A_51 : vector<16xi32>
      %add3A_53 = arith.addi %mul3A_52, %convert_element_type3A_46 : vector<16xi32>
      %neg3A = arith.constant 0.000000e+00 : f32
      %neg3A_54 = arith.constant 1.000000e+00 : f32
      %neg3A_55 = arith.subf %neg3A, %neg3A_54 : f32
      %sub3A_56 = vector.broadcast %neg3A_55 : f32 to vector<16xf32>
      %sub3A_57 = arith.subf %sub3A_56, %sub3A : vector<16xf32>
      %neg3A_58 = arith.constant 0.000000e+00 : f32
      %neg3A_59 = arith.constant 1.000000e+00 : f32
      %neg3A_60 = arith.subf %neg3A_58, %neg3A_59 : f32
      %sub3A_61 = vector.broadcast %neg3A_60 : f32 to vector<16xf32>
      %sub3A_62 = arith.subf %sub3A_61, %sub3A_49 : vector<16xf32>
      %add3A_63 = arith.constant 1.000000e+00 : f32
      %add3A_64 = vector.broadcast %add3A_63 : f32 to vector<16xf32>
      %add3A_65 = arith.addf %add3A_64, %sub3A_49 : vector<16xf32>
      %add3A_66 = arith.constant 1.000000e+00 : f32
      %add3A_67 = vector.broadcast %add3A_66 : f32 to vector<16xf32>
      %add3A_68 = arith.addf %add3A_67, %sub3A : vector<16xf32>
      %neg3A_69 = arith.constant 0.000000e+00 : f32
      %neg3A_70 = vector.broadcast %neg3A_69 : f32 to vector<16xf32>
      %neg3A_71 = arith.subf %neg3A_70, %sub3A : vector<16xf32>
      %neg3A_72 = arith.constant 0.000000e+00 : f32
      %neg3A_73 = vector.broadcast %neg3A_72 : f32 to vector<16xf32>
      %neg3A_74 = arith.subf %neg3A_73, %sub3A_49 : vector<16xf32>
      %add3A_75 = arith.constant 0 : i32
      %add3A_76 = vector.broadcast %add3A_75 : i32 to vector<16xi32>
      %add3A_77 = arith.addi %add3A_53, %add3A_76 : vector<16xi32>
      %swap3A = arith.constant 0 : i32
      %swap3A_78 = arith.index_cast %swap3A : i32 to index
      %swap3A_79 = arith.constant 0 : index
      %swap3A_80 = tpu.vector_load %arg8[%swap3A_78, %swap3A_79] {strides = array<i32>} : memref<8x128xi32, #tpu.memory_space<vmem>>, vector<1x16xi32>,
      %swap3A_81 = vector.shape_cast %swap3A_80 : vector<1x16xi32> to vector<16xi32>
      %swap3A_82 = vector.shape_cast %add3A_77 : vector<16xi32> to vector<1x16xi32>
      tpu.vector_store %arg8[%swap3A_78, %swap3A_79], %swap3A_82 {strides = array<i32>} : memref<8x128xi32, #tpu.memory_space<vmem>>, vector<1x16xi32>,
      %swap3A_83 = arith.constant 0 : i32
      %swap3A_84 = arith.index_cast %swap3A_83 : i32 to index
      %swap3A_85 = arith.constant 0 : index
      %swap3A_86 = tpu.vector_load %arg9[%swap3A_84, %swap3A_85] {strides = array<i32>} : memref<8x128xf32, #tpu.memory_space<vmem>>, vector<1x16xf32>,
      %swap3A_87 = vector.shape_cast %swap3A_86 : vector<1x16xf32> to vector<16xf32>
      %swap3A_88 = vector.shape_cast %sub3A_57 : vector<16xf32> to vector<1x16xf32>
      tpu.vector_store %arg9[%swap3A_84, %swap3A_85], %swap3A_88 {strides = array<i32>} : memref<8x128xf32, #tpu.memory_space<vmem>>, vector<1x16xf32>,
      %swap3A_89 = arith.constant 0 : i32
      %swap3A_90 = arith.index_cast %swap3A_89 : i32 to index
      %swap3A_91 = arith.constant 0 : index
      %swap3A_92 = tpu.vector_load %arg10[%swap3A_90, %swap3A_91] {strides = array<i32>} : memref<8x128xf32, #tpu.memory_space<vmem>>, vector<1x16xf32>,
      %swap3A_93 = vector.shape_cast %swap3A_92 : vector<1x16xf32> to vector<16xf32>
      %swap3A_94 = vector.shape_cast %sub3A_62 : vector<16xf32> to vector<1x16xf32>
      tpu.vector_store %arg10[%swap3A_90, %swap3A_91], %swap3A_94 {strides = array<i32>} : memref<8x128xf32, #tpu.memory_space<vmem>>, vector<1x16xf32>,
      %add3A_95 = arith.constant 1 : i32
      %add3A_96 = vector.broadcast %add3A_95 : i32 to vector<16xi32>
      %add3A_97 = arith.addi %add3A_53, %add3A_96 : vector<16xi32>
      %swap3A_98 = arith.constant 0 : i32
      %swap3A_99 = arith.index_cast %swap3A_98 : i32 to index
      %swap3A_100 = arith.constant 32 : index
      %swap3A_101 = tpu.vector_load %arg8[%swap3A_99, %swap3A_100] {strides = array<i32>} : memref<8x128xi32, #tpu.memory_space<vmem>>, vector<1x16xi32>,
      %swap3A_102 = vector.shape_cast %swap3A_101 : vector<1x16xi32> to vector<16xi32>
      %swap3A_103 = vector.shape_cast %add3A_97 : vector<16xi32> to vector<1x16xi32>
      tpu.vector_store %arg8[%swap3A_99, %swap3A_100], %swap3A_103 {strides = array<i32>} : memref<8x128xi32, #tpu.memory_space<vmem>>, vector<1x16xi32>,
      %swap3A_104 = arith.constant 0 : i32
      %swap3A_105 = arith.index_cast %swap3A_104 : i32 to index
      %swap3A_106 = arith.constant 32 : index
      %swap3A_107 = tpu.vector_load %arg9[%swap3A_105, %swap3A_106] {strides = array<i32>} : memref<8x128xf32, #tpu.memory_space<vmem>>, vector<1x16xf32>,
      %swap3A_108 = vector.shape_cast %swap3A_107 : vector<1x16xf32> to vector<16xf32>
      %swap3A_109 = vector.shape_cast %sub3A : vector<16xf32> to vector<1x16xf32>
      tpu.vector_store %arg9[%swap3A_105, %swap3A_106], %swap3A_109 {strides = array<i32>} : memref<8x128xf32, #tpu.memory_space<vmem>>, vector<1x16xf32>,
      %swap3A_110 = arith.constant 0 : i32
      %swap3A_111 = arith.index_cast %swap3A_110 : i32 to index
      %swap3A_112 = arith.constant 32 : index
      %swap3A_113 = tpu.vector_load %arg10[%swap3A_111, %swap3A_112] {strides = array<i32>} : memref<8x128xf32, #tpu.memory_space<vmem>>, vector<1x16xf32>,
      %swap3A_114 = vector.shape_cast %swap3A_113 : vector<1x16xf32> to vector<16xf32>
      %swap3A_115 = vector.shape_cast %add3A_65 : vector<16xf32> to vector<1x16xf32>
      tpu.vector_store %arg10[%swap3A_111, %swap3A_112], %swap3A_115 {strides = array<i32>} : memref<8x128xf32, #tpu.memory_space<vmem>>, vector<1x16xf32>,
      %add3A_116 = arith.constant 512 : i32
      %add3A_117 = vector.broadcast %add3A_116 : i32 to vector<16xi32>
      %add3A_118 = arith.addi %add3A_53, %add3A_117 : vector<16xi32>
      %swap3A_119 = arith.constant 0 : i32
      %swap3A_120 = arith.index_cast %swap3A_119 : i32 to index
      %swap3A_121 = arith.constant 64 : index
      %swap3A_122 = tpu.vector_load %arg8[%swap3A_120, %swap3A_121] {strides = array<i32>} : memref<8x128xi32, #tpu.memory_space<vmem>>, vector<1x16xi32>,
      %swap3A_123 = vector.shape_cast %swap3A_122 : vector<1x16xi32> to vector<16xi32>
      %swap3A_124 = vector.shape_cast %add3A_118 : vector<16xi32> to vector<1x16xi32>
      tpu.vector_store %arg8[%swap3A_120, %swap3A_121], %swap3A_124 {strides = array<i32>} : memref<8x128xi32, #tpu.memory_space<vmem>>, vector<1x16xi32>,
      %swap3A_125 = arith.constant 0 : i32
      %swap3A_126 = arith.index_cast %swap3A_125 : i32 to index
      %swap3A_127 = arith.constant 64 : index
      %swap3A_128 = tpu.vector_load %arg9[%swap3A_126, %swap3A_127] {strides = array<i32>} : memref<8x128xf32, #tpu.memory_space<vmem>>, vector<1x16xf32>,
      %swap3A_129 = vector.shape_cast %swap3A_128 : vector<1x16xf32> to vector<16xf32>
      %swap3A_130 = vector.shape_cast %add3A_68 : vector<16xf32> to vector<1x16xf32>
      tpu.vector_store %arg9[%swap3A_126, %swap3A_127], %swap3A_130 {strides = array<i32>} : memref<8x128xf32, #tpu.memory_space<vmem>>, vector<1x16xf32>,
      %swap3A_131 = arith.constant 0 : i32
      %swap3A_132 = arith.index_cast %swap3A_131 : i32 to index
      %swap3A_133 = arith.constant 64 : index
      %swap3A_134 = tpu.vector_load %arg10[%swap3A_132, %swap3A_133] {strides = array<i32>} : memref<8x128xf32, #tpu.memory_space<vmem>>, vector<1x16xf32>,
      %swap3A_135 = vector.shape_cast %swap3A_134 : vector<1x16xf32> to vector<16xf32>
      %swap3A_136 = vector.shape_cast %sub3A_49 : vector<16xf32> to vector<1x16xf32>
      tpu.vector_store %arg10[%swap3A_132, %swap3A_133], %swap3A_136 {strides = array<i32>} : memref<8x128xf32, #tpu.memory_space<vmem>>, vector<1x16xf32>,
      %add3A_137 = arith.constant 513 : i32
      %add3A_138 = vector.broadcast %add3A_137 : i32 to vector<16xi32>
      %add3A_139 = arith.addi %add3A_53, %add3A_138 : vector<16xi32>
      %swap3A_140 = arith.constant 0 : i32
      %swap3A_141 = arith.index_cast %swap3A_140 : i32 to index
      %swap3A_142 = arith.constant 96 : index
      %swap3A_143 = tpu.vector_load %arg8[%swap3A_141, %swap3A_142] {strides = array<i32>} : memref<8x128xi32, #tpu.memory_space<vmem>>, vector<1x16xi32>,
      %swap3A_144 = vector.shape_cast %swap3A_143 : vector<1x16xi32> to vector<16xi32>
      %swap3A_145 = vector.shape_cast %add3A_139 : vector<16xi32> to vector<1x16xi32>
      tpu.vector_store %arg8[%swap3A_141, %swap3A_142], %swap3A_145 {strides = array<i32>} : memref<8x128xi32, #tpu.memory_space<vmem>>, vector<1x16xi32>,
      %swap3A_146 = arith.constant 0 : i32
      %swap3A_147 = arith.index_cast %swap3A_146 : i32 to index
      %swap3A_148 = arith.constant 96 : index
      %swap3A_149 = tpu.vector_load %arg9[%swap3A_147, %swap3A_148] {strides = array<i32>} : memref<8x128xf32, #tpu.memory_space<vmem>>, vector<1x16xf32>,
      %swap3A_150 = vector.shape_cast %swap3A_149 : vector<1x16xf32> to vector<16xf32>
      %swap3A_151 = vector.shape_cast %neg3A_71 : vector<16xf32> to vector<1x16xf32>
      tpu.vector_store %arg9[%swap3A_147, %swap3A_148], %swap3A_151 {strides = array<i32>} : memref<8x128xf32, #tpu.memory_space<vmem>>, vector<1x16xf32>,
      %swap3A_152 = arith.constant 0 : i32
      %swap3A_153 = arith.index_cast %swap3A_152 : i32 to index
      %swap3A_154 = arith.constant 96 : index
      %swap3A_155 = tpu.vector_load %arg10[%swap3A_153, %swap3A_154] {strides = array<i32>} : memref<8x128xf32, #tpu.memory_space<vmem>>, vector<1x16xf32>,
      %swap3A_156 = vector.shape_cast %swap3A_155 : vector<1x16xf32> to vector<16xf32>
      %swap3A_157 = vector.shape_cast %neg3A_74 : vector<16xf32> to vector<1x16xf32>
      tpu.vector_store %arg10[%swap3A_153, %swap3A_154], %swap3A_157 {strides = array<i32>} : memref<8x128xf32, #tpu.memory_space<vmem>>, vector<1x16xf32>,
      %mul3A_158 = arith.constant 32 : i32
      %mul3A_159 = arith.muli %add3A_30, %mul3A_158 : i32
      %add3A_160 = arith.constant 16 : i32
      %add3A_161 = arith.addi %mul3A_159, %add3A_160 : i32
      %get3A_162 = arith.index_cast %add3A_161 : i32 to index
      %get3A_163 = tpu.vector_load %arg6[%get3A_162] {strides = array<i32>} : memref<8192xf32, #tpu.memory_space<vmem>>, vector<16xf32>,
      %get3A_164 = vector.shape_cast %get3A_163 : vector<16xf32> to vector<16xf32>
      %mul3A_165 = arith.constant 5.110000e+02 : f32
      %mul3A_166 = vector.broadcast %mul3A_165 : f32 to vector<16xf32>
      %mul3A_167 = arith.mulf %get3A_164, %mul3A_166 : vector<16xf32>
      %get3A_168 = arith.index_cast %add3A_161 : i32 to index
      %get3A_169 = tpu.vector_load %arg7[%get3A_168] {strides = array<i32>} : memref<8192xf32, #tpu.memory_space<vmem>>, vector<16xf32>,
      %get3A_170 = vector.shape_cast %get3A_169 : vector<16xf32> to vector<16xf32>
      %mul3A_171 = arith.constant 5.110000e+02 : f32
      %mul3A_172 = vector.broadcast %mul3A_171 : f32 to vector<16xf32>
      %mul3A_173 = arith.mulf %get3A_170, %mul3A_172 : vector<16xf32>
      %convert_element_type3A_174 = arith.fptosi %mul3A_167 : vector<16xf32> to vector<16xi32>
      %convert_element_type3A_175 = arith.fptosi %mul3A_173 : vector<16xf32> to vector<16xi32>
      %convert_element_type3A_176 = arith.sitofp %convert_element_type3A_175 : vector<16xi32> to vector<16xf32>
      %sub3A_177 = arith.subf %convert_element_type3A_176, %mul3A_173 : vector<16xf32>
      %convert_element_type3A_178 = arith.sitofp %convert_element_type3A_174 : vector<16xi32> to vector<16xf32>
      %sub3A_179 = arith.subf %convert_element_type3A_178, %mul3A_167 : vector<16xf32>
      %mul3A_180 = arith.constant 512 : i32
      %mul3A_181 = vector.broadcast %mul3A_180 : i32 to vector<16xi32>
      %mul3A_182 = arith.muli %convert_element_type3A_174, %mul3A_181 : vector<16xi32>
      %add3A_183 = arith.addi %mul3A_182, %convert_element_type3A_175 : vector<16xi32>
      %neg3A_184 = arith.constant 0.000000e+00 : f32
      %neg3A_185 = arith.constant 1.000000e+00 : f32
      %neg3A_186 = arith.subf %neg3A_184, %neg3A_185 : f32
      %sub3A_187 = vector.broadcast %neg3A_186 : f32 to vector<16xf32>
      %sub3A_188 = arith.subf %sub3A_187, %sub3A_177 : vector<16xf32>
      %neg3A_189 = arith.constant 0.000000e+00 : f32
      %neg3A_190 = arith.constant 1.000000e+00 : f32
      %neg3A_191 = arith.subf %neg3A_189, %neg3A_190 : f32
      %sub3A_192 = vector.broadcast %neg3A_191 : f32 to vector<16xf32>
      %sub3A_193 = arith.subf %sub3A_192, %sub3A_179 : vector<16xf32>
      %add3A_194 = arith.constant 1.000000e+00 : f32
      %add3A_195 = vector.broadcast %add3A_194 : f32 to vector<16xf32>
      %add3A_196 = arith.addf %add3A_195, %sub3A_179 : vector<16xf32>
      %add3A_197 = arith.constant 1.000000e+00 : f32
      %add3A_198 = vector.broadcast %add3A_197 : f32 to vector<16xf32>
      %add3A_199 = arith.addf %add3A_198, %sub3A_177 : vector<16xf32>
      %neg3A_200 = arith.constant 0.000000e+00 : f32
      %neg3A_201 = vector.broadcast %neg3A_200 : f32 to vector<16xf32>
      %neg3A_202 = arith.subf %neg3A_201, %sub3A_177 : vector<16xf32>
      %neg3A_203 = arith.constant 0.000000e+00 : f32
      %neg3A_204 = vector.broadcast %neg3A_203 : f32 to vector<16xf32>
      %neg3A_205 = arith.subf %neg3A_204, %sub3A_179 : vector<16xf32>
      %add3A_206 = arith.constant 0 : i32
      %add3A_207 = vector.broadcast %add3A_206 : i32 to vector<16xi32>
      %add3A_208 = arith.addi %add3A_183, %add3A_207 : vector<16xi32>
      %swap3A_209 = arith.constant 0 : i32
      %swap3A_210 = arith.index_cast %swap3A_209 : i32 to index
      %swap3A_211 = arith.constant 16 : index
      %swap3A_212 = tpu.vector_load %arg8[%swap3A_210, %swap3A_211] {strides = array<i32>} : memref<8x128xi32, #tpu.memory_space<vmem>>, vector<1x16xi32>,
      %swap3A_213 = vector.shape_cast %swap3A_212 : vector<1x16xi32> to vector<16xi32>
      %swap3A_214 = vector.shape_cast %add3A_208 : vector<16xi32> to vector<1x16xi32>
      tpu.vector_store %arg8[%swap3A_210, %swap3A_211], %swap3A_214 {strides = array<i32>} : memref<8x128xi32, #tpu.memory_space<vmem>>, vector<1x16xi32>,
      %swap3A_215 = arith.constant 0 : i32
      %swap3A_216 = arith.index_cast %swap3A_215 : i32 to index
      %swap3A_217 = arith.constant 16 : index
      %swap3A_218 = tpu.vector_load %arg9[%swap3A_216, %swap3A_217] {strides = array<i32>} : memref<8x128xf32, #tpu.memory_space<vmem>>, vector<1x16xf32>,
      %swap3A_219 = vector.shape_cast %swap3A_218 : vector<1x16xf32> to vector<16xf32>
      %swap3A_220 = vector.shape_cast %sub3A_188 : vector<16xf32> to vector<1x16xf32>
      tpu.vector_store %arg9[%swap3A_216, %swap3A_217], %swap3A_220 {strides = array<i32>} : memref<8x128xf32, #tpu.memory_space<vmem>>, vector<1x16xf32>,
      %swap3A_221 = arith.constant 0 : i32
      %swap3A_222 = arith.index_cast %swap3A_221 : i32 to index
      %swap3A_223 = arith.constant 16 : index
      %swap3A_224 = tpu.vector_load %arg10[%swap3A_222, %swap3A_223] {strides = array<i32>} : memref<8x128xf32, #tpu.memory_space<vmem>>, vector<1x16xf32>,
      %swap3A_225 = vector.shape_cast %swap3A_224 : vector<1x16xf32> to vector<16xf32>
      %swap3A_226 = vector.shape_cast %sub3A_193 : vector<16xf32> to vector<1x16xf32>
      tpu.vector_store %arg10[%swap3A_222, %swap3A_223], %swap3A_226 {strides = array<i32>} : memref<8x128xf32, #tpu.memory_space<vmem>>, vector<1x16xf32>,
      %add3A_227 = arith.constant 1 : i32
      %add3A_228 = vector.broadcast %add3A_227 : i32 to vector<16xi32>
      %add3A_229 = arith.addi %add3A_183, %add3A_228 : vector<16xi32>
      %swap3A_230 = arith.constant 0 : i32
      %swap3A_231 = arith.index_cast %swap3A_230 : i32 to index
      %swap3A_232 = arith.constant 48 : index
      %swap3A_233 = tpu.vector_load %arg8[%swap3A_231, %swap3A_232] {strides = array<i32>} : memref<8x128xi32, #tpu.memory_space<vmem>>, vector<1x16xi32>,
      %swap3A_234 = vector.shape_cast %swap3A_233 : vector<1x16xi32> to vector<16xi32>
      %swap3A_235 = vector.shape_cast %add3A_229 : vector<16xi32> to vector<1x16xi32>
      tpu.vector_store %arg8[%swap3A_231, %swap3A_232], %swap3A_235 {strides = array<i32>} : memref<8x128xi32, #tpu.memory_space<vmem>>, vector<1x16xi32>,
      %swap3A_236 = arith.constant 0 : i32
      %swap3A_237 = arith.index_cast %swap3A_236 : i32 to index
      %swap3A_238 = arith.constant 48 : index
      %swap3A_239 = tpu.vector_load %arg9[%swap3A_237, %swap3A_238] {strides = array<i32>} : memref<8x128xf32, #tpu.memory_space<vmem>>, vector<1x16xf32>,
      %swap3A_240 = vector.shape_cast %swap3A_239 : vector<1x16xf32> to vector<16xf32>
      %swap3A_241 = vector.shape_cast %sub3A_177 : vector<16xf32> to vector<1x16xf32>
      tpu.vector_store %arg9[%swap3A_237, %swap3A_238], %swap3A_241 {strides = array<i32>} : memref<8x128xf32, #tpu.memory_space<vmem>>, vector<1x16xf32>,
      %swap3A_242 = arith.constant 0 : i32
      %swap3A_243 = arith.index_cast %swap3A_242 : i32 to index
      %swap3A_244 = arith.constant 48 : index
      %swap3A_245 = tpu.vector_load %arg10[%swap3A_243, %swap3A_244] {strides = array<i32>} : memref<8x128xf32, #tpu.memory_space<vmem>>, vector<1x16xf32>,
      %swap3A_246 = vector.shape_cast %swap3A_245 : vector<1x16xf32> to vector<16xf32>
      %swap3A_247 = vector.shape_cast %add3A_196 : vector<16xf32> to vector<1x16xf32>
      tpu.vector_store %arg10[%swap3A_243, %swap3A_244], %swap3A_247 {strides = array<i32>} : memref<8x128xf32, #tpu.memory_space<vmem>>, vector<1x16xf32>,
      %add3A_248 = arith.constant 512 : i32
      %add3A_249 = vector.broadcast %add3A_248 : i32 to vector<16xi32>
      %add3A_250 = arith.addi %add3A_183, %add3A_249 : vector<16xi32>
      %swap3A_251 = arith.constant 0 : i32
      %swap3A_252 = arith.index_cast %swap3A_251 : i32 to index
      %swap3A_253 = arith.constant 80 : index
      %swap3A_254 = tpu.vector_load %arg8[%swap3A_252, %swap3A_253] {strides = array<i32>} : memref<8x128xi32, #tpu.memory_space<vmem>>, vector<1x16xi32>,
      %swap3A_255 = vector.shape_cast %swap3A_254 : vector<1x16xi32> to vector<16xi32>
      %swap3A_256 = vector.shape_cast %add3A_250 : vector<16xi32> to vector<1x16xi32>
      tpu.vector_store %arg8[%swap3A_252, %swap3A_253], %swap3A_256 {strides = array<i32>} : memref<8x128xi32, #tpu.memory_space<vmem>>, vector<1x16xi32>,
      %swap3A_257 = arith.constant 0 : i32
      %swap3A_258 = arith.index_cast %swap3A_257 : i32 to index
      %swap3A_259 = arith.constant 80 : index
      %swap3A_260 = tpu.vector_load %arg9[%swap3A_258, %swap3A_259] {strides = array<i32>} : memref<8x128xf32, #tpu.memory_space<vmem>>, vector<1x16xf32>,
      %swap3A_261 = vector.shape_cast %swap3A_260 : vector<1x16xf32> to vector<16xf32>
      %swap3A_262 = vector.shape_cast %add3A_199 : vector<16xf32> to vector<1x16xf32>
      tpu.vector_store %arg9[%swap3A_258, %swap3A_259], %swap3A_262 {strides = array<i32>} : memref<8x128xf32, #tpu.memory_space<vmem>>, vector<1x16xf32>,
      %swap3A_263 = arith.constant 0 : i32
      %swap3A_264 = arith.index_cast %swap3A_263 : i32 to index
      %swap3A_265 = arith.constant 80 : index
      %swap3A_266 = tpu.vector_load %arg10[%swap3A_264, %swap3A_265] {strides = array<i32>} : memref<8x128xf32, #tpu.memory_space<vmem>>, vector<1x16xf32>,
      %swap3A_267 = vector.shape_cast %swap3A_266 : vector<1x16xf32> to vector<16xf32>
      %swap3A_268 = vector.shape_cast %sub3A_179 : vector<16xf32> to vector<1x16xf32>
      tpu.vector_store %arg10[%swap3A_264, %swap3A_265], %swap3A_268 {strides = array<i32>} : memref<8x128xf32, #tpu.memory_space<vmem>>, vector<1x16xf32>,
      %add3A_269 = arith.constant 513 : i32
      %add3A_270 = vector.broadcast %add3A_269 : i32 to vector<16xi32>
      %add3A_271 = arith.addi %add3A_183, %add3A_270 : vector<16xi32>
      %swap3A_272 = arith.constant 0 : i32
      %swap3A_273 = arith.index_cast %swap3A_272 : i32 to index
      %swap3A_274 = arith.constant 112 : index
      %swap3A_275 = tpu.vector_load %arg8[%swap3A_273, %swap3A_274] {strides = array<i32>} : memref<8x128xi32, #tpu.memory_space<vmem>>, vector<1x16xi32>,
      %swap3A_276 = vector.shape_cast %swap3A_275 : vector<1x16xi32> to vector<16xi32>
      %swap3A_277 = vector.shape_cast %add3A_271 : vector<16xi32> to vector<1x16xi32>
      tpu.vector_store %arg8[%swap3A_273, %swap3A_274], %swap3A_277 {strides = array<i32>} : memref<8x128xi32, #tpu.memory_space<vmem>>, vector<1x16xi32>,
      %swap3A_278 = arith.constant 0 : i32
      %swap3A_279 = arith.index_cast %swap3A_278 : i32 to index
      %swap3A_280 = arith.constant 112 : index
      %swap3A_281 = tpu.vector_load %arg9[%swap3A_279, %swap3A_280] {strides = array<i32>} : memref<8x128xf32, #tpu.memory_space<vmem>>, vector<1x16xf32>,
      %swap3A_282 = vector.shape_cast %swap3A_281 : vector<1x16xf32> to vector<16xf32>
      %swap3A_283 = vector.shape_cast %neg3A_202 : vector<16xf32> to vector<1x16xf32>
      tpu.vector_store %arg9[%swap3A_279, %swap3A_280], %swap3A_283 {strides = array<i32>} : memref<8x128xf32, #tpu.memory_space<vmem>>, vector<1x16xf32>,
      %swap3A_284 = arith.constant 0 : i32
      %swap3A_285 = arith.index_cast %swap3A_284 : i32 to index
      %swap3A_286 = arith.constant 112 : index
      %swap3A_287 = tpu.vector_load %arg10[%swap3A_285, %swap3A_286] {strides = array<i32>} : memref<8x128xf32, #tpu.memory_space<vmem>>, vector<1x16xf32>,
      %swap3A_288 = vector.shape_cast %swap3A_287 : vector<1x16xf32> to vector<16xf32>
      %swap3A_289 = vector.shape_cast %neg3A_205 : vector<16xf32> to vector<1x16xf32>
      tpu.vector_store %arg10[%swap3A_285, %swap3A_286], %swap3A_289 {strides = array<i32>} : memref<8x128xf32, #tpu.memory_space<vmem>>, vector<1x16xf32>,
      %dma_start3A = arith.constant 0 : i32
      %dma_start3A_290 = arith.constant 0 : i32
      %dma_start3A_291 = arith.constant 0 : i32
      %dma_start3A_292 = tpu.memref_slice %arg9[%dma_start3A, %dma_start3A_291] : memref<8x128xf32, #tpu.memory_space<vmem>> -> memref<1x128xf32, #tpu.memory_space<vmem>>
      %dma_start3A_293 = tpu.memref_squeeze %dma_start3A_292 : memref<1x128xf32, #tpu.memory_space<vmem>> -> memref<128xf32, #tpu.memory_space<vmem>>
      %dma_start3A_294 = arith.constant 0 : i32
      %dma_start3A_295 = tpu.memref_slice %arg8[%dma_start3A_290, %dma_start3A_294] : memref<8x128xi32, #tpu.memory_space<vmem>> -> memref<1x128xi32, #tpu.memory_space<vmem>>
      %dma_start3A_296 = tpu.memref_squeeze %dma_start3A_295 : memref<1x128xi32, #tpu.memory_space<vmem>> -> memref<128xi32, #tpu.memory_space<vmem>>
      %dma_start3A_297 = arith.constant 0 : i32
      %dma_start3A_298 = tpu.memref_slice %arg12[%dma_start3A_297] : memref<262144xf32, #tpu.memory_space<vmem_shared>> -> memref<262144xf32, #tpu.memory_space<vmem_shared>>
      tpu.enqueue_indirect_dma source(%dma_start3A_293 : memref<128xf32, #tpu.memory_space<vmem>>) target(%dma_start3A_298 : memref<262144xf32, #tpu.memory_space<vmem_shared>>) offsets(%dma_start3A_296 : memref<128xi32, #tpu.memory_space<vmem>>) semaphore(%arg14 : memref<!tpu.dma_semaphore, #tpu.memory_space<semaphore_mem>>) {add = true}
      %dma_start3A_299 = arith.constant 0 : i32
      %dma_start3A_300 = arith.constant 0 : i32
      %dma_start3A_301 = arith.constant 0 : i32
      %dma_start3A_302 = tpu.memref_slice %arg10[%dma_start3A_299, %dma_start3A_301] : memref<8x128xf32, #tpu.memory_space<vmem>> -> memref<1x128xf32, #tpu.memory_space<vmem>>
      %dma_start3A_303 = tpu.memref_squeeze %dma_start3A_302 : memref<1x128xf32, #tpu.memory_space<vmem>> -> memref<128xf32, #tpu.memory_space<vmem>>
      %dma_start3A_304 = arith.constant 0 : i32
      %dma_start3A_305 = tpu.memref_slice %arg8[%dma_start3A_300, %dma_start3A_304] : memref<8x128xi32, #tpu.memory_space<vmem>> -> memref<1x128xi32, #tpu.memory_space<vmem>>
      %dma_start3A_306 = tpu.memref_squeeze %dma_start3A_305 : memref<1x128xi32, #tpu.memory_space<vmem>> -> memref<128xi32, #tpu.memory_space<vmem>>
      %dma_start3A_307 = arith.constant 0 : i32
      %dma_start3A_308 = tpu.memref_slice %arg13[%dma_start3A_307] : memref<262144xf32, #tpu.memory_space<vmem_shared>> -> memref<262144xf32, #tpu.memory_space<vmem_shared>>
      tpu.enqueue_indirect_dma source(%dma_start3A_303 : memref<128xf32, #tpu.memory_space<vmem>>) target(%dma_start3A_308 : memref<262144xf32, #tpu.memory_space<vmem_shared>>) offsets(%dma_start3A_306 : memref<128xi32, #tpu.memory_space<vmem>>) semaphore(%arg14 : memref<!tpu.dma_semaphore, #tpu.memory_space<semaphore_mem>>) {add = true}
      %mul3A_309 = arith.constant 8 : i32
      %mul3A_310 = arith.muli %scan3A_25, %mul3A_309 : i32
      %add3A_311 = arith.constant 1 : i32
      %add3A_312 = arith.addi %mul3A_310, %add3A_311 : i32
      %mul3A_313 = arith.constant 32 : i32
      %mul3A_314 = arith.muli %add3A_312, %mul3A_313 : i32
      %add3A_315 = arith.constant 0 : i32
      %add3A_316 = arith.addi %mul3A_314, %add3A_315 : i32
      %get3A_317 = arith.index_cast %add3A_316 : i32 to index
      %get3A_318 = tpu.vector_load %arg6[%get3A_317] {strides = array<i32>} : memref<8192xf32, #tpu.memory_space<vmem>>, vector<16xf32>,
      %get3A_319 = vector.shape_cast %get3A_318 : vector<16xf32> to vector<16xf32>
      %mul3A_320 = arith.constant 5.110000e+02 : f32
      %mul3A_321 = vector.broadcast %mul3A_320 : f32 to vector<16xf32>
      %mul3A_322 = arith.mulf %get3A_319, %mul3A_321 : vector<16xf32>
      %get3A_323 = arith.index_cast %add3A_316 : i32 to index
      %get3A_324 = tpu.vector_load %arg7[%get3A_323] {strides = array<i32>} : memref<8192xf32, #tpu.memory_space<vmem>>, vector<16xf32>,
      %get3A_325 = vector.shape_cast %get3A_324 : vector<16xf32> to vector<16xf32>
      %mul3A_326 = arith.constant 5.110000e+02 : f32
      %mul3A_327 = vector.broadcast %mul3A_326 : f32 to vector<16xf32>
      %mul3A_328 = arith.mulf %get3A_325, %mul3A_327 : vector<16xf32>
      %convert_element_type3A_329 = arith.fptosi %mul3A_322 : vector<16xf32> to vector<16xi32>
      %convert_element_type3A_330 = arith.fptosi %mul3A_328 : vector<16xf32> to vector<16xi32>
      %convert_element_type3A_331 = arith.sitofp %convert_element_type3A_330 : vector<16xi32> to vector<16xf32>
      %sub3A_332 = arith.subf %convert_element_type3A_331, %mul3A_328 : vector<16xf32>
      %convert_element_type3A_333 = arith.sitofp %convert_element_type3A_329 : vector<16xi32> to vector<16xf32>
      %sub3A_334 = arith.subf %convert_element_type3A_333, %mul3A_322 : vector<16xf32>
      %mul3A_335 = arith.constant 512 : i32
      %mul3A_336 = vector.broadcast %mul3A_335 : i32 to vector<16xi32>
      %mul3A_337 = arith.muli %convert_element_type3A_329, %mul3A_336 : vector<16xi32>
      %add3A_338 = arith.addi %mul3A_337, %convert_element_type3A_330 : vector<16xi32>
      %neg3A_339 = arith.constant 0.000000e+00 : f32
      %neg3A_340 = arith.constant 1.000000e+00 : f32
      %neg3A_341 = arith.subf %neg3A_339, %neg3A_340 : f32
      %sub3A_342 = vector.broadcast %neg3A_341 : f32 to vector<16xf32>
      %sub3A_343 = arith.subf %sub3A_342, %sub3A_332 : vector<16xf32>
      %neg3A_344 = arith.constant 0.000000e+00 : f32
      %neg3A_345 = arith.constant 1.000000e+00 : f32
      %neg3A_346 = arith.subf %neg3A_344, %neg3A_345 : f32
      %sub3A_347 = vector.broadcast %neg3A_346 : f32 to vector<16xf32>
      %sub3A_348 = arith.subf %sub3A_347, %sub3A_334 : vector<16xf32>
      %add3A_349 = arith.constant 1.000000e+00 : f32
      %add3A_350 = vector.broadcast %add3A_349 : f32 to vector<16xf32>
      %add3A_351 = arith.addf %add3A_350, %sub3A_334 : vector<16xf32>
      %add3A_352 = arith.constant 1.000000e+00 : f32
      %add3A_353 = vector.broadcast %add3A_352 : f32 to vector<16xf32>
      %add3A_354 = arith.addf %add3A_353, %sub3A_332 : vector<16xf32>
      %neg3A_355 = arith.constant 0.000000e+00 : f32
      %neg3A_356 = vector.broadcast %neg3A_355 : f32 to vector<16xf32>
      %neg3A_357 = arith.subf %neg3A_356, %sub3A_332 : vector<16xf32>
      %neg3A_358 = arith.constant 0.000000e+00 : f32
      %neg3A_359 = vector.broadcast %neg3A_358 : f32 to vector<16xf32>
      %neg3A_360 = arith.subf %neg3A_359, %sub3A_334 : vector<16xf32>
      %add3A_361 = arith.constant 0 : i32
      %add3A_362 = vector.broadcast %add3A_361 : i32 to vector<16xi32>
      %add3A_363 = arith.addi %add3A_338, %add3A_362 : vector<16xi32>
      %swap3A_364 = arith.constant 1 : i32
      %swap3A_365 = arith.index_cast %swap3A_364 : i32 to index
      %swap3A_366 = arith.constant 0 : index
      %swap3A_367 = tpu.vector_load %arg8[%swap3A_365, %swap3A_366] {strides = array<i32>} : memref<8x128xi32, #tpu.memory_space<vmem>>, vector<1x16xi32>,
      %swap3A_368 = vector.shape_cast %swap3A_367 : vector<1x16xi32> to vector<16xi32>
      %swap3A_369 = vector.shape_cast %add3A_363 : vector<16xi32> to vector<1x16xi32>
      tpu.vector_store %arg8[%swap3A_365, %swap3A_366], %swap3A_369 {strides = array<i32>} : memref<8x128xi32, #tpu.memory_space<vmem>>, vector<1x16xi32>,
      %swap3A_370 = arith.constant 1 : i32
      %swap3A_371 = arith.index_cast %swap3A_370 : i32 to index
      %swap3A_372 = arith.constant 0 : index
      %swap3A_373 = tpu.vector_load %arg9[%swap3A_371, %swap3A_372] {strides = array<i32>} : memref<8x128xf32, #tpu.memory_space<vmem>>, vector<1x16xf32>,
      %swap3A_374 = vector.shape_cast %swap3A_373 : vector<1x16xf32> to vector<16xf32>
      %swap3A_375 = vector.shape_cast %sub3A_343 : vector<16xf32> to vector<1x16xf32>
      tpu.vector_store %arg9[%swap3A_371, %swap3A_372], %swap3A_375 {strides = array<i32>} : memref<8x128xf32, #tpu.memory_space<vmem>>, vector<1x16xf32>,
      %swap3A_376 = arith.constant 1 : i32
      %swap3A_377 = arith.index_cast %swap3A_376 : i32 to index
      %swap3A_378 = arith.constant 0 : index
      %swap3A_379 = tpu.vector_load %arg10[%swap3A_377, %swap3A_378] {strides = array<i32>} : memref<8x128xf32, #tpu.memory_space<vmem>>, vector<1x16xf32>,
      %swap3A_380 = vector.shape_cast %swap3A_379 : vector<1x16xf32> to vector<16xf32>
      %swap3A_381 = vector.shape_cast %sub3A_348 : vector<16xf32> to vector<1x16xf32>
      tpu.vector_store %arg10[%swap3A_377, %swap3A_378], %swap3A_381 {strides = array<i32>} : memref<8x128xf32, #tpu.memory_space<vmem>>, vector<1x16xf32>,
      %add3A_382 = arith.constant 1 : i32
      %add3A_383 = vector.broadcast %add3A_382 : i32 to vector<16xi32>
      %add3A_384 = arith.addi %add3A_338, %add3A_383 : vector<16xi32>
      %swap3A_385 = arith.constant 1 : i32
      %swap3A_386 = arith.index_cast %swap3A_385 : i32 to index
      %swap3A_387 = arith.constant 32 : index
      %swap3A_388 = tpu.vector_load %arg8[%swap3A_386, %swap3A_387] {strides = array<i32>} : memref<8x128xi32, #tpu.memory_space<vmem>>, vector<1x16xi32>,
      %swap3A_389 = vector.shape_cast %swap3A_388 : vector<1x16xi32> to vector<16xi32>
      %swap3A_390 = vector.shape_cast %add3A_384 : vector<16xi32> to vector<1x16xi32>
      tpu.vector_store %arg8[%swap3A_386, %swap3A_387], %swap3A_390 {strides = array<i32>} : memref<8x128xi32, #tpu.memory_space<vmem>>, vector<1x16xi32>,
      %swap3A_391 = arith.constant 1 : i32
      %swap3A_392 = arith.index_cast %swap3A_391 : i32 to index
      %swap3A_393 = arith.constant 32 : index
      %swap3A_394 = tpu.vector_load %arg9[%swap3A_392, %swap3A_393] {strides = array<i32>} : memref<8x128xf32, #tpu.memory_space<vmem>>, vector<1x16xf32>,
      %swap3A_395 = vector.shape_cast %swap3A_394 : vector<1x16xf32> to vector<16xf32>
      %swap3A_396 = vector.shape_cast %sub3A_332 : vector<16xf32> to vector<1x16xf32>
      tpu.vector_store %arg9[%swap3A_392, %swap3A_393], %swap3A_396 {strides = array<i32>} : memref<8x128xf32, #tpu.memory_space<vmem>>, vector<1x16xf32>,
      %swap3A_397 = arith.constant 1 : i32
      %swap3A_398 = arith.index_cast %swap3A_397 : i32 to index
      %swap3A_399 = arith.constant 32 : index
      %swap3A_400 = tpu.vector_load %arg10[%swap3A_398, %swap3A_399] {strides = array<i32>} : memref<8x128xf32, #tpu.memory_space<vmem>>, vector<1x16xf32>,
      %swap3A_401 = vector.shape_cast %swap3A_400 : vector<1x16xf32> to vector<16xf32>
      %swap3A_402 = vector.shape_cast %add3A_351 : vector<16xf32> to vector<1x16xf32>
      tpu.vector_store %arg10[%swap3A_398, %swap3A_399], %swap3A_402 {strides = array<i32>} : memref<8x128xf32, #tpu.memory_space<vmem>>, vector<1x16xf32>,
      %add3A_403 = arith.constant 512 : i32
      %add3A_404 = vector.broadcast %add3A_403 : i32 to vector<16xi32>
      %add3A_405 = arith.addi %add3A_338, %add3A_404 : vector<16xi32>
      %swap3A_406 = arith.constant 1 : i32
      %swap3A_407 = arith.index_cast %swap3A_406 : i32 to index
      %swap3A_408 = arith.constant 64 : index
      %swap3A_409 = tpu.vector_load %arg8[%swap3A_407, %swap3A_408] {strides = array<i32>} : memref<8x128xi32, #tpu.memory_space<vmem>>, vector<1x16xi32>,
      %swap3A_410 = vector.shape_cast %swap3A_409 : vector<1x16xi32> to vector<16xi32>
      %swap3A_411 = vector.shape_cast %add3A_405 : vector<16xi32> to vector<1x16xi32>
      tpu.vector_store %arg8[%swap3A_407, %swap3A_408], %swap3A_411 {strides = array<i32>} : memref<8x128xi32, #tpu.memory_space<vmem>>, vector<1x16xi32>,
      %swap3A_412 = arith.constant 1 : i32
      %swap3A_413 = arith.index_cast %swap3A_412 : i32 to index
      %swap3A_414 = arith.constant 64 : index
      %swap3A_415 = tpu.vector_load %arg9[%swap3A_413, %swap3A_414] {strides = array<i32>} : memref<8x128xf32, #tpu.memory_space<vmem>>, vector<1x16xf32>,
      %swap3A_416 = vector.shape_cast %swap3A_415 : vector<1x16xf32> to vector<16xf32>
      %swap3A_417 = vector.shape_cast %add3A_354 : vector<16xf32> to vector<1x16xf32>
      tpu.vector_store %arg9[%swap3A_413, %swap3A_414], %swap3A_417 {strides = array<i32>} : memref<8x128xf32, #tpu.memory_space<vmem>>, vector<1x16xf32>,
      %swap3A_418 = arith.constant 1 : i32
      %swap3A_419 = arith.index_cast %swap3A_418 : i32 to index
      %swap3A_420 = arith.constant 64 : index
      %swap3A_421 = tpu.vector_load %arg10[%swap3A_419, %swap3A_420] {strides = array<i32>} : memref<8x128xf32, #tpu.memory_space<vmem>>, vector<1x16xf32>,
      %swap3A_422 = vector.shape_cast %swap3A_421 : vector<1x16xf32> to vector<16xf32>
      %swap3A_423 = vector.shape_cast %sub3A_334 : vector<16xf32> to vector<1x16xf32>
      tpu.vector_store %arg10[%swap3A_419, %swap3A_420], %swap3A_423 {strides = array<i32>} : memref<8x128xf32, #tpu.memory_space<vmem>>, vector<1x16xf32>,
      %add3A_424 = arith.constant 513 : i32
      %add3A_425 = vector.broadcast %add3A_424 : i32 to vector<16xi32>
      %add3A_426 = arith.addi %add3A_338, %add3A_425 : vector<16xi32>
      %swap3A_427 = arith.constant 1 : i32
      %swap3A_428 = arith.index_cast %swap3A_427 : i32 to index
      %swap3A_429 = arith.constant 96 : index
      %swap3A_430 = tpu.vector_load %arg8[%swap3A_428, %swap3A_429] {strides = array<i32>} : memref<8x128xi32, #tpu.memory_space<vmem>>, vector<1x16xi32>,
      %swap3A_431 = vector.shape_cast %swap3A_430 : vector<1x16xi32> to vector<16xi32>
      %swap3A_432 = vector.shape_cast %add3A_426 : vector<16xi32> to vector<1x16xi32>
      tpu.vector_store %arg8[%swap3A_428, %swap3A_429], %swap3A_432 {strides = array<i32>} : memref<8x128xi32, #tpu.memory_space<vmem>>, vector<1x16xi32>,
      %swap3A_433 = arith.constant 1 : i32
      %swap3A_434 = arith.index_cast %swap3A_433 : i32 to index
      %swap3A_435 = arith.constant 96 : index
      %swap3A_436 = tpu.vector_load %arg9[%swap3A_434, %swap3A_435] {strides = array<i32>} : memref<8x128xf32, #tpu.memory_space<vmem>>, vector<1x16xf32>,
      %swap3A_437 = vector.shape_cast %swap3A_436 : vector<1x16xf32> to vector<16xf32>
      %swap3A_438 = vector.shape_cast %neg3A_357 : vector<16xf32> to vector<1x16xf32>
      tpu.vector_store %arg9[%swap3A_434, %swap3A_435], %swap3A_438 {strides = array<i32>} : memref<8x128xf32, #tpu.memory_space<vmem>>, vector<1x16xf32>,
      %swap3A_439 = arith.constant 1 : i32
      %swap3A_440 = arith.index_cast %swap3A_439 : i32 to index
      %swap3A_441 = arith.constant 96 : index
      %swap3A_442 = tpu.vector_load %arg10[%swap3A_440, %swap3A_441] {strides = array<i32>} : memref<8x128xf32, #tpu.memory_space<vmem>>, vector<1x16xf32>,
      %swap3A_443 = vector.shape_cast %swap3A_442 : vector<1x16xf32> to vector<16xf32>
      %swap3A_444 = vector.shape_cast %neg3A_360 : vector<16xf32> to vector<1x16xf32>
      tpu.vector_store %arg10[%swap3A_440, %swap3A_441], %swap3A_444 {strides = array<i32>} : memref<8x128xf32, #tpu.memory_space<vmem>>, vector<1x16xf32>,
      %mul3A_445 = arith.constant 32 : i32
      %mul3A_446 = arith.muli %add3A_312, %mul3A_445 : i32
      %add3A_447 = arith.constant 16 : i32
      %add3A_448 = arith.addi %mul3A_446, %add3A_447 : i32
      %get3A_449 = arith.index_cast %add3A_448 : i32 to index
      %get3A_450 = tpu.vector_load %arg6[%get3A_449] {strides = array<i32>} : memref<8192xf32, #tpu.memory_space<vmem>>, vector<16xf32>,
      %get3A_451 = vector.shape_cast %get3A_450 : vector<16xf32> to vector<16xf32>
      %mul3A_452 = arith.constant 5.110000e+02 : f32
      %mul3A_453 = vector.broadcast %mul3A_452 : f32 to vector<16xf32>
      %mul3A_454 = arith.mulf %get3A_451, %mul3A_453 : vector<16xf32>
      %get3A_455 = arith.index_cast %add3A_448 : i32 to index
      %get3A_456 = tpu.vector_load %arg7[%get3A_455] {strides = array<i32>} : memref<8192xf32, #tpu.memory_space<vmem>>, vector<16xf32>,
      %get3A_457 = vector.shape_cast %get3A_456 : vector<16xf32> to vector<16xf32>
      %mul3A_458 = arith.constant 5.110000e+02 : f32
      %mul3A_459 = vector.broadcast %mul3A_458 : f32 to vector<16xf32>
      %mul3A_460 = arith.mulf %get3A_457, %mul3A_459 : vector<16xf32>
      %convert_element_type3A_461 = arith.fptosi %mul3A_454 : vector<16xf32> to vector<16xi32>
      %convert_element_type3A_462 = arith.fptosi %mul3A_460 : vector<16xf32> to vector<16xi32>
      %convert_element_type3A_463 = arith.sitofp %convert_element_type3A_462 : vector<16xi32> to vector<16xf32>
      %sub3A_464 = arith.subf %convert_element_type3A_463, %mul3A_460 : vector<16xf32>
      %convert_element_type3A_465 = arith.sitofp %convert_element_type3A_461 : vector<16xi32> to vector<16xf32>
      %sub3A_466 = arith.subf %convert_element_type3A_465, %mul3A_454 : vector<16xf32>
      %mul3A_467 = arith.constant 512 : i32
      %mul3A_468 = vector.broadcast %mul3A_467 : i32 to vector<16xi32>
      %mul3A_469 = arith.muli %convert_element_type3A_461, %mul3A_468 : vector<16xi32>
      %add3A_470 = arith.addi %mul3A_469, %convert_element_type3A_462 : vector<16xi32>
      %neg3A_471 = arith.constant 0.000000e+00 : f32
      %neg3A_472 = arith.constant 1.000000e+00 : f32
      %neg3A_473 = arith.subf %neg3A_471, %neg3A_472 : f32
      %sub3A_474 = vector.broadcast %neg3A_473 : f32 to vector<16xf32>
      %sub3A_475 = arith.subf %sub3A_474, %sub3A_464 : vector<16xf32>
      %neg3A_476 = arith.constant 0.000000e+00 : f32
      %neg3A_477 = arith.constant 1.000000e+00 : f32
      %neg3A_478 = arith.subf %neg3A_476, %neg3A_477 : f32
      %sub3A_479 = vector.broadcast %neg3A_478 : f32 to vector<16xf32>
      %sub3A_480 = arith.subf %sub3A_479, %sub3A_466 : vector<16xf32>
      %add3A_481 = arith.constant 1.000000e+00 : f32
      %add3A_482 = vector.broadcast %add3A_481 : f32 to vector<16xf32>
      %add3A_483 = arith.addf %add3A_482, %sub3A_466 : vector<16xf32>
      %add3A_484 = arith.constant 1.000000e+00 : f32
      %add3A_485 = vector.broadcast %add3A_484 : f32 to vector<16xf32>
      %add3A_486 = arith.addf %add3A_485, %sub3A_464 : vector<16xf32>
      %neg3A_487 = arith.constant 0.000000e+00 : f32
      %neg3A_488 = vector.broadcast %neg3A_487 : f32 to vector<16xf32>
      %neg3A_489 = arith.subf %neg3A_488, %sub3A_464 : vector<16xf32>
      %neg3A_490 = arith.constant 0.000000e+00 : f32
      %neg3A_491 = vector.broadcast %neg3A_490 : f32 to vector<16xf32>
      %neg3A_492 = arith.subf %neg3A_491, %sub3A_466 : vector<16xf32>
      %add3A_493 = arith.constant 0 : i32
      %add3A_494 = vector.broadcast %add3A_493 : i32 to vector<16xi32>
      %add3A_495 = arith.addi %add3A_470, %add3A_494 : vector<16xi32>
      %swap3A_496 = arith.constant 1 : i32
      %swap3A_497 = arith.index_cast %swap3A_496 : i32 to index
      %swap3A_498 = arith.constant 16 : index
      %swap3A_499 = tpu.vector_load %arg8[%swap3A_497, %swap3A_498] {strides = array<i32>} : memref<8x128xi32, #tpu.memory_space<vmem>>, vector<1x16xi32>,
      %swap3A_500 = vector.shape_cast %swap3A_499 : vector<1x16xi32> to vector<16xi32>
      %swap3A_501 = vector.shape_cast %add3A_495 : vector<16xi32> to vector<1x16xi32>
      tpu.vector_store %arg8[%swap3A_497, %swap3A_498], %swap3A_501 {strides = array<i32>} : memref<8x128xi32, #tpu.memory_space<vmem>>, vector<1x16xi32>,
      %swap3A_502 = arith.constant 1 : i32
      %swap3A_503 = arith.index_cast %swap3A_502 : i32 to index
      %swap3A_504 = arith.constant 16 : index
      %swap3A_505 = tpu.vector_load %arg9[%swap3A_503, %swap3A_504] {strides = array<i32>} : memref<8x128xf32, #tpu.memory_space<vmem>>, vector<1x16xf32>,
      %swap3A_506 = vector.shape_cast %swap3A_505 : vector<1x16xf32> to vector<16xf32>
      %swap3A_507 = vector.shape_cast %sub3A_475 : vector<16xf32> to vector<1x16xf32>
      tpu.vector_store %arg9[%swap3A_503, %swap3A_504], %swap3A_507 {strides = array<i32>} : memref<8x128xf32, #tpu.memory_space<vmem>>, vector<1x16xf32>,
      %swap3A_508 = arith.constant 1 : i32
      %swap3A_509 = arith.index_cast %swap3A_508 : i32 to index
      %swap3A_510 = arith.constant 16 : index
      %swap3A_511 = tpu.vector_load %arg10[%swap3A_509, %swap3A_510] {strides = array<i32>} : memref<8x128xf32, #tpu.memory_space<vmem>>, vector<1x16xf32>,
      %swap3A_512 = vector.shape_cast %swap3A_511 : vector<1x16xf32> to vector<16xf32>
      %swap3A_513 = vector.shape_cast %sub3A_480 : vector<16xf32> to vector<1x16xf32>
      tpu.vector_store %arg10[%swap3A_509, %swap3A_510], %swap3A_513 {strides = array<i32>} : memref<8x128xf32, #tpu.memory_space<vmem>>, vector<1x16xf32>,
      %add3A_514 = arith.constant 1 : i32
      %add3A_515 = vector.broadcast %add3A_514 : i32 to vector<16xi32>
      %add3A_516 = arith.addi %add3A_470, %add3A_515 : vector<16xi32>
      %swap3A_517 = arith.constant 1 : i32
      %swap3A_518 = arith.index_cast %swap3A_517 : i32 to index
      %swap3A_519 = arith.constant 48 : index
      %swap3A_520 = tpu.vector_load %arg8[%swap3A_518, %swap3A_519] {strides = array<i32>} : memref<8x128xi32, #tpu.memory_space<vmem>>, vector<1x16xi32>,
      %swap3A_521 = vector.shape_cast %swap3A_520 : vector<1x16xi32> to vector<16xi32>
      %swap3A_522 = vector.shape_cast %add3A_516 : vector<16xi32> to vector<1x16xi32>
      tpu.vector_store %arg8[%swap3A_518, %swap3A_519], %swap3A_522 {strides = array<i32>} : memref<8x128xi32, #tpu.memory_space<vmem>>, vector<1x16xi32>,
      %swap3A_523 = arith.constant 1 : i32
      %swap3A_524 = arith.index_cast %swap3A_523 : i32 to index
      %swap3A_525 = arith.constant 48 : index
      %swap3A_526 = tpu.vector_load %arg9[%swap3A_524, %swap3A_525] {strides = array<i32>} : memref<8x128xf32, #tpu.memory_space<vmem>>, vector<1x16xf32>,
      %swap3A_527 = vector.shape_cast %swap3A_526 : vector<1x16xf32> to vector<16xf32>
      %swap3A_528 = vector.shape_cast %sub3A_464 : vector<16xf32> to vector<1x16xf32>
      tpu.vector_store %arg9[%swap3A_524, %swap3A_525], %swap3A_528 {strides = array<i32>} : memref<8x128xf32, #tpu.memory_space<vmem>>, vector<1x16xf32>,
      %swap3A_529 = arith.constant 1 : i32
      %swap3A_530 = arith.index_cast %swap3A_529 : i32 to index
      %swap3A_531 = arith.constant 48 : index
      %swap3A_532 = tpu.vector_load %arg10[%swap3A_530, %swap3A_531] {strides = array<i32>} : memref<8x128xf32, #tpu.memory_space<vmem>>, vector<1x16xf32>,
      %swap3A_533 = vector.shape_cast %swap3A_532 : vector<1x16xf32> to vector<16xf32>
      %swap3A_534 = vector.shape_cast %add3A_483 : vector<16xf32> to vector<1x16xf32>
      tpu.vector_store %arg10[%swap3A_530, %swap3A_531], %swap3A_534 {strides = array<i32>} : memref<8x128xf32, #tpu.memory_space<vmem>>, vector<1x16xf32>,
      %add3A_535 = arith.constant 512 : i32
      %add3A_536 = vector.broadcast %add3A_535 : i32 to vector<16xi32>
      %add3A_537 = arith.addi %add3A_470, %add3A_536 : vector<16xi32>
      %swap3A_538 = arith.constant 1 : i32
      %swap3A_539 = arith.index_cast %swap3A_538 : i32 to index
      %swap3A_540 = arith.constant 80 : index
      %swap3A_541 = tpu.vector_load %arg8[%swap3A_539, %swap3A_540] {strides = array<i32>} : memref<8x128xi32, #tpu.memory_space<vmem>>, vector<1x16xi32>,
      %swap3A_542 = vector.shape_cast %swap3A_541 : vector<1x16xi32> to vector<16xi32>
      %swap3A_543 = vector.shape_cast %add3A_537 : vector<16xi32> to vector<1x16xi32>
      tpu.vector_store %arg8[%swap3A_539, %swap3A_540], %swap3A_543 {strides = array<i32>} : memref<8x128xi32, #tpu.memory_space<vmem>>, vector<1x16xi32>,
      %swap3A_544 = arith.constant 1 : i32
      %swap3A_545 = arith.index_cast %swap3A_544 : i32 to index
      %swap3A_546 = arith.constant 80 : index
      %swap3A_547 = tpu.vector_load %arg9[%swap3A_545, %swap3A_546] {strides = array<i32>} : memref<8x128xf32, #tpu.memory_space<vmem>>, vector<1x16xf32>,
      %swap3A_548 = vector.shape_cast %swap3A_547 : vector<1x16xf32> to vector<16xf32>
      %swap3A_549 = vector.shape_cast %add3A_486 : vector<16xf32> to vector<1x16xf32>
      tpu.vector_store %arg9[%swap3A_545, %swap3A_546], %swap3A_549 {strides = array<i32>} : memref<8x128xf32, #tpu.memory_space<vmem>>, vector<1x16xf32>,
      %swap3A_550 = arith.constant 1 : i32
      %swap3A_551 = arith.index_cast %swap3A_550 : i32 to index
      %swap3A_552 = arith.constant 80 : index
      %swap3A_553 = tpu.vector_load %arg10[%swap3A_551, %swap3A_552] {strides = array<i32>} : memref<8x128xf32, #tpu.memory_space<vmem>>, vector<1x16xf32>,
      %swap3A_554 = vector.shape_cast %swap3A_553 : vector<1x16xf32> to vector<16xf32>
      %swap3A_555 = vector.shape_cast %sub3A_466 : vector<16xf32> to vector<1x16xf32>
      tpu.vector_store %arg10[%swap3A_551, %swap3A_552], %swap3A_555 {strides = array<i32>} : memref<8x128xf32, #tpu.memory_space<vmem>>, vector<1x16xf32>,
      %add3A_556 = arith.constant 513 : i32
      %add3A_557 = vector.broadcast %add3A_556 : i32 to vector<16xi32>
      %add3A_558 = arith.addi %add3A_470, %add3A_557 : vector<16xi32>
      %swap3A_559 = arith.constant 1 : i32
      %swap3A_560 = arith.index_cast %swap3A_559 : i32 to index
      %swap3A_561 = arith.constant 112 : index
      %swap3A_562 = tpu.vector_load %arg8[%swap3A_560, %swap3A_561] {strides = array<i32>} : memref<8x128xi32, #tpu.memory_space<vmem>>, vector<1x16xi32>,
      %swap3A_563 = vector.shape_cast %swap3A_562 : vector<1x16xi32> to vector<16xi32>
      %swap3A_564 = vector.shape_cast %add3A_558 : vector<16xi32> to vector<1x16xi32>
      tpu.vector_store %arg8[%swap3A_560, %swap3A_561], %swap3A_564 {strides = array<i32>} : memref<8x128xi32, #tpu.memory_space<vmem>>, vector<1x16xi32>,
      %swap3A_565 = arith.constant 1 : i32
      %swap3A_566 = arith.index_cast %swap3A_565 : i32 to index
      %swap3A_567 = arith.constant 112 : index
      %swap3A_568 = tpu.vector_load %arg9[%swap3A_566, %swap3A_567] {strides = array<i32>} : memref<8x128xf32, #tpu.memory_space<vmem>>, vector<1x16xf32>,
      %swap3A_569 = vector.shape_cast %swap3A_568 : vector<1x16xf32> to vector<16xf32>
      %swap3A_570 = vector.shape_cast %neg3A_489 : vector<16xf32> to vector<1x16xf32>
      tpu.vector_store %arg9[%swap3A_566, %swap3A_567], %swap3A_570 {strides = array<i32>} : memref<8x128xf32, #tpu.memory_space<vmem>>, vector<1x16xf32>,
      %swap3A_571 = arith.constant 1 : i32
      %swap3A_572 = arith.index_cast %swap3A_571 : i32 to index
      %swap3A_573 = arith.constant 112 : index
      %swap3A_574 = tpu.vector_load %arg10[%swap3A_572, %swap3A_573] {strides = array<i32>} : memref<8x128xf32, #tpu.memory_space<vmem>>, vector<1x16xf32>,
      %swap3A_575 = vector.shape_cast %swap3A_574 : vector<1x16xf32> to vector<16xf32>
      %swap3A_576 = vector.shape_cast %neg3A_492 : vector<16xf32> to vector<1x16xf32>
      tpu.vector_store %arg10[%swap3A_572, %swap3A_573], %swap3A_576 {strides = array<i32>} : memref<8x128xf32, #tpu.memory_space<vmem>>, vector<1x16xf32>,
      %dma_start3A_577 = arith.constant 1 : i32
      %dma_start3A_578 = arith.constant 1 : i32
      %dma_start3A_579 = arith.constant 0 : i32
      %dma_start3A_580 = tpu.memref_slice %arg9[%dma_start3A_577, %dma_start3A_579] : memref<8x128xf32, #tpu.memory_space<vmem>> -> memref<1x128xf32, #tpu.memory_space<vmem>>
      %dma_start3A_581 = tpu.memref_squeeze %dma_start3A_580 : memref<1x128xf32, #tpu.memory_space<vmem>> -> memref<128xf32, #tpu.memory_space<vmem>>
      %dma_start3A_582 = arith.constant 0 : i32
      %dma_start3A_583 = tpu.memref_slice %arg8[%dma_start3A_578, %dma_start3A_582] : memref<8x128xi32, #tpu.memory_space<vmem>> -> memref<1x128xi32, #tpu.memory_space<vmem>>
      %dma_start3A_584 = tpu.memref_squeeze %dma_start3A_583 : memref<1x128xi32, #tpu.memory_space<vmem>> -> memref<128xi32, #tpu.memory_space<vmem>>
      %dma_start3A_585 = arith.constant 0 : i32
      %dma_start3A_586 = tpu.memref_slice %arg12[%dma_start3A_585] : memref<262144xf32, #tpu.memory_space<vmem_shared>> -> memref<262144xf32, #tpu.memory_space<vmem_shared>>
      tpu.enqueue_indirect_dma source(%dma_start3A_581 : memref<128xf32, #tpu.memory_space<vmem>>) target(%dma_start3A_586 : memref<262144xf32, #tpu.memory_space<vmem_shared>>) offsets(%dma_start3A_584 : memref<128xi32, #tpu.memory_space<vmem>>) semaphore(%arg14 : memref<!tpu.dma_semaphore, #tpu.memory_space<semaphore_mem>>) {add = true}
      %dma_start3A_587 = arith.constant 1 : i32
      %dma_start3A_588 = arith.constant 1 : i32
      %dma_start3A_589 = arith.constant 0 : i32
      %dma_start3A_590 = tpu.memref_slice %arg10[%dma_start3A_587, %dma_start3A_589] : memref<8x128xf32, #tpu.memory_space<vmem>> -> memref<1x128xf32, #tpu.memory_space<vmem>>
      %dma_start3A_591 = tpu.memref_squeeze %dma_start3A_590 : memref<1x128xf32, #tpu.memory_space<vmem>> -> memref<128xf32, #tpu.memory_space<vmem>>
      %dma_start3A_592 = arith.constant 0 : i32
      %dma_start3A_593 = tpu.memref_slice %arg8[%dma_start3A_588, %dma_start3A_592] : memref<8x128xi32, #tpu.memory_space<vmem>> -> memref<1x128xi32, #tpu.memory_space<vmem>>
      %dma_start3A_594 = tpu.memref_squeeze %dma_start3A_593 : memref<1x128xi32, #tpu.memory_space<vmem>> -> memref<128xi32, #tpu.memory_space<vmem>>
      %dma_start3A_595 = arith.constant 0 : i32
      %dma_start3A_596 = tpu.memref_slice %arg13[%dma_start3A_595] : memref<262144xf32, #tpu.memory_space<vmem_shared>> -> memref<262144xf32, #tpu.memory_space<vmem_shared>>
      tpu.enqueue_indirect_dma source(%dma_start3A_591 : memref<128xf32, #tpu.memory_space<vmem>>) target(%dma_start3A_596 : memref<262144xf32, #tpu.memory_space<vmem_shared>>) offsets(%dma_start3A_594 : memref<128xi32, #tpu.memory_space<vmem>>) semaphore(%arg14 : memref<!tpu.dma_semaphore, #tpu.memory_space<semaphore_mem>>) {add = true}
      %mul3A_597 = arith.constant 8 : i32
      %mul3A_598 = arith.muli %scan3A_25, %mul3A_597 : i32
      %add3A_599 = arith.constant 2 : i32
      %add3A_600 = arith.addi %mul3A_598, %add3A_599 : i32
      %mul3A_601 = arith.constant 32 : i32
      %mul3A_602 = arith.muli %add3A_600, %mul3A_601 : i32
      %add3A_603 = arith.constant 0 : i32
      %add3A_604 = arith.addi %mul3A_602, %add3A_603 : i32
      %get3A_605 = arith.index_cast %add3A_604 : i32 to index
      %get3A_606 = tpu.vector_load %arg6[%get3A_605] {strides = array<i32>} : memref<8192xf32, #tpu.memory_space<vmem>>, vector<16xf32>,
      %get3A_607 = vector.shape_cast %get3A_606 : vector<16xf32> to vector<16xf32>
      %mul3A_608 = arith.constant 5.110000e+02 : f32
      %mul3A_609 = vector.broadcast %mul3A_608 : f32 to vector<16xf32>
      %mul3A_610 = arith.mulf %get3A_607, %mul3A_609 : vector<16xf32>
      %get3A_611 = arith.index_cast %add3A_604 : i32 to index
      %get3A_612 = tpu.vector_load %arg7[%get3A_611] {strides = array<i32>} : memref<8192xf32, #tpu.memory_space<vmem>>, vector<16xf32>,
      %get3A_613 = vector.shape_cast %get3A_612 : vector<16xf32> to vector<16xf32>
      %mul3A_614 = arith.constant 5.110000e+02 : f32
      %mul3A_615 = vector.broadcast %mul3A_614 : f32 to vector<16xf32>
      %mul3A_616 = arith.mulf %get3A_613, %mul3A_615 : vector<16xf32>
      %convert_element_type3A_617 = arith.fptosi %mul3A_610 : vector<16xf32> to vector<16xi32>
      %convert_element_type3A_618 = arith.fptosi %mul3A_616 : vector<16xf32> to vector<16xi32>
      %convert_element_type3A_619 = arith.sitofp %convert_element_type3A_618 : vector<16xi32> to vector<16xf32>
      %sub3A_620 = arith.subf %convert_element_type3A_619, %mul3A_616 : vector<16xf32>
      %convert_element_type3A_621 = arith.sitofp %convert_element_type3A_617 : vector<16xi32> to vector<16xf32>
      %sub3A_622 = arith.subf %convert_element_type3A_621, %mul3A_610 : vector<16xf32>
      %mul3A_623 = arith.constant 512 : i32
      %mul3A_624 = vector.broadcast %mul3A_623 : i32 to vector<16xi32>
      %mul3A_625 = arith.muli %convert_element_type3A_617, %mul3A_624 : vector<16xi32>
      %add3A_626 = arith.addi %mul3A_625, %convert_element_type3A_618 : vector<16xi32>
      %neg3A_627 = arith.constant 0.000000e+00 : f32
      %neg3A_628 = arith.constant 1.000000e+00 : f32
      %neg3A_629 = arith.subf %neg3A_627, %neg3A_628 : f32
      %sub3A_630 = vector.broadcast %neg3A_629 : f32 to vector<16xf32>
      %sub3A_631 = arith.subf %sub3A_630, %sub3A_620 : vector<16xf32>
      %neg3A_632 = arith.constant 0.000000e+00 : f32
      %neg3A_633 = arith.constant 1.000000e+00 : f32
      %neg3A_634 = arith.subf %neg3A_632, %neg3A_633 : f32
      %sub3A_635 = vector.broadcast %neg3A_634 : f32 to vector<16xf32>
      %sub3A_636 = arith.subf %sub3A_635, %sub3A_622 : vector<16xf32>
      %add3A_637 = arith.constant 1.000000e+00 : f32
      %add3A_638 = vector.broadcast %add3A_637 : f32 to vector<16xf32>
      %add3A_639 = arith.addf %add3A_638, %sub3A_622 : vector<16xf32>
      %add3A_640 = arith.constant 1.000000e+00 : f32
      %add3A_641 = vector.broadcast %add3A_640 : f32 to vector<16xf32>
      %add3A_642 = arith.addf %add3A_641, %sub3A_620 : vector<16xf32>
      %neg3A_643 = arith.constant 0.000000e+00 : f32
      %neg3A_644 = vector.broadcast %neg3A_643 : f32 to vector<16xf32>
      %neg3A_645 = arith.subf %neg3A_644, %sub3A_620 : vector<16xf32>
      %neg3A_646 = arith.constant 0.000000e+00 : f32
      %neg3A_647 = vector.broadcast %neg3A_646 : f32 to vector<16xf32>
      %neg3A_648 = arith.subf %neg3A_647, %sub3A_622 : vector<16xf32>
      %add3A_649 = arith.constant 0 : i32
      %add3A_650 = vector.broadcast %add3A_649 : i32 to vector<16xi32>
      %add3A_651 = arith.addi %add3A_626, %add3A_650 : vector<16xi32>
      %swap3A_652 = arith.constant 2 : i32
      %swap3A_653 = arith.index_cast %swap3A_652 : i32 to index
      %swap3A_654 = arith.constant 0 : index
      %swap3A_655 = tpu.vector_load %arg8[%swap3A_653, %swap3A_654] {strides = array<i32>} : memref<8x128xi32, #tpu.memory_space<vmem>>, vector<1x16xi32>,
      %swap3A_656 = vector.shape_cast %swap3A_655 : vector<1x16xi32> to vector<16xi32>
      %swap3A_657 = vector.shape_cast %add3A_651 : vector<16xi32> to vector<1x16xi32>
      tpu.vector_store %arg8[%swap3A_653, %swap3A_654], %swap3A_657 {strides = array<i32>} : memref<8x128xi32, #tpu.memory_space<vmem>>, vector<1x16xi32>,
      %swap3A_658 = arith.constant 2 : i32
      %swap3A_659 = arith.index_cast %swap3A_658 : i32 to index
      %swap3A_660 = arith.constant 0 : index
      %swap3A_661 = tpu.vector_load %arg9[%swap3A_659, %swap3A_660] {strides = array<i32>} : memref<8x128xf32, #tpu.memory_space<vmem>>, vector<1x16xf32>,
      %swap3A_662 = vector.shape_cast %swap3A_661 : vector<1x16xf32> to vector<16xf32>
      %swap3A_663 = vector.shape_cast %sub3A_631 : vector<16xf32> to vector<1x16xf32>
      tpu.vector_store %arg9[%swap3A_659, %swap3A_660], %swap3A_663 {strides = array<i32>} : memref<8x128xf32, #tpu.memory_space<vmem>>, vector<1x16xf32>,
      %swap3A_664 = arith.constant 2 : i32
      %swap3A_665 = arith.index_cast %swap3A_664 : i32 to index
      %swap3A_666 = arith.constant 0 : index
      %swap3A_667 = tpu.vector_load %arg10[%swap3A_665, %swap3A_666] {strides = array<i32>} : memref<8x128xf32, #tpu.memory_space<vmem>>, vector<1x16xf32>,
      %swap3A_668 = vector.shape_cast %swap3A_667 : vector<1x16xf32> to vector<16xf32>
      %swap3A_669 = vector.shape_cast %sub3A_636 : vector<16xf32> to vector<1x16xf32>
      tpu.vector_store %arg10[%swap3A_665, %swap3A_666], %swap3A_669 {strides = array<i32>} : memref<8x128xf32, #tpu.memory_space<vmem>>, vector<1x16xf32>,
      %add3A_670 = arith.constant 1 : i32
      %add3A_671 = vector.broadcast %add3A_670 : i32 to vector<16xi32>
      %add3A_672 = arith.addi %add3A_626, %add3A_671 : vector<16xi32>
      %swap3A_673 = arith.constant 2 : i32
      %swap3A_674 = arith.index_cast %swap3A_673 : i32 to index
      %swap3A_675 = arith.constant 32 : index
      %swap3A_676 = tpu.vector_load %arg8[%swap3A_674, %swap3A_675] {strides = array<i32>} : memref<8x128xi32, #tpu.memory_space<vmem>>, vector<1x16xi32>,
      %swap3A_677 = vector.shape_cast %swap3A_676 : vector<1x16xi32> to vector<16xi32>
      %swap3A_678 = vector.shape_cast %add3A_672 : vector<16xi32> to vector<1x16xi32>
      tpu.vector_store %arg8[%swap3A_674, %swap3A_675], %swap3A_678 {strides = array<i32>} : memref<8x128xi32, #tpu.memory_space<vmem>>, vector<1x16xi32>,
      %swap3A_679 = arith.constant 2 : i32
      %swap3A_680 = arith.index_cast %swap3A_679 : i32 to index
      %swap3A_681 = arith.constant 32 : index
      %swap3A_682 = tpu.vector_load %arg9[%swap3A_680, %swap3A_681] {strides = array<i32>} : memref<8x128xf32, #tpu.memory_space<vmem>>, vector<1x16xf32>,
      %swap3A_683 = vector.shape_cast %swap3A_682 : vector<1x16xf32> to vector<16xf32>
      %swap3A_684 = vector.shape_cast %sub3A_620 : vector<16xf32> to vector<1x16xf32>
      tpu.vector_store %arg9[%swap3A_680, %swap3A_681], %swap3A_684 {strides = array<i32>} : memref<8x128xf32, #tpu.memory_space<vmem>>, vector<1x16xf32>,
      %swap3A_685 = arith.constant 2 : i32
      %swap3A_686 = arith.index_cast %swap3A_685 : i32 to index
      %swap3A_687 = arith.constant 32 : index
      %swap3A_688 = tpu.vector_load %arg10[%swap3A_686, %swap3A_687] {strides = array<i32>} : memref<8x128xf32, #tpu.memory_space<vmem>>, vector<1x16xf32>,
      %swap3A_689 = vector.shape_cast %swap3A_688 : vector<1x16xf32> to vector<16xf32>
      %swap3A_690 = vector.shape_cast %add3A_639 : vector<16xf32> to vector<1x16xf32>
      tpu.vector_store %arg10[%swap3A_686, %swap3A_687], %swap3A_690 {strides = array<i32>} : memref<8x128xf32, #tpu.memory_space<vmem>>, vector<1x16xf32>,
      %add3A_691 = arith.constant 512 : i32
      %add3A_692 = vector.broadcast %add3A_691 : i32 to vector<16xi32>
      %add3A_693 = arith.addi %add3A_626, %add3A_692 : vector<16xi32>
      %swap3A_694 = arith.constant 2 : i32
      %swap3A_695 = arith.index_cast %swap3A_694 : i32 to index
      %swap3A_696 = arith.constant 64 : index
      %swap3A_697 = tpu.vector_load %arg8[%swap3A_695, %swap3A_696] {strides = array<i32>} : memref<8x128xi32, #tpu.memory_space<vmem>>, vector<1x16xi32>,
      %swap3A_698 = vector.shape_cast %swap3A_697 : vector<1x16xi32> to vector<16xi32>
      %swap3A_699 = vector.shape_cast %add3A_693 : vector<16xi32> to vector<1x16xi32>
      tpu.vector_store %arg8[%swap3A_695, %swap3A_696], %swap3A_699 {strides = array<i32>} : memref<8x128xi32, #tpu.memory_space<vmem>>, vector<1x16xi32>,
      %swap3A_700 = arith.constant 2 : i32
      %swap3A_701 = arith.index_cast %swap3A_700 : i32 to index
      %swap3A_702 = arith.constant 64 : index
      %swap3A_703 = tpu.vector_load %arg9[%swap3A_701, %swap3A_702] {strides = array<i32>} : memref<8x128xf32, #tpu.memory_space<vmem>>, vector<1x16xf32>,
      %swap3A_704 = vector.shape_cast %swap3A_703 : vector<1x16xf32> to vector<16xf32>
      %swap3A_705 = vector.shape_cast %add3A_642 : vector<16xf32> to vector<1x16xf32>
      tpu.vector_store %arg9[%swap3A_701, %swap3A_702], %swap3A_705 {strides = array<i32>} : memref<8x128xf32, #tpu.memory_space<vmem>>, vector<1x16xf32>,
      %swap3A_706 = arith.constant 2 : i32
      %swap3A_707 = arith.index_cast %swap3A_706 : i32 to index
      %swap3A_708 = arith.constant 64 : index
      %swap3A_709 = tpu.vector_load %arg10[%swap3A_707, %swap3A_708] {strides = array<i32>} : memref<8x128xf32, #tpu.memory_space<vmem>>, vector<1x16xf32>,
      %swap3A_710 = vector.shape_cast %swap3A_709 : vector<1x16xf32> to vector<16xf32>
      %swap3A_711 = vector.shape_cast %sub3A_622 : vector<16xf32> to vector<1x16xf32>
      tpu.vector_store %arg10[%swap3A_707, %swap3A_708], %swap3A_711 {strides = array<i32>} : memref<8x128xf32, #tpu.memory_space<vmem>>, vector<1x16xf32>,
      %add3A_712 = arith.constant 513 : i32
      %add3A_713 = vector.broadcast %add3A_712 : i32 to vector<16xi32>
      %add3A_714 = arith.addi %add3A_626, %add3A_713 : vector<16xi32>
      %swap3A_715 = arith.constant 2 : i32
      %swap3A_716 = arith.index_cast %swap3A_715 : i32 to index
      %swap3A_717 = arith.constant 96 : index
      %swap3A_718 = tpu.vector_load %arg8[%swap3A_716, %swap3A_717] {strides = array<i32>} : memref<8x128xi32, #tpu.memory_space<vmem>>, vector<1x16xi32>,
      %swap3A_719 = vector.shape_cast %swap3A_718 : vector<1x16xi32> to vector<16xi32>
      %swap3A_720 = vector.shape_cast %add3A_714 : vector<16xi32> to vector<1x16xi32>
      tpu.vector_store %arg8[%swap3A_716, %swap3A_717], %swap3A_720 {strides = array<i32>} : memref<8x128xi32, #tpu.memory_space<vmem>>, vector<1x16xi32>,
      %swap3A_721 = arith.constant 2 : i32
      %swap3A_722 = arith.index_cast %swap3A_721 : i32 to index
      %swap3A_723 = arith.constant 96 : index
      %swap3A_724 = tpu.vector_load %arg9[%swap3A_722, %swap3A_723] {strides = array<i32>} : memref<8x128xf32, #tpu.memory_space<vmem>>, vector<1x16xf32>,
      %swap3A_725 = vector.shape_cast %swap3A_724 : vector<1x16xf32> to vector<16xf32>
      %swap3A_726 = vector.shape_cast %neg3A_645 : vector<16xf32> to vector<1x16xf32>
      tpu.vector_store %arg9[%swap3A_722, %swap3A_723], %swap3A_726 {strides = array<i32>} : memref<8x128xf32, #tpu.memory_space<vmem>>, vector<1x16xf32>,
      %swap3A_727 = arith.constant 2 : i32
      %swap3A_728 = arith.index_cast %swap3A_727 : i32 to index
      %swap3A_729 = arith.constant 96 : index
      %swap3A_730 = tpu.vector_load %arg10[%swap3A_728, %swap3A_729] {strides = array<i32>} : memref<8x128xf32, #tpu.memory_space<vmem>>, vector<1x16xf32>,
      %swap3A_731 = vector.shape_cast %swap3A_730 : vector<1x16xf32> to vector<16xf32>
      %swap3A_732 = vector.shape_cast %neg3A_648 : vector<16xf32> to vector<1x16xf32>
      tpu.vector_store %arg10[%swap3A_728, %swap3A_729], %swap3A_732 {strides = array<i32>} : memref<8x128xf32, #tpu.memory_space<vmem>>, vector<1x16xf32>,
      %mul3A_733 = arith.constant 32 : i32
      %mul3A_734 = arith.muli %add3A_600, %mul3A_733 : i32
      %add3A_735 = arith.constant 16 : i32
      %add3A_736 = arith.addi %mul3A_734, %add3A_735 : i32
      %get3A_737 = arith.index_cast %add3A_736 : i32 to index
      %get3A_738 = tpu.vector_load %arg6[%get3A_737] {strides = array<i32>} : memref<8192xf32, #tpu.memory_space<vmem>>, vector<16xf32>,
      %get3A_739 = vector.shape_cast %get3A_738 : vector<16xf32> to vector<16xf32>
      %mul3A_740 = arith.constant 5.110000e+02 : f32
      %mul3A_741 = vector.broadcast %mul3A_740 : f32 to vector<16xf32>
      %mul3A_742 = arith.mulf %get3A_739, %mul3A_741 : vector<16xf32>
      %get3A_743 = arith.index_cast %add3A_736 : i32 to index
      %get3A_744 = tpu.vector_load %arg7[%get3A_743] {strides = array<i32>} : memref<8192xf32, #tpu.memory_space<vmem>>, vector<16xf32>,
      %get3A_745 = vector.shape_cast %get3A_744 : vector<16xf32> to vector<16xf32>
      %mul3A_746 = arith.constant 5.110000e+02 : f32
      %mul3A_747 = vector.broadcast %mul3A_746 : f32 to vector<16xf32>
      %mul3A_748 = arith.mulf %get3A_745, %mul3A_747 : vector<16xf32>
      %convert_element_type3A_749 = arith.fptosi %mul3A_742 : vector<16xf32> to vector<16xi32>
      %convert_element_type3A_750 = arith.fptosi %mul3A_748 : vector<16xf32> to vector<16xi32>
      %convert_element_type3A_751 = arith.sitofp %convert_element_type3A_750 : vector<16xi32> to vector<16xf32>
      %sub3A_752 = arith.subf %convert_element_type3A_751, %mul3A_748 : vector<16xf32>
      %convert_element_type3A_753 = arith.sitofp %convert_element_type3A_749 : vector<16xi32> to vector<16xf32>
      %sub3A_754 = arith.subf %convert_element_type3A_753, %mul3A_742 : vector<16xf32>
      %mul3A_755 = arith.constant 512 : i32
      %mul3A_756 = vector.broadcast %mul3A_755 : i32 to vector<16xi32>
      %mul3A_757 = arith.muli %convert_element_type3A_749, %mul3A_756 : vector<16xi32>
      %add3A_758 = arith.addi %mul3A_757, %convert_element_type3A_750 : vector<16xi32>
      %neg3A_759 = arith.constant 0.000000e+00 : f32
      %neg3A_760 = arith.constant 1.000000e+00 : f32
      %neg3A_761 = arith.subf %neg3A_759, %neg3A_760 : f32
      %sub3A_762 = vector.broadcast %neg3A_761 : f32 to vector<16xf32>
      %sub3A_763 = arith.subf %sub3A_762, %sub3A_752 : vector<16xf32>
      %neg3A_764 = arith.constant 0.000000e+00 : f32
      %neg3A_765 = arith.constant 1.000000e+00 : f32
      %neg3A_766 = arith.subf %neg3A_764, %neg3A_765 : f32
      %sub3A_767 = vector.broadcast %neg3A_766 : f32 to vector<16xf32>
      %sub3A_768 = arith.subf %sub3A_767, %sub3A_754 : vector<16xf32>
      %add3A_769 = arith.constant 1.000000e+00 : f32
      %add3A_770 = vector.broadcast %add3A_769 : f32 to vector<16xf32>
      %add3A_771 = arith.addf %add3A_770, %sub3A_754 : vector<16xf32>
      %add3A_772 = arith.constant 1.000000e+00 : f32
      %add3A_773 = vector.broadcast %add3A_772 : f32 to vector<16xf32>
      %add3A_774 = arith.addf %add3A_773, %sub3A_752 : vector<16xf32>
      %neg3A_775 = arith.constant 0.000000e+00 : f32
      %neg3A_776 = vector.broadcast %neg3A_775 : f32 to vector<16xf32>
      %neg3A_777 = arith.subf %neg3A_776, %sub3A_752 : vector<16xf32>
      %neg3A_778 = arith.constant 0.000000e+00 : f32
      %neg3A_779 = vector.broadcast %neg3A_778 : f32 to vector<16xf32>
      %neg3A_780 = arith.subf %neg3A_779, %sub3A_754 : vector<16xf32>
      %add3A_781 = arith.constant 0 : i32
      %add3A_782 = vector.broadcast %add3A_781 : i32 to vector<16xi32>
      %add3A_783 = arith.addi %add3A_758, %add3A_782 : vector<16xi32>
      %swap3A_784 = arith.constant 2 : i32
      %swap3A_785 = arith.index_cast %swap3A_784 : i32 to index
      %swap3A_786 = arith.constant 16 : index
      %swap3A_787 = tpu.vector_load %arg8[%swap3A_785, %swap3A_786] {strides = array<i32>} : memref<8x128xi32, #tpu.memory_space<vmem>>, vector<1x16xi32>,
      %swap3A_788 = vector.shape_cast %swap3A_787 : vector<1x16xi32> to vector<16xi32>
      %swap3A_789 = vector.shape_cast %add3A_783 : vector<16xi32> to vector<1x16xi32>
      tpu.vector_store %arg8[%swap3A_785, %swap3A_786], %swap3A_789 {strides = array<i32>} : memref<8x128xi32, #tpu.memory_space<vmem>>, vector<1x16xi32>,
      %swap3A_790 = arith.constant 2 : i32
      %swap3A_791 = arith.index_cast %swap3A_790 : i32 to index
      %swap3A_792 = arith.constant 16 : index
      %swap3A_793 = tpu.vector_load %arg9[%swap3A_791, %swap3A_792] {strides = array<i32>} : memref<8x128xf32, #tpu.memory_space<vmem>>, vector<1x16xf32>,
      %swap3A_794 = vector.shape_cast %swap3A_793 : vector<1x16xf32> to vector<16xf32>
      %swap3A_795 = vector.shape_cast %sub3A_763 : vector<16xf32> to vector<1x16xf32>
      tpu.vector_store %arg9[%swap3A_791, %swap3A_792], %swap3A_795 {strides = array<i32>} : memref<8x128xf32, #tpu.memory_space<vmem>>, vector<1x16xf32>,
      %swap3A_796 = arith.constant 2 : i32
      %swap3A_797 = arith.index_cast %swap3A_796 : i32 to index
      %swap3A_798 = arith.constant 16 : index
      %swap3A_799 = tpu.vector_load %arg10[%swap3A_797, %swap3A_798] {strides = array<i32>} : memref<8x128xf32, #tpu.memory_space<vmem>>, vector<1x16xf32>,
      %swap3A_800 = vector.shape_cast %swap3A_799 : vector<1x16xf32> to vector<16xf32>
      %swap3A_801 = vector.shape_cast %sub3A_768 : vector<16xf32> to vector<1x16xf32>
      tpu.vector_store %arg10[%swap3A_797, %swap3A_798], %swap3A_801 {strides = array<i32>} : memref<8x128xf32, #tpu.memory_space<vmem>>, vector<1x16xf32>,
      %add3A_802 = arith.constant 1 : i32
      %add3A_803 = vector.broadcast %add3A_802 : i32 to vector<16xi32>
      %add3A_804 = arith.addi %add3A_758, %add3A_803 : vector<16xi32>
      %swap3A_805 = arith.constant 2 : i32
      %swap3A_806 = arith.index_cast %swap3A_805 : i32 to index
      %swap3A_807 = arith.constant 48 : index
      %swap3A_808 = tpu.vector_load %arg8[%swap3A_806, %swap3A_807] {strides = array<i32>} : memref<8x128xi32, #tpu.memory_space<vmem>>, vector<1x16xi32>,
      %swap3A_809 = vector.shape_cast %swap3A_808 : vector<1x16xi32> to vector<16xi32>
      %swap3A_810 = vector.shape_cast %add3A_804 : vector<16xi32> to vector<1x16xi32>
      tpu.vector_store %arg8[%swap3A_806, %swap3A_807], %swap3A_810 {strides = array<i32>} : memref<8x128xi32, #tpu.memory_space<vmem>>, vector<1x16xi32>,
      %swap3A_811 = arith.constant 2 : i32
      %swap3A_812 = arith.index_cast %swap3A_811 : i32 to index
      %swap3A_813 = arith.constant 48 : index
      %swap3A_814 = tpu.vector_load %arg9[%swap3A_812, %swap3A_813] {strides = array<i32>} : memref<8x128xf32, #tpu.memory_space<vmem>>, vector<1x16xf32>,
      %swap3A_815 = vector.shape_cast %swap3A_814 : vector<1x16xf32> to vector<16xf32>
      %swap3A_816 = vector.shape_cast %sub3A_752 : vector<16xf32> to vector<1x16xf32>
      tpu.vector_store %arg9[%swap3A_812, %swap3A_813], %swap3A_816 {strides = array<i32>} : memref<8x128xf32, #tpu.memory_space<vmem>>, vector<1x16xf32>,
      %swap3A_817 = arith.constant 2 : i32
      %swap3A_818 = arith.index_cast %swap3A_817 : i32 to index
      %swap3A_819 = arith.constant 48 : index
      %swap3A_820 = tpu.vector_load %arg10[%swap3A_818, %swap3A_819] {strides = array<i32>} : memref<8x128xf32, #tpu.memory_space<vmem>>, vector<1x16xf32>,
      %swap3A_821 = vector.shape_cast %swap3A_820 : vector<1x16xf32> to vector<16xf32>
      %swap3A_822 = vector.shape_cast %add3A_771 : vector<16xf32> to vector<1x16xf32>
      tpu.vector_store %arg10[%swap3A_818, %swap3A_819], %swap3A_822 {strides = array<i32>} : memref<8x128xf32, #tpu.memory_space<vmem>>, vector<1x16xf32>,
      %add3A_823 = arith.constant 512 : i32
      %add3A_824 = vector.broadcast %add3A_823 : i32 to vector<16xi32>
      %add3A_825 = arith.addi %add3A_758, %add3A_824 : vector<16xi32>
      %swap3A_826 = arith.constant 2 : i32
      %swap3A_827 = arith.index_cast %swap3A_826 : i32 to index
      %swap3A_828 = arith.constant 80 : index
      %swap3A_829 = tpu.vector_load %arg8[%swap3A_827, %swap3A_828] {strides = array<i32>} : memref<8x128xi32, #tpu.memory_space<vmem>>, vector<1x16xi32>,
      %swap3A_830 = vector.shape_cast %swap3A_829 : vector<1x16xi32> to vector<16xi32>
      %swap3A_831 = vector.shape_cast %add3A_825 : vector<16xi32> to vector<1x16xi32>
      tpu.vector_store %arg8[%swap3A_827, %swap3A_828], %swap3A_831 {strides = array<i32>} : memref<8x128xi32, #tpu.memory_space<vmem>>, vector<1x16xi32>,
      %swap3A_832 = arith.constant 2 : i32
      %swap3A_833 = arith.index_cast %swap3A_832 : i32 to index
      %swap3A_834 = arith.constant 80 : index
      %swap3A_835 = tpu.vector_load %arg9[%swap3A_833, %swap3A_834] {strides = array<i32>} : memref<8x128xf32, #tpu.memory_space<vmem>>, vector<1x16xf32>,
      %swap3A_836 = vector.shape_cast %swap3A_835 : vector<1x16xf32> to vector<16xf32>
      %swap3A_837 = vector.shape_cast %add3A_774 : vector<16xf32> to vector<1x16xf32>
      tpu.vector_store %arg9[%swap3A_833, %swap3A_834], %swap3A_837 {strides = array<i32>} : memref<8x128xf32, #tpu.memory_space<vmem>>, vector<1x16xf32>,
      %swap3A_838 = arith.constant 2 : i32
      %swap3A_839 = arith.index_cast %swap3A_838 : i32 to index
      %swap3A_840 = arith.constant 80 : index
      %swap3A_841 = tpu.vector_load %arg10[%swap3A_839, %swap3A_840] {strides = array<i32>} : memref<8x128xf32, #tpu.memory_space<vmem>>, vector<1x16xf32>,
      %swap3A_842 = vector.shape_cast %swap3A_841 : vector<1x16xf32> to vector<16xf32>
      %swap3A_843 = vector.shape_cast %sub3A_754 : vector<16xf32> to vector<1x16xf32>
      tpu.vector_store %arg10[%swap3A_839, %swap3A_840], %swap3A_843 {strides = array<i32>} : memref<8x128xf32, #tpu.memory_space<vmem>>, vector<1x16xf32>,
      %add3A_844 = arith.constant 513 : i32
      %add3A_845 = vector.broadcast %add3A_844 : i32 to vector<16xi32>
      %add3A_846 = arith.addi %add3A_758, %add3A_845 : vector<16xi32>
      %swap3A_847 = arith.constant 2 : i32
      %swap3A_848 = arith.index_cast %swap3A_847 : i32 to index
      %swap3A_849 = arith.constant 112 : index
      %swap3A_850 = tpu.vector_load %arg8[%swap3A_848, %swap3A_849] {strides = array<i32>} : memref<8x128xi32, #tpu.memory_space<vmem>>, vector<1x16xi32>,
      %swap3A_851 = vector.shape_cast %swap3A_850 : vector<1x16xi32> to vector<16xi32>
      %swap3A_852 = vector.shape_cast %add3A_846 : vector<16xi32> to vector<1x16xi32>
      tpu.vector_store %arg8[%swap3A_848, %swap3A_849], %swap3A_852 {strides = array<i32>} : memref<8x128xi32, #tpu.memory_space<vmem>>, vector<1x16xi32>,
      %swap3A_853 = arith.constant 2 : i32
      %swap3A_854 = arith.index_cast %swap3A_853 : i32 to index
      %swap3A_855 = arith.constant 112 : index
      %swap3A_856 = tpu.vector_load %arg9[%swap3A_854, %swap3A_855] {strides = array<i32>} : memref<8x128xf32, #tpu.memory_space<vmem>>, vector<1x16xf32>,
      %swap3A_857 = vector.shape_cast %swap3A_856 : vector<1x16xf32> to vector<16xf32>
      %swap3A_858 = vector.shape_cast %neg3A_777 : vector<16xf32> to vector<1x16xf32>
      tpu.vector_store %arg9[%swap3A_854, %swap3A_855], %swap3A_858 {strides = array<i32>} : memref<8x128xf32, #tpu.memory_space<vmem>>, vector<1x16xf32>,
      %swap3A_859 = arith.constant 2 : i32
      %swap3A_860 = arith.index_cast %swap3A_859 : i32 to index
      %swap3A_861 = arith.constant 112 : index
      %swap3A_862 = tpu.vector_load %arg10[%swap3A_860, %swap3A_861] {strides = array<i32>} : memref<8x128xf32, #tpu.memory_space<vmem>>, vector<1x16xf32>,
      %swap3A_863 = vector.shape_cast %swap3A_862 : vector<1x16xf32> to vector<16xf32>
      %swap3A_864 = vector.shape_cast %neg3A_780 : vector<16xf32> to vector<1x16xf32>
      tpu.vector_store %arg10[%swap3A_860, %swap3A_861], %swap3A_864 {strides = array<i32>} : memref<8x128xf32, #tpu.memory_space<vmem>>, vector<1x16xf32>,
      %dma_start3A_865 = arith.constant 2 : i32
      %dma_start3A_866 = arith.constant 2 : i32
      %dma_start3A_867 = arith.constant 0 : i32
      %dma_start3A_868 = tpu.memref_slice %arg9[%dma_start3A_865, %dma_start3A_867] : memref<8x128xf32, #tpu.memory_space<vmem>> -> memref<1x128xf32, #tpu.memory_space<vmem>>
      %dma_start3A_869 = tpu.memref_squeeze %dma_start3A_868 : memref<1x128xf32, #tpu.memory_space<vmem>> -> memref<128xf32, #tpu.memory_space<vmem>>
      %dma_start3A_870 = arith.constant 0 : i32
      %dma_start3A_871 = tpu.memref_slice %arg8[%dma_start3A_866, %dma_start3A_870] : memref<8x128xi32, #tpu.memory_space<vmem>> -> memref<1x128xi32, #tpu.memory_space<vmem>>
      %dma_start3A_872 = tpu.memref_squeeze %dma_start3A_871 : memref<1x128xi32, #tpu.memory_space<vmem>> -> memref<128xi32, #tpu.memory_space<vmem>>
      %dma_start3A_873 = arith.constant 0 : i32
      %dma_start3A_874 = tpu.memref_slice %arg12[%dma_start3A_873] : memref<262144xf32, #tpu.memory_space<vmem_shared>> -> memref<262144xf32, #tpu.memory_space<vmem_shared>>
      tpu.enqueue_indirect_dma source(%dma_start3A_869 : memref<128xf32, #tpu.memory_space<vmem>>) target(%dma_start3A_874 : memref<262144xf32, #tpu.memory_space<vmem_shared>>) offsets(%dma_start3A_872 : memref<128xi32, #tpu.memory_space<vmem>>) semaphore(%arg14 : memref<!tpu.dma_semaphore, #tpu.memory_space<semaphore_mem>>) {add = true}
      %dma_start3A_875 = arith.constant 2 : i32
      %dma_start3A_876 = arith.constant 2 : i32
      %dma_start3A_877 = arith.constant 0 : i32
      %dma_start3A_878 = tpu.memref_slice %arg10[%dma_start3A_875, %dma_start3A_877] : memref<8x128xf32, #tpu.memory_space<vmem>> -> memref<1x128xf32, #tpu.memory_space<vmem>>
      %dma_start3A_879 = tpu.memref_squeeze %dma_start3A_878 : memref<1x128xf32, #tpu.memory_space<vmem>> -> memref<128xf32, #tpu.memory_space<vmem>>
      %dma_start3A_880 = arith.constant 0 : i32
      %dma_start3A_881 = tpu.memref_slice %arg8[%dma_start3A_876, %dma_start3A_880] : memref<8x128xi32, #tpu.memory_space<vmem>> -> memref<1x128xi32, #tpu.memory_space<vmem>>
      %dma_start3A_882 = tpu.memref_squeeze %dma_start3A_881 : memref<1x128xi32, #tpu.memory_space<vmem>> -> memref<128xi32, #tpu.memory_space<vmem>>
      %dma_start3A_883 = arith.constant 0 : i32
      %dma_start3A_884 = tpu.memref_slice %arg13[%dma_start3A_883] : memref<262144xf32, #tpu.memory_space<vmem_shared>> -> memref<262144xf32, #tpu.memory_space<vmem_shared>>
      tpu.enqueue_indirect_dma source(%dma_start3A_879 : memref<128xf32, #tpu.memory_space<vmem>>) target(%dma_start3A_884 : memref<262144xf32, #tpu.memory_space<vmem_shared>>) offsets(%dma_start3A_882 : memref<128xi32, #tpu.memory_space<vmem>>) semaphore(%arg14 : memref<!tpu.dma_semaphore, #tpu.memory_space<semaphore_mem>>) {add = true}
      %mul3A_885 = arith.constant 8 : i32
      %mul3A_886 = arith.muli %scan3A_25, %mul3A_885 : i32
      %add3A_887 = arith.constant 3 : i32
      %add3A_888 = arith.addi %mul3A_886, %add3A_887 : i32
      %mul3A_889 = arith.constant 32 : i32
      %mul3A_890 = arith.muli %add3A_888, %mul3A_889 : i32
      %add3A_891 = arith.constant 0 : i32
      %add3A_892 = arith.addi %mul3A_890, %add3A_891 : i32
      %get3A_893 = arith.index_cast %add3A_892 : i32 to index
      %get3A_894 = tpu.vector_load %arg6[%get3A_893] {strides = array<i32>} : memref<8192xf32, #tpu.memory_space<vmem>>, vector<16xf32>,
      %get3A_895 = vector.shape_cast %get3A_894 : vector<16xf32> to vector<16xf32>
      %mul3A_896 = arith.constant 5.110000e+02 : f32
      %mul3A_897 = vector.broadcast %mul3A_896 : f32 to vector<16xf32>
      %mul3A_898 = arith.mulf %get3A_895, %mul3A_897 : vector<16xf32>
      %get3A_899 = arith.index_cast %add3A_892 : i32 to index
      %get3A_900 = tpu.vector_load %arg7[%get3A_899] {strides = array<i32>} : memref<8192xf32, #tpu.memory_space<vmem>>, vector<16xf32>,
      %get3A_901 = vector.shape_cast %get3A_900 : vector<16xf32> to vector<16xf32>
      %mul3A_902 = arith.constant 5.110000e+02 : f32
      %mul3A_903 = vector.broadcast %mul3A_902 : f32 to vector<16xf32>
      %mul3A_904 = arith.mulf %get3A_901, %mul3A_903 : vector<16xf32>
      %convert_element_type3A_905 = arith.fptosi %mul3A_898 : vector<16xf32> to vector<16xi32>
      %convert_element_type3A_906 = arith.fptosi %mul3A_904 : vector<16xf32> to vector<16xi32>
      %convert_element_type3A_907 = arith.sitofp %convert_element_type3A_906 : vector<16xi32> to vector<16xf32>
      %sub3A_908 = arith.subf %convert_element_type3A_907, %mul3A_904 : vector<16xf32>
      %convert_element_type3A_909 = arith.sitofp %convert_element_type3A_905 : vector<16xi32> to vector<16xf32>
      %sub3A_910 = arith.subf %convert_element_type3A_909, %mul3A_898 : vector<16xf32>
      %mul3A_911 = arith.constant 512 : i32
      %mul3A_912 = vector.broadcast %mul3A_911 : i32 to vector<16xi32>
      %mul3A_913 = arith.muli %convert_element_type3A_905, %mul3A_912 : vector<16xi32>
      %add3A_914 = arith.addi %mul3A_913, %convert_element_type3A_906 : vector<16xi32>
      %neg3A_915 = arith.constant 0.000000e+00 : f32
      %neg3A_916 = arith.constant 1.000000e+00 : f32
      %neg3A_917 = arith.subf %neg3A_915, %neg3A_916 : f32
      %sub3A_918 = vector.broadcast %neg3A_917 : f32 to vector<16xf32>
      %sub3A_919 = arith.subf %sub3A_918, %sub3A_908 : vector<16xf32>
      %neg3A_920 = arith.constant 0.000000e+00 : f32
      %neg3A_921 = arith.constant 1.000000e+00 : f32
      %neg3A_922 = arith.subf %neg3A_920, %neg3A_921 : f32
      %sub3A_923 = vector.broadcast %neg3A_922 : f32 to vector<16xf32>
      %sub3A_924 = arith.subf %sub3A_923, %sub3A_910 : vector<16xf32>
      %add3A_925 = arith.constant 1.000000e+00 : f32
      %add3A_926 = vector.broadcast %add3A_925 : f32 to vector<16xf32>
      %add3A_927 = arith.addf %add3A_926, %sub3A_910 : vector<16xf32>
      %add3A_928 = arith.constant 1.000000e+00 : f32
      %add3A_929 = vector.broadcast %add3A_928 : f32 to vector<16xf32>
      %add3A_930 = arith.addf %add3A_929, %sub3A_908 : vector<16xf32>
      %neg3A_931 = arith.constant 0.000000e+00 : f32
      %neg3A_932 = vector.broadcast %neg3A_931 : f32 to vector<16xf32>
      %neg3A_933 = arith.subf %neg3A_932, %sub3A_908 : vector<16xf32>
      %neg3A_934 = arith.constant 0.000000e+00 : f32
      %neg3A_935 = vector.broadcast %neg3A_934 : f32 to vector<16xf32>
      %neg3A_936 = arith.subf %neg3A_935, %sub3A_910 : vector<16xf32>
      %add3A_937 = arith.constant 0 : i32
      %add3A_938 = vector.broadcast %add3A_937 : i32 to vector<16xi32>
      %add3A_939 = arith.addi %add3A_914, %add3A_938 : vector<16xi32>
      %swap3A_940 = arith.constant 3 : i32
      %swap3A_941 = arith.index_cast %swap3A_940 : i32 to index
      %swap3A_942 = arith.constant 0 : index
      %swap3A_943 = tpu.vector_load %arg8[%swap3A_941, %swap3A_942] {strides = array<i32>} : memref<8x128xi32, #tpu.memory_space<vmem>>, vector<1x16xi32>,
      %swap3A_944 = vector.shape_cast %swap3A_943 : vector<1x16xi32> to vector<16xi32>
      %swap3A_945 = vector.shape_cast %add3A_939 : vector<16xi32> to vector<1x16xi32>
      tpu.vector_store %arg8[%swap3A_941, %swap3A_942], %swap3A_945 {strides = array<i32>} : memref<8x128xi32, #tpu.memory_space<vmem>>, vector<1x16xi32>,
      %swap3A_946 = arith.constant 3 : i32
      %swap3A_947 = arith.index_cast %swap3A_946 : i32 to index
      %swap3A_948 = arith.constant 0 : index
      %swap3A_949 = tpu.vector_load %arg9[%swap3A_947, %swap3A_948] {strides = array<i32>} : memref<8x128xf32, #tpu.memory_space<vmem>>, vector<1x16xf32>,
      %swap3A_950 = vector.shape_cast %swap3A_949 : vector<1x16xf32> to vector<16xf32>
      %swap3A_951 = vector.shape_cast %sub3A_919 : vector<16xf32> to vector<1x16xf32>
      tpu.vector_store %arg9[%swap3A_947, %swap3A_948], %swap3A_951 {strides = array<i32>} : memref<8x128xf32, #tpu.memory_space<vmem>>, vector<1x16xf32>,
      %swap3A_952 = arith.constant 3 : i32
      %swap3A_953 = arith.index_cast %swap3A_952 : i32 to index
      %swap3A_954 = arith.constant 0 : index
      %swap3A_955 = tpu.vector_load %arg10[%swap3A_953, %swap3A_954] {strides = array<i32>} : memref<8x128xf32, #tpu.memory_space<vmem>>, vector<1x16xf32>,
      %swap3A_956 = vector.shape_cast %swap3A_955 : vector<1x16xf32> to vector<16xf32>
      %swap3A_957 = vector.shape_cast %sub3A_924 : vector<16xf32> to vector<1x16xf32>
      tpu.vector_store %arg10[%swap3A_953, %swap3A_954], %swap3A_957 {strides = array<i32>} : memref<8x128xf32, #tpu.memory_space<vmem>>, vector<1x16xf32>,
      %add3A_958 = arith.constant 1 : i32
      %add3A_959 = vector.broadcast %add3A_958 : i32 to vector<16xi32>
      %add3A_960 = arith.addi %add3A_914, %add3A_959 : vector<16xi32>
      %swap3A_961 = arith.constant 3 : i32
      %swap3A_962 = arith.index_cast %swap3A_961 : i32 to index
      %swap3A_963 = arith.constant 32 : index
      %swap3A_964 = tpu.vector_load %arg8[%swap3A_962, %swap3A_963] {strides = array<i32>} : memref<8x128xi32, #tpu.memory_space<vmem>>, vector<1x16xi32>,
      %swap3A_965 = vector.shape_cast %swap3A_964 : vector<1x16xi32> to vector<16xi32>
      %swap3A_966 = vector.shape_cast %add3A_960 : vector<16xi32> to vector<1x16xi32>
      tpu.vector_store %arg8[%swap3A_962, %swap3A_963], %swap3A_966 {strides = array<i32>} : memref<8x128xi32, #tpu.memory_space<vmem>>, vector<1x16xi32>,
      %swap3A_967 = arith.constant 3 : i32
      %swap3A_968 = arith.index_cast %swap3A_967 : i32 to index
      %swap3A_969 = arith.constant 32 : index
      %swap3A_970 = tpu.vector_load %arg9[%swap3A_968, %swap3A_969] {strides = array<i32>} : memref<8x128xf32, #tpu.memory_space<vmem>>, vector<1x16xf32>,
      %swap3A_971 = vector.shape_cast %swap3A_970 : vector<1x16xf32> to vector<16xf32>
      %swap3A_972 = vector.shape_cast %sub3A_908 : vector<16xf32> to vector<1x16xf32>
      tpu.vector_store %arg9[%swap3A_968, %swap3A_969], %swap3A_972 {strides = array<i32>} : memref<8x128xf32, #tpu.memory_space<vmem>>, vector<1x16xf32>,
      %swap3A_973 = arith.constant 3 : i32
      %swap3A_974 = arith.index_cast %swap3A_973 : i32 to index
      %swap3A_975 = arith.constant 32 : index
      %swap3A_976 = tpu.vector_load %arg10[%swap3A_974, %swap3A_975] {strides = array<i32>} : memref<8x128xf32, #tpu.memory_space<vmem>>, vector<1x16xf32>,
      %swap3A_977 = vector.shape_cast %swap3A_976 : vector<1x16xf32> to vector<16xf32>
      %swap3A_978 = vector.shape_cast %add3A_927 : vector<16xf32> to vector<1x16xf32>
      tpu.vector_store %arg10[%swap3A_974, %swap3A_975], %swap3A_978 {strides = array<i32>} : memref<8x128xf32, #tpu.memory_space<vmem>>, vector<1x16xf32>,
      %add3A_979 = arith.constant 512 : i32
      %add3A_980 = vector.broadcast %add3A_979 : i32 to vector<16xi32>
      %add3A_981 = arith.addi %add3A_914, %add3A_980 : vector<16xi32>
      %swap3A_982 = arith.constant 3 : i32
      %swap3A_983 = arith.index_cast %swap3A_982 : i32 to index
      %swap3A_984 = arith.constant 64 : index
      %swap3A_985 = tpu.vector_load %arg8[%swap3A_983, %swap3A_984] {strides = array<i32>} : memref<8x128xi32, #tpu.memory_space<vmem>>, vector<1x16xi32>,
      %swap3A_986 = vector.shape_cast %swap3A_985 : vector<1x16xi32> to vector<16xi32>
      %swap3A_987 = vector.shape_cast %add3A_981 : vector<16xi32> to vector<1x16xi32>
      tpu.vector_store %arg8[%swap3A_983, %swap3A_984], %swap3A_987 {strides = array<i32>} : memref<8x128xi32, #tpu.memory_space<vmem>>, vector<1x16xi32>,
      %swap3A_988 = arith.constant 3 : i32
      %swap3A_989 = arith.index_cast %swap3A_988 : i32 to index
      %swap3A_990 = arith.constant 64 : index
      %swap3A_991 = tpu.vector_load %arg9[%swap3A_989, %swap3A_990] {strides = array<i32>} : memref<8x128xf32, #tpu.memory_space<vmem>>, vector<1x16xf32>,
      %swap3A_992 = vector.shape_cast %swap3A_991 : vector<1x16xf32> to vector<16xf32>
      %swap3A_993 = vector.shape_cast %add3A_930 : vector<16xf32> to vector<1x16xf32>
      tpu.vector_store %arg9[%swap3A_989, %swap3A_990], %swap3A_993 {strides = array<i32>} : memref<8x128xf32, #tpu.memory_space<vmem>>, vector<1x16xf32>,
      %swap3A_994 = arith.constant 3 : i32
      %swap3A_995 = arith.index_cast %swap3A_994 : i32 to index
      %swap3A_996 = arith.constant 64 : index
      %swap3A_997 = tpu.vector_load %arg10[%swap3A_995, %swap3A_996] {strides = array<i32>} : memref<8x128xf32, #tpu.memory_space<vmem>>, vector<1x16xf32>,
      %swap3A_998 = vector.shape_cast %swap3A_997 : vector<1x16xf32> to vector<16xf32>
      %swap3A_999 = vector.shape_cast %sub3A_910 : vector<16xf32> to vector<1x16xf32>
      tpu.vector_store %arg10[%swap3A_995, %swap3A_996], %swap3A_999 {strides = array<i32>} : memref<8x128xf32, #tpu.memory_space<vmem>>, vector<1x16xf32>,
      %add3A_1000 = arith.constant 513 : i32
      %add3A_1001 = vector.broadcast %add3A_1000 : i32 to vector<16xi32>
      %add3A_1002 = arith.addi %add3A_914, %add3A_1001 : vector<16xi32>
      %swap3A_1003 = arith.constant 3 : i32
      %swap3A_1004 = arith.index_cast %swap3A_1003 : i32 to index
      %swap3A_1005 = arith.constant 96 : index
      %swap3A_1006 = tpu.vector_load %arg8[%swap3A_1004, %swap3A_1005] {strides = array<i32>} : memref<8x128xi32, #tpu.memory_space<vmem>>, vector<1x16xi32>,
      %swap3A_1007 = vector.shape_cast %swap3A_1006 : vector<1x16xi32> to vector<16xi32>
      %swap3A_1008 = vector.shape_cast %add3A_1002 : vector<16xi32> to vector<1x16xi32>
      tpu.vector_store %arg8[%swap3A_1004, %swap3A_1005], %swap3A_1008 {strides = array<i32>} : memref<8x128xi32, #tpu.memory_space<vmem>>, vector<1x16xi32>,
      %swap3A_1009 = arith.constant 3 : i32
      %swap3A_1010 = arith.index_cast %swap3A_1009 : i32 to index
      %swap3A_1011 = arith.constant 96 : index
      %swap3A_1012 = tpu.vector_load %arg9[%swap3A_1010, %swap3A_1011] {strides = array<i32>} : memref<8x128xf32, #tpu.memory_space<vmem>>, vector<1x16xf32>,
      %swap3A_1013 = vector.shape_cast %swap3A_1012 : vector<1x16xf32> to vector<16xf32>
      %swap3A_1014 = vector.shape_cast %neg3A_933 : vector<16xf32> to vector<1x16xf32>
      tpu.vector_store %arg9[%swap3A_1010, %swap3A_1011], %swap3A_1014 {strides = array<i32>} : memref<8x128xf32, #tpu.memory_space<vmem>>, vector<1x16xf32>,
      %swap3A_1015 = arith.constant 3 : i32
      %swap3A_1016 = arith.index_cast %swap3A_1015 : i32 to index
      %swap3A_1017 = arith.constant 96 : index
      %swap3A_1018 = tpu.vector_load %arg10[%swap3A_1016, %swap3A_1017] {strides = array<i32>} : memref<8x128xf32, #tpu.memory_space<vmem>>, vector<1x16xf32>,
      %swap3A_1019 = vector.shape_cast %swap3A_1018 : vector<1x16xf32> to vector<16xf32>
      %swap3A_1020 = vector.shape_cast %neg3A_936 : vector<16xf32> to vector<1x16xf32>
      tpu.vector_store %arg10[%swap3A_1016, %swap3A_1017], %swap3A_1020 {strides = array<i32>} : memref<8x128xf32, #tpu.memory_space<vmem>>, vector<1x16xf32>,
      %mul3A_1021 = arith.constant 32 : i32
      %mul3A_1022 = arith.muli %add3A_888, %mul3A_1021 : i32
      %add3A_1023 = arith.constant 16 : i32
      %add3A_1024 = arith.addi %mul3A_1022, %add3A_1023 : i32
      %get3A_1025 = arith.index_cast %add3A_1024 : i32 to index
      %get3A_1026 = tpu.vector_load %arg6[%get3A_1025] {strides = array<i32>} : memref<8192xf32, #tpu.memory_space<vmem>>, vector<16xf32>,
      %get3A_1027 = vector.shape_cast %get3A_1026 : vector<16xf32> to vector<16xf32>
      %mul3A_1028 = arith.constant 5.110000e+02 : f32
      %mul3A_1029 = vector.broadcast %mul3A_1028 : f32 to vector<16xf32>
      %mul3A_1030 = arith.mulf %get3A_1027, %mul3A_1029 : vector<16xf32>
      %get3A_1031 = arith.index_cast %add3A_1024 : i32 to index
      %get3A_1032 = tpu.vector_load %arg7[%get3A_1031] {strides = array<i32>} : memref<8192xf32, #tpu.memory_space<vmem>>, vector<16xf32>,
      %get3A_1033 = vector.shape_cast %get3A_1032 : vector<16xf32> to vector<16xf32>
      %mul3A_1034 = arith.constant 5.110000e+02 : f32
      %mul3A_1035 = vector.broadcast %mul3A_1034 : f32 to vector<16xf32>
      %mul3A_1036 = arith.mulf %get3A_1033, %mul3A_1035 : vector<16xf32>
      %convert_element_type3A_1037 = arith.fptosi %mul3A_1030 : vector<16xf32> to vector<16xi32>
      %convert_element_type3A_1038 = arith.fptosi %mul3A_1036 : vector<16xf32> to vector<16xi32>
      %convert_element_type3A_1039 = arith.sitofp %convert_element_type3A_1038 : vector<16xi32> to vector<16xf32>
      %sub3A_1040 = arith.subf %convert_element_type3A_1039, %mul3A_1036 : vector<16xf32>
      %convert_element_type3A_1041 = arith.sitofp %convert_element_type3A_1037 : vector<16xi32> to vector<16xf32>
      %sub3A_1042 = arith.subf %convert_element_type3A_1041, %mul3A_1030 : vector<16xf32>
      %mul3A_1043 = arith.constant 512 : i32
      %mul3A_1044 = vector.broadcast %mul3A_1043 : i32 to vector<16xi32>
      %mul3A_1045 = arith.muli %convert_element_type3A_1037, %mul3A_1044 : vector<16xi32>
      %add3A_1046 = arith.addi %mul3A_1045, %convert_element_type3A_1038 : vector<16xi32>
      %neg3A_1047 = arith.constant 0.000000e+00 : f32
      %neg3A_1048 = arith.constant 1.000000e+00 : f32
      %neg3A_1049 = arith.subf %neg3A_1047, %neg3A_1048 : f32
      %sub3A_1050 = vector.broadcast %neg3A_1049 : f32 to vector<16xf32>
      %sub3A_1051 = arith.subf %sub3A_1050, %sub3A_1040 : vector<16xf32>
      %neg3A_1052 = arith.constant 0.000000e+00 : f32
      %neg3A_1053 = arith.constant 1.000000e+00 : f32
      %neg3A_1054 = arith.subf %neg3A_1052, %neg3A_1053 : f32
      %sub3A_1055 = vector.broadcast %neg3A_1054 : f32 to vector<16xf32>
      %sub3A_1056 = arith.subf %sub3A_1055, %sub3A_1042 : vector<16xf32>
      %add3A_1057 = arith.constant 1.000000e+00 : f32
      %add3A_1058 = vector.broadcast %add3A_1057 : f32 to vector<16xf32>
      %add3A_1059 = arith.addf %add3A_1058, %sub3A_1042 : vector<16xf32>
      %add3A_1060 = arith.constant 1.000000e+00 : f32
      %add3A_1061 = vector.broadcast %add3A_1060 : f32 to vector<16xf32>
      %add3A_1062 = arith.addf %add3A_1061, %sub3A_1040 : vector<16xf32>
      %neg3A_1063 = arith.constant 0.000000e+00 : f32
      %neg3A_1064 = vector.broadcast %neg3A_1063 : f32 to vector<16xf32>
      %neg3A_1065 = arith.subf %neg3A_1064, %sub3A_1040 : vector<16xf32>
      %neg3A_1066 = arith.constant 0.000000e+00 : f32
      %neg3A_1067 = vector.broadcast %neg3A_1066 : f32 to vector<16xf32>
      %neg3A_1068 = arith.subf %neg3A_1067, %sub3A_1042 : vector<16xf32>
      %add3A_1069 = arith.constant 0 : i32
      %add3A_1070 = vector.broadcast %add3A_1069 : i32 to vector<16xi32>
      %add3A_1071 = arith.addi %add3A_1046, %add3A_1070 : vector<16xi32>
      %swap3A_1072 = arith.constant 3 : i32
      %swap3A_1073 = arith.index_cast %swap3A_1072 : i32 to index
      %swap3A_1074 = arith.constant 16 : index
      %swap3A_1075 = tpu.vector_load %arg8[%swap3A_1073, %swap3A_1074] {strides = array<i32>} : memref<8x128xi32, #tpu.memory_space<vmem>>, vector<1x16xi32>,
      %swap3A_1076 = vector.shape_cast %swap3A_1075 : vector<1x16xi32> to vector<16xi32>
      %swap3A_1077 = vector.shape_cast %add3A_1071 : vector<16xi32> to vector<1x16xi32>
      tpu.vector_store %arg8[%swap3A_1073, %swap3A_1074], %swap3A_1077 {strides = array<i32>} : memref<8x128xi32, #tpu.memory_space<vmem>>, vector<1x16xi32>,
      %swap3A_1078 = arith.constant 3 : i32
      %swap3A_1079 = arith.index_cast %swap3A_1078 : i32 to index
      %swap3A_1080 = arith.constant 16 : index
      %swap3A_1081 = tpu.vector_load %arg9[%swap3A_1079, %swap3A_1080] {strides = array<i32>} : memref<8x128xf32, #tpu.memory_space<vmem>>, vector<1x16xf32>,
      %swap3A_1082 = vector.shape_cast %swap3A_1081 : vector<1x16xf32> to vector<16xf32>
      %swap3A_1083 = vector.shape_cast %sub3A_1051 : vector<16xf32> to vector<1x16xf32>
      tpu.vector_store %arg9[%swap3A_1079, %swap3A_1080], %swap3A_1083 {strides = array<i32>} : memref<8x128xf32, #tpu.memory_space<vmem>>, vector<1x16xf32>,
      %swap3A_1084 = arith.constant 3 : i32
      %swap3A_1085 = arith.index_cast %swap3A_1084 : i32 to index
      %swap3A_1086 = arith.constant 16 : index
      %swap3A_1087 = tpu.vector_load %arg10[%swap3A_1085, %swap3A_1086] {strides = array<i32>} : memref<8x128xf32, #tpu.memory_space<vmem>>, vector<1x16xf32>,
      %swap3A_1088 = vector.shape_cast %swap3A_1087 : vector<1x16xf32> to vector<16xf32>
      %swap3A_1089 = vector.shape_cast %sub3A_1056 : vector<16xf32> to vector<1x16xf32>
      tpu.vector_store %arg10[%swap3A_1085, %swap3A_1086], %swap3A_1089 {strides = array<i32>} : memref<8x128xf32, #tpu.memory_space<vmem>>, vector<1x16xf32>,
      %add3A_1090 = arith.constant 1 : i32
      %add3A_1091 = vector.broadcast %add3A_1090 : i32 to vector<16xi32>
      %add3A_1092 = arith.addi %add3A_1046, %add3A_1091 : vector<16xi32>
      %swap3A_1093 = arith.constant 3 : i32
      %swap3A_1094 = arith.index_cast %swap3A_1093 : i32 to index
      %swap3A_1095 = arith.constant 48 : index
      %swap3A_1096 = tpu.vector_load %arg8[%swap3A_1094, %swap3A_1095] {strides = array<i32>} : memref<8x128xi32, #tpu.memory_space<vmem>>, vector<1x16xi32>,
      %swap3A_1097 = vector.shape_cast %swap3A_1096 : vector<1x16xi32> to vector<16xi32>
      %swap3A_1098 = vector.shape_cast %add3A_1092 : vector<16xi32> to vector<1x16xi32>
      tpu.vector_store %arg8[%swap3A_1094, %swap3A_1095], %swap3A_1098 {strides = array<i32>} : memref<8x128xi32, #tpu.memory_space<vmem>>, vector<1x16xi32>,
      %swap3A_1099 = arith.constant 3 : i32
      %swap3A_1100 = arith.index_cast %swap3A_1099 : i32 to index
      %swap3A_1101 = arith.constant 48 : index
      %swap3A_1102 = tpu.vector_load %arg9[%swap3A_1100, %swap3A_1101] {strides = array<i32>} : memref<8x128xf32, #tpu.memory_space<vmem>>, vector<1x16xf32>,
      %swap3A_1103 = vector.shape_cast %swap3A_1102 : vector<1x16xf32> to vector<16xf32>
      %swap3A_1104 = vector.shape_cast %sub3A_1040 : vector<16xf32> to vector<1x16xf32>
      tpu.vector_store %arg9[%swap3A_1100, %swap3A_1101], %swap3A_1104 {strides = array<i32>} : memref<8x128xf32, #tpu.memory_space<vmem>>, vector<1x16xf32>,
      %swap3A_1105 = arith.constant 3 : i32
      %swap3A_1106 = arith.index_cast %swap3A_1105 : i32 to index
      %swap3A_1107 = arith.constant 48 : index
      %swap3A_1108 = tpu.vector_load %arg10[%swap3A_1106, %swap3A_1107] {strides = array<i32>} : memref<8x128xf32, #tpu.memory_space<vmem>>, vector<1x16xf32>,
      %swap3A_1109 = vector.shape_cast %swap3A_1108 : vector<1x16xf32> to vector<16xf32>
      %swap3A_1110 = vector.shape_cast %add3A_1059 : vector<16xf32> to vector<1x16xf32>
      tpu.vector_store %arg10[%swap3A_1106, %swap3A_1107], %swap3A_1110 {strides = array<i32>} : memref<8x128xf32, #tpu.memory_space<vmem>>, vector<1x16xf32>,
      %add3A_1111 = arith.constant 512 : i32
      %add3A_1112 = vector.broadcast %add3A_1111 : i32 to vector<16xi32>
      %add3A_1113 = arith.addi %add3A_1046, %add3A_1112 : vector<16xi32>
      %swap3A_1114 = arith.constant 3 : i32
      %swap3A_1115 = arith.index_cast %swap3A_1114 : i32 to index
      %swap3A_1116 = arith.constant 80 : index
      %swap3A_1117 = tpu.vector_load %arg8[%swap3A_1115, %swap3A_1116] {strides = array<i32>} : memref<8x128xi32, #tpu.memory_space<vmem>>, vector<1x16xi32>,
      %swap3A_1118 = vector.shape_cast %swap3A_1117 : vector<1x16xi32> to vector<16xi32>
      %swap3A_1119 = vector.shape_cast %add3A_1113 : vector<16xi32> to vector<1x16xi32>
      tpu.vector_store %arg8[%swap3A_1115, %swap3A_1116], %swap3A_1119 {strides = array<i32>} : memref<8x128xi32, #tpu.memory_space<vmem>>, vector<1x16xi32>,
      %swap3A_1120 = arith.constant 3 : i32
      %swap3A_1121 = arith.index_cast %swap3A_1120 : i32 to index
      %swap3A_1122 = arith.constant 80 : index
      %swap3A_1123 = tpu.vector_load %arg9[%swap3A_1121, %swap3A_1122] {strides = array<i32>} : memref<8x128xf32, #tpu.memory_space<vmem>>, vector<1x16xf32>,
      %swap3A_1124 = vector.shape_cast %swap3A_1123 : vector<1x16xf32> to vector<16xf32>
      %swap3A_1125 = vector.shape_cast %add3A_1062 : vector<16xf32> to vector<1x16xf32>
      tpu.vector_store %arg9[%swap3A_1121, %swap3A_1122], %swap3A_1125 {strides = array<i32>} : memref<8x128xf32, #tpu.memory_space<vmem>>, vector<1x16xf32>,
      %swap3A_1126 = arith.constant 3 : i32
      %swap3A_1127 = arith.index_cast %swap3A_1126 : i32 to index
      %swap3A_1128 = arith.constant 80 : index
      %swap3A_1129 = tpu.vector_load %arg10[%swap3A_1127, %swap3A_1128] {strides = array<i32>} : memref<8x128xf32, #tpu.memory_space<vmem>>, vector<1x16xf32>,
      %swap3A_1130 = vector.shape_cast %swap3A_1129 : vector<1x16xf32> to vector<16xf32>
      %swap3A_1131 = vector.shape_cast %sub3A_1042 : vector<16xf32> to vector<1x16xf32>
      tpu.vector_store %arg10[%swap3A_1127, %swap3A_1128], %swap3A_1131 {strides = array<i32>} : memref<8x128xf32, #tpu.memory_space<vmem>>, vector<1x16xf32>,
      %add3A_1132 = arith.constant 513 : i32
      %add3A_1133 = vector.broadcast %add3A_1132 : i32 to vector<16xi32>
      %add3A_1134 = arith.addi %add3A_1046, %add3A_1133 : vector<16xi32>
      %swap3A_1135 = arith.constant 3 : i32
      %swap3A_1136 = arith.index_cast %swap3A_1135 : i32 to index
      %swap3A_1137 = arith.constant 112 : index
      %swap3A_1138 = tpu.vector_load %arg8[%swap3A_1136, %swap3A_1137] {strides = array<i32>} : memref<8x128xi32, #tpu.memory_space<vmem>>, vector<1x16xi32>,
      %swap3A_1139 = vector.shape_cast %swap3A_1138 : vector<1x16xi32> to vector<16xi32>
      %swap3A_1140 = vector.shape_cast %add3A_1134 : vector<16xi32> to vector<1x16xi32>
      tpu.vector_store %arg8[%swap3A_1136, %swap3A_1137], %swap3A_1140 {strides = array<i32>} : memref<8x128xi32, #tpu.memory_space<vmem>>, vector<1x16xi32>,
      %swap3A_1141 = arith.constant 3 : i32
      %swap3A_1142 = arith.index_cast %swap3A_1141 : i32 to index
      %swap3A_1143 = arith.constant 112 : index
      %swap3A_1144 = tpu.vector_load %arg9[%swap3A_1142, %swap3A_1143] {strides = array<i32>} : memref<8x128xf32, #tpu.memory_space<vmem>>, vector<1x16xf32>,
      %swap3A_1145 = vector.shape_cast %swap3A_1144 : vector<1x16xf32> to vector<16xf32>
      %swap3A_1146 = vector.shape_cast %neg3A_1065 : vector<16xf32> to vector<1x16xf32>
      tpu.vector_store %arg9[%swap3A_1142, %swap3A_1143], %swap3A_1146 {strides = array<i32>} : memref<8x128xf32, #tpu.memory_space<vmem>>, vector<1x16xf32>,
      %swap3A_1147 = arith.constant 3 : i32
      %swap3A_1148 = arith.index_cast %swap3A_1147 : i32 to index
      %swap3A_1149 = arith.constant 112 : index
      %swap3A_1150 = tpu.vector_load %arg10[%swap3A_1148, %swap3A_1149] {strides = array<i32>} : memref<8x128xf32, #tpu.memory_space<vmem>>, vector<1x16xf32>,
      %swap3A_1151 = vector.shape_cast %swap3A_1150 : vector<1x16xf32> to vector<16xf32>
      %swap3A_1152 = vector.shape_cast %neg3A_1068 : vector<16xf32> to vector<1x16xf32>
      tpu.vector_store %arg10[%swap3A_1148, %swap3A_1149], %swap3A_1152 {strides = array<i32>} : memref<8x128xf32, #tpu.memory_space<vmem>>, vector<1x16xf32>,
      %dma_start3A_1153 = arith.constant 3 : i32
      %dma_start3A_1154 = arith.constant 3 : i32
      %dma_start3A_1155 = arith.constant 0 : i32
      %dma_start3A_1156 = tpu.memref_slice %arg9[%dma_start3A_1153, %dma_start3A_1155] : memref<8x128xf32, #tpu.memory_space<vmem>> -> memref<1x128xf32, #tpu.memory_space<vmem>>
      %dma_start3A_1157 = tpu.memref_squeeze %dma_start3A_1156 : memref<1x128xf32, #tpu.memory_space<vmem>> -> memref<128xf32, #tpu.memory_space<vmem>>
      %dma_start3A_1158 = arith.constant 0 : i32
      %dma_start3A_1159 = tpu.memref_slice %arg8[%dma_start3A_1154, %dma_start3A_1158] : memref<8x128xi32, #tpu.memory_space<vmem>> -> memref<1x128xi32, #tpu.memory_space<vmem>>
      %dma_start3A_1160 = tpu.memref_squeeze %dma_start3A_1159 : memref<1x128xi32, #tpu.memory_space<vmem>> -> memref<128xi32, #tpu.memory_space<vmem>>
      %dma_start3A_1161 = arith.constant 0 : i32
      %dma_start3A_1162 = tpu.memref_slice %arg12[%dma_start3A_1161] : memref<262144xf32, #tpu.memory_space<vmem_shared>> -> memref<262144xf32, #tpu.memory_space<vmem_shared>>
      tpu.enqueue_indirect_dma source(%dma_start3A_1157 : memref<128xf32, #tpu.memory_space<vmem>>) target(%dma_start3A_1162 : memref<262144xf32, #tpu.memory_space<vmem_shared>>) offsets(%dma_start3A_1160 : memref<128xi32, #tpu.memory_space<vmem>>) semaphore(%arg14 : memref<!tpu.dma_semaphore, #tpu.memory_space<semaphore_mem>>) {add = true}
      %dma_start3A_1163 = arith.constant 3 : i32
      %dma_start3A_1164 = arith.constant 3 : i32
      %dma_start3A_1165 = arith.constant 0 : i32
      %dma_start3A_1166 = tpu.memref_slice %arg10[%dma_start3A_1163, %dma_start3A_1165] : memref<8x128xf32, #tpu.memory_space<vmem>> -> memref<1x128xf32, #tpu.memory_space<vmem>>
      %dma_start3A_1167 = tpu.memref_squeeze %dma_start3A_1166 : memref<1x128xf32, #tpu.memory_space<vmem>> -> memref<128xf32, #tpu.memory_space<vmem>>
      %dma_start3A_1168 = arith.constant 0 : i32
      %dma_start3A_1169 = tpu.memref_slice %arg8[%dma_start3A_1164, %dma_start3A_1168] : memref<8x128xi32, #tpu.memory_space<vmem>> -> memref<1x128xi32, #tpu.memory_space<vmem>>
      %dma_start3A_1170 = tpu.memref_squeeze %dma_start3A_1169 : memref<1x128xi32, #tpu.memory_space<vmem>> -> memref<128xi32, #tpu.memory_space<vmem>>
      %dma_start3A_1171 = arith.constant 0 : i32
      %dma_start3A_1172 = tpu.memref_slice %arg13[%dma_start3A_1171] : memref<262144xf32, #tpu.memory_space<vmem_shared>> -> memref<262144xf32, #tpu.memory_space<vmem_shared>>
      tpu.enqueue_indirect_dma source(%dma_start3A_1167 : memref<128xf32, #tpu.memory_space<vmem>>) target(%dma_start3A_1172 : memref<262144xf32, #tpu.memory_space<vmem_shared>>) offsets(%dma_start3A_1170 : memref<128xi32, #tpu.memory_space<vmem>>) semaphore(%arg14 : memref<!tpu.dma_semaphore, #tpu.memory_space<semaphore_mem>>) {add = true}
      %mul3A_1173 = arith.constant 8 : i32
      %mul3A_1174 = arith.muli %scan3A_25, %mul3A_1173 : i32
      %add3A_1175 = arith.constant 4 : i32
      %add3A_1176 = arith.addi %mul3A_1174, %add3A_1175 : i32
      %mul3A_1177 = arith.constant 32 : i32
      %mul3A_1178 = arith.muli %add3A_1176, %mul3A_1177 : i32
      %add3A_1179 = arith.constant 0 : i32
      %add3A_1180 = arith.addi %mul3A_1178, %add3A_1179 : i32
      %get3A_1181 = arith.index_cast %add3A_1180 : i32 to index
      %get3A_1182 = tpu.vector_load %arg6[%get3A_1181] {strides = array<i32>} : memref<8192xf32, #tpu.memory_space<vmem>>, vector<16xf32>,
      %get3A_1183 = vector.shape_cast %get3A_1182 : vector<16xf32> to vector<16xf32>
      %mul3A_1184 = arith.constant 5.110000e+02 : f32
      %mul3A_1185 = vector.broadcast %mul3A_1184 : f32 to vector<16xf32>
      %mul3A_1186 = arith.mulf %get3A_1183, %mul3A_1185 : vector<16xf32>
      %get3A_1187 = arith.index_cast %add3A_1180 : i32 to index
      %get3A_1188 = tpu.vector_load %arg7[%get3A_1187] {strides = array<i32>} : memref<8192xf32, #tpu.memory_space<vmem>>, vector<16xf32>,
      %get3A_1189 = vector.shape_cast %get3A_1188 : vector<16xf32> to vector<16xf32>
      %mul3A_1190 = arith.constant 5.110000e+02 : f32
      %mul3A_1191 = vector.broadcast %mul3A_1190 : f32 to vector<16xf32>
      %mul3A_1192 = arith.mulf %get3A_1189, %mul3A_1191 : vector<16xf32>
      %convert_element_type3A_1193 = arith.fptosi %mul3A_1186 : vector<16xf32> to vector<16xi32>
      %convert_element_type3A_1194 = arith.fptosi %mul3A_1192 : vector<16xf32> to vector<16xi32>
      %convert_element_type3A_1195 = arith.sitofp %convert_element_type3A_1194 : vector<16xi32> to vector<16xf32>
      %sub3A_1196 = arith.subf %convert_element_type3A_1195, %mul3A_1192 : vector<16xf32>
      %convert_element_type3A_1197 = arith.sitofp %convert_element_type3A_1193 : vector<16xi32> to vector<16xf32>
      %sub3A_1198 = arith.subf %convert_element_type3A_1197, %mul3A_1186 : vector<16xf32>
      %mul3A_1199 = arith.constant 512 : i32
      %mul3A_1200 = vector.broadcast %mul3A_1199 : i32 to vector<16xi32>
      %mul3A_1201 = arith.muli %convert_element_type3A_1193, %mul3A_1200 : vector<16xi32>
      %add3A_1202 = arith.addi %mul3A_1201, %convert_element_type3A_1194 : vector<16xi32>
      %neg3A_1203 = arith.constant 0.000000e+00 : f32
      %neg3A_1204 = arith.constant 1.000000e+00 : f32
      %neg3A_1205 = arith.subf %neg3A_1203, %neg3A_1204 : f32
      %sub3A_1206 = vector.broadcast %neg3A_1205 : f32 to vector<16xf32>
      %sub3A_1207 = arith.subf %sub3A_1206, %sub3A_1196 : vector<16xf32>
      %neg3A_1208 = arith.constant 0.000000e+00 : f32
      %neg3A_1209 = arith.constant 1.000000e+00 : f32
      %neg3A_1210 = arith.subf %neg3A_1208, %neg3A_1209 : f32
      %sub3A_1211 = vector.broadcast %neg3A_1210 : f32 to vector<16xf32>
      %sub3A_1212 = arith.subf %sub3A_1211, %sub3A_1198 : vector<16xf32>
      %add3A_1213 = arith.constant 1.000000e+00 : f32
      %add3A_1214 = vector.broadcast %add3A_1213 : f32 to vector<16xf32>
      %add3A_1215 = arith.addf %add3A_1214, %sub3A_1198 : vector<16xf32>
      %add3A_1216 = arith.constant 1.000000e+00 : f32
      %add3A_1217 = vector.broadcast %add3A_1216 : f32 to vector<16xf32>
      %add3A_1218 = arith.addf %add3A_1217, %sub3A_1196 : vector<16xf32>
      %neg3A_1219 = arith.constant 0.000000e+00 : f32
      %neg3A_1220 = vector.broadcast %neg3A_1219 : f32 to vector<16xf32>
      %neg3A_1221 = arith.subf %neg3A_1220, %sub3A_1196 : vector<16xf32>
      %neg3A_1222 = arith.constant 0.000000e+00 : f32
      %neg3A_1223 = vector.broadcast %neg3A_1222 : f32 to vector<16xf32>
      %neg3A_1224 = arith.subf %neg3A_1223, %sub3A_1198 : vector<16xf32>
      %add3A_1225 = arith.constant 0 : i32
      %add3A_1226 = vector.broadcast %add3A_1225 : i32 to vector<16xi32>
      %add3A_1227 = arith.addi %add3A_1202, %add3A_1226 : vector<16xi32>
      %swap3A_1228 = arith.constant 4 : i32
      %swap3A_1229 = arith.index_cast %swap3A_1228 : i32 to index
      %swap3A_1230 = arith.constant 0 : index
      %swap3A_1231 = tpu.vector_load %arg8[%swap3A_1229, %swap3A_1230] {strides = array<i32>} : memref<8x128xi32, #tpu.memory_space<vmem>>, vector<1x16xi32>,
      %swap3A_1232 = vector.shape_cast %swap3A_1231 : vector<1x16xi32> to vector<16xi32>
      %swap3A_1233 = vector.shape_cast %add3A_1227 : vector<16xi32> to vector<1x16xi32>
      tpu.vector_store %arg8[%swap3A_1229, %swap3A_1230], %swap3A_1233 {strides = array<i32>} : memref<8x128xi32, #tpu.memory_space<vmem>>, vector<1x16xi32>,
      %swap3A_1234 = arith.constant 4 : i32
      %swap3A_1235 = arith.index_cast %swap3A_1234 : i32 to index
      %swap3A_1236 = arith.constant 0 : index
      %swap3A_1237 = tpu.vector_load %arg9[%swap3A_1235, %swap3A_1236] {strides = array<i32>} : memref<8x128xf32, #tpu.memory_space<vmem>>, vector<1x16xf32>,
      %swap3A_1238 = vector.shape_cast %swap3A_1237 : vector<1x16xf32> to vector<16xf32>
      %swap3A_1239 = vector.shape_cast %sub3A_1207 : vector<16xf32> to vector<1x16xf32>
      tpu.vector_store %arg9[%swap3A_1235, %swap3A_1236], %swap3A_1239 {strides = array<i32>} : memref<8x128xf32, #tpu.memory_space<vmem>>, vector<1x16xf32>,
      %swap3A_1240 = arith.constant 4 : i32
      %swap3A_1241 = arith.index_cast %swap3A_1240 : i32 to index
      %swap3A_1242 = arith.constant 0 : index
      %swap3A_1243 = tpu.vector_load %arg10[%swap3A_1241, %swap3A_1242] {strides = array<i32>} : memref<8x128xf32, #tpu.memory_space<vmem>>, vector<1x16xf32>,
      %swap3A_1244 = vector.shape_cast %swap3A_1243 : vector<1x16xf32> to vector<16xf32>
      %swap3A_1245 = vector.shape_cast %sub3A_1212 : vector<16xf32> to vector<1x16xf32>
      tpu.vector_store %arg10[%swap3A_1241, %swap3A_1242], %swap3A_1245 {strides = array<i32>} : memref<8x128xf32, #tpu.memory_space<vmem>>, vector<1x16xf32>,
      %add3A_1246 = arith.constant 1 : i32
      %add3A_1247 = vector.broadcast %add3A_1246 : i32 to vector<16xi32>
      %add3A_1248 = arith.addi %add3A_1202, %add3A_1247 : vector<16xi32>
      %swap3A_1249 = arith.constant 4 : i32
      %swap3A_1250 = arith.index_cast %swap3A_1249 : i32 to index
      %swap3A_1251 = arith.constant 32 : index
      %swap3A_1252 = tpu.vector_load %arg8[%swap3A_1250, %swap3A_1251] {strides = array<i32>} : memref<8x128xi32, #tpu.memory_space<vmem>>, vector<1x16xi32>,
      %swap3A_1253 = vector.shape_cast %swap3A_1252 : vector<1x16xi32> to vector<16xi32>
      %swap3A_1254 = vector.shape_cast %add3A_1248 : vector<16xi32> to vector<1x16xi32>
      tpu.vector_store %arg8[%swap3A_1250, %swap3A_1251], %swap3A_1254 {strides = array<i32>} : memref<8x128xi32, #tpu.memory_space<vmem>>, vector<1x16xi32>,
      %swap3A_1255 = arith.constant 4 : i32
      %swap3A_1256 = arith.index_cast %swap3A_1255 : i32 to index
      %swap3A_1257 = arith.constant 32 : index
      %swap3A_1258 = tpu.vector_load %arg9[%swap3A_1256, %swap3A_1257] {strides = array<i32>} : memref<8x128xf32, #tpu.memory_space<vmem>>, vector<1x16xf32>,
      %swap3A_1259 = vector.shape_cast %swap3A_1258 : vector<1x16xf32> to vector<16xf32>
      %swap3A_1260 = vector.shape_cast %sub3A_1196 : vector<16xf32> to vector<1x16xf32>
      tpu.vector_store %arg9[%swap3A_1256, %swap3A_1257], %swap3A_1260 {strides = array<i32>} : memref<8x128xf32, #tpu.memory_space<vmem>>, vector<1x16xf32>,
      %swap3A_1261 = arith.constant 4 : i32
      %swap3A_1262 = arith.index_cast %swap3A_1261 : i32 to index
      %swap3A_1263 = arith.constant 32 : index
      %swap3A_1264 = tpu.vector_load %arg10[%swap3A_1262, %swap3A_1263] {strides = array<i32>} : memref<8x128xf32, #tpu.memory_space<vmem>>, vector<1x16xf32>,
      %swap3A_1265 = vector.shape_cast %swap3A_1264 : vector<1x16xf32> to vector<16xf32>
      %swap3A_1266 = vector.shape_cast %add3A_1215 : vector<16xf32> to vector<1x16xf32>
      tpu.vector_store %arg10[%swap3A_1262, %swap3A_1263], %swap3A_1266 {strides = array<i32>} : memref<8x128xf32, #tpu.memory_space<vmem>>, vector<1x16xf32>,
      %add3A_1267 = arith.constant 512 : i32
      %add3A_1268 = vector.broadcast %add3A_1267 : i32 to vector<16xi32>
      %add3A_1269 = arith.addi %add3A_1202, %add3A_1268 : vector<16xi32>
      %swap3A_1270 = arith.constant 4 : i32
      %swap3A_1271 = arith.index_cast %swap3A_1270 : i32 to index
      %swap3A_1272 = arith.constant 64 : index
      %swap3A_1273 = tpu.vector_load %arg8[%swap3A_1271, %swap3A_1272] {strides = array<i32>} : memref<8x128xi32, #tpu.memory_space<vmem>>, vector<1x16xi32>,
      %swap3A_1274 = vector.shape_cast %swap3A_1273 : vector<1x16xi32> to vector<16xi32>
      %swap3A_1275 = vector.shape_cast %add3A_1269 : vector<16xi32> to vector<1x16xi32>
      tpu.vector_store %arg8[%swap3A_1271, %swap3A_1272], %swap3A_1275 {strides = array<i32>} : memref<8x128xi32, #tpu.memory_space<vmem>>, vector<1x16xi32>,
      %swap3A_1276 = arith.constant 4 : i32
      %swap3A_1277 = arith.index_cast %swap3A_1276 : i32 to index
      %swap3A_1278 = arith.constant 64 : index
      %swap3A_1279 = tpu.vector_load %arg9[%swap3A_1277, %swap3A_1278] {strides = array<i32>} : memref<8x128xf32, #tpu.memory_space<vmem>>, vector<1x16xf32>,
      %swap3A_1280 = vector.shape_cast %swap3A_1279 : vector<1x16xf32> to vector<16xf32>
      %swap3A_1281 = vector.shape_cast %add3A_1218 : vector<16xf32> to vector<1x16xf32>
      tpu.vector_store %arg9[%swap3A_1277, %swap3A_1278], %swap3A_1281 {strides = array<i32>} : memref<8x128xf32, #tpu.memory_space<vmem>>, vector<1x16xf32>,
      %swap3A_1282 = arith.constant 4 : i32
      %swap3A_1283 = arith.index_cast %swap3A_1282 : i32 to index
      %swap3A_1284 = arith.constant 64 : index
      %swap3A_1285 = tpu.vector_load %arg10[%swap3A_1283, %swap3A_1284] {strides = array<i32>} : memref<8x128xf32, #tpu.memory_space<vmem>>, vector<1x16xf32>,
      %swap3A_1286 = vector.shape_cast %swap3A_1285 : vector<1x16xf32> to vector<16xf32>
      %swap3A_1287 = vector.shape_cast %sub3A_1198 : vector<16xf32> to vector<1x16xf32>
      tpu.vector_store %arg10[%swap3A_1283, %swap3A_1284], %swap3A_1287 {strides = array<i32>} : memref<8x128xf32, #tpu.memory_space<vmem>>, vector<1x16xf32>,
      %add3A_1288 = arith.constant 513 : i32
      %add3A_1289 = vector.broadcast %add3A_1288 : i32 to vector<16xi32>
      %add3A_1290 = arith.addi %add3A_1202, %add3A_1289 : vector<16xi32>
      %swap3A_1291 = arith.constant 4 : i32
      %swap3A_1292 = arith.index_cast %swap3A_1291 : i32 to index
      %swap3A_1293 = arith.constant 96 : index
      %swap3A_1294 = tpu.vector_load %arg8[%swap3A_1292, %swap3A_1293] {strides = array<i32>} : memref<8x128xi32, #tpu.memory_space<vmem>>, vector<1x16xi32>,
      %swap3A_1295 = vector.shape_cast %swap3A_1294 : vector<1x16xi32> to vector<16xi32>
      %swap3A_1296 = vector.shape_cast %add3A_1290 : vector<16xi32> to vector<1x16xi32>
      tpu.vector_store %arg8[%swap3A_1292, %swap3A_1293], %swap3A_1296 {strides = array<i32>} : memref<8x128xi32, #tpu.memory_space<vmem>>, vector<1x16xi32>,
      %swap3A_1297 = arith.constant 4 : i32
      %swap3A_1298 = arith.index_cast %swap3A_1297 : i32 to index
      %swap3A_1299 = arith.constant 96 : index
      %swap3A_1300 = tpu.vector_load %arg9[%swap3A_1298, %swap3A_1299] {strides = array<i32>} : memref<8x128xf32, #tpu.memory_space<vmem>>, vector<1x16xf32>,
      %swap3A_1301 = vector.shape_cast %swap3A_1300 : vector<1x16xf32> to vector<16xf32>
      %swap3A_1302 = vector.shape_cast %neg3A_1221 : vector<16xf32> to vector<1x16xf32>
      tpu.vector_store %arg9[%swap3A_1298, %swap3A_1299], %swap3A_1302 {strides = array<i32>} : memref<8x128xf32, #tpu.memory_space<vmem>>, vector<1x16xf32>,
      %swap3A_1303 = arith.constant 4 : i32
      %swap3A_1304 = arith.index_cast %swap3A_1303 : i32 to index
      %swap3A_1305 = arith.constant 96 : index
      %swap3A_1306 = tpu.vector_load %arg10[%swap3A_1304, %swap3A_1305] {strides = array<i32>} : memref<8x128xf32, #tpu.memory_space<vmem>>, vector<1x16xf32>,
      %swap3A_1307 = vector.shape_cast %swap3A_1306 : vector<1x16xf32> to vector<16xf32>
      %swap3A_1308 = vector.shape_cast %neg3A_1224 : vector<16xf32> to vector<1x16xf32>
      tpu.vector_store %arg10[%swap3A_1304, %swap3A_1305], %swap3A_1308 {strides = array<i32>} : memref<8x128xf32, #tpu.memory_space<vmem>>, vector<1x16xf32>,
      %mul3A_1309 = arith.constant 32 : i32
      %mul3A_1310 = arith.muli %add3A_1176, %mul3A_1309 : i32
      %add3A_1311 = arith.constant 16 : i32
      %add3A_1312 = arith.addi %mul3A_1310, %add3A_1311 : i32
      %get3A_1313 = arith.index_cast %add3A_1312 : i32 to index
      %get3A_1314 = tpu.vector_load %arg6[%get3A_1313] {strides = array<i32>} : memref<8192xf32, #tpu.memory_space<vmem>>, vector<16xf32>,
      %get3A_1315 = vector.shape_cast %get3A_1314 : vector<16xf32> to vector<16xf32>
      %mul3A_1316 = arith.constant 5.110000e+02 : f32
      %mul3A_1317 = vector.broadcast %mul3A_1316 : f32 to vector<16xf32>
      %mul3A_1318 = arith.mulf %get3A_1315, %mul3A_1317 : vector<16xf32>
      %get3A_1319 = arith.index_cast %add3A_1312 : i32 to index
      %get3A_1320 = tpu.vector_load %arg7[%get3A_1319] {strides = array<i32>} : memref<8192xf32, #tpu.memory_space<vmem>>, vector<16xf32>,
      %get3A_1321 = vector.shape_cast %get3A_1320 : vector<16xf32> to vector<16xf32>
      %mul3A_1322 = arith.constant 5.110000e+02 : f32
      %mul3A_1323 = vector.broadcast %mul3A_1322 : f32 to vector<16xf32>
      %mul3A_1324 = arith.mulf %get3A_1321, %mul3A_1323 : vector<16xf32>
      %convert_element_type3A_1325 = arith.fptosi %mul3A_1318 : vector<16xf32> to vector<16xi32>
      %convert_element_type3A_1326 = arith.fptosi %mul3A_1324 : vector<16xf32> to vector<16xi32>
      %convert_element_type3A_1327 = arith.sitofp %convert_element_type3A_1326 : vector<16xi32> to vector<16xf32>
      %sub3A_1328 = arith.subf %convert_element_type3A_1327, %mul3A_1324 : vector<16xf32>
      %convert_element_type3A_1329 = arith.sitofp %convert_element_type3A_1325 : vector<16xi32> to vector<16xf32>
      %sub3A_1330 = arith.subf %convert_element_type3A_1329, %mul3A_1318 : vector<16xf32>
      %mul3A_1331 = arith.constant 512 : i32
      %mul3A_1332 = vector.broadcast %mul3A_1331 : i32 to vector<16xi32>
      %mul3A_1333 = arith.muli %convert_element_type3A_1325, %mul3A_1332 : vector<16xi32>
      %add3A_1334 = arith.addi %mul3A_1333, %convert_element_type3A_1326 : vector<16xi32>
      %neg3A_1335 = arith.constant 0.000000e+00 : f32
      %neg3A_1336 = arith.constant 1.000000e+00 : f32
      %neg3A_1337 = arith.subf %neg3A_1335, %neg3A_1336 : f32
      %sub3A_1338 = vector.broadcast %neg3A_1337 : f32 to vector<16xf32>
      %sub3A_1339 = arith.subf %sub3A_1338, %sub3A_1328 : vector<16xf32>
      %neg3A_1340 = arith.constant 0.000000e+00 : f32
      %neg3A_1341 = arith.constant 1.000000e+00 : f32
      %neg3A_1342 = arith.subf %neg3A_1340, %neg3A_1341 : f32
      %sub3A_1343 = vector.broadcast %neg3A_1342 : f32 to vector<16xf32>
      %sub3A_1344 = arith.subf %sub3A_1343, %sub3A_1330 : vector<16xf32>
      %add3A_1345 = arith.constant 1.000000e+00 : f32
      %add3A_1346 = vector.broadcast %add3A_1345 : f32 to vector<16xf32>
      %add3A_1347 = arith.addf %add3A_1346, %sub3A_1330 : vector<16xf32>
      %add3A_1348 = arith.constant 1.000000e+00 : f32
      %add3A_1349 = vector.broadcast %add3A_1348 : f32 to vector<16xf32>
      %add3A_1350 = arith.addf %add3A_1349, %sub3A_1328 : vector<16xf32>
      %neg3A_1351 = arith.constant 0.000000e+00 : f32
      %neg3A_1352 = vector.broadcast %neg3A_1351 : f32 to vector<16xf32>
      %neg3A_1353 = arith.subf %neg3A_1352, %sub3A_1328 : vector<16xf32>
      %neg3A_1354 = arith.constant 0.000000e+00 : f32
      %neg3A_1355 = vector.broadcast %neg3A_1354 : f32 to vector<16xf32>
      %neg3A_1356 = arith.subf %neg3A_1355, %sub3A_1330 : vector<16xf32>
      %add3A_1357 = arith.constant 0 : i32
      %add3A_1358 = vector.broadcast %add3A_1357 : i32 to vector<16xi32>
      %add3A_1359 = arith.addi %add3A_1334, %add3A_1358 : vector<16xi32>
      %swap3A_1360 = arith.constant 4 : i32
      %swap3A_1361 = arith.index_cast %swap3A_1360 : i32 to index
      %swap3A_1362 = arith.constant 16 : index
      %swap3A_1363 = tpu.vector_load %arg8[%swap3A_1361, %swap3A_1362] {strides = array<i32>} : memref<8x128xi32, #tpu.memory_space<vmem>>, vector<1x16xi32>,
      %swap3A_1364 = vector.shape_cast %swap3A_1363 : vector<1x16xi32> to vector<16xi32>
      %swap3A_1365 = vector.shape_cast %add3A_1359 : vector<16xi32> to vector<1x16xi32>
      tpu.vector_store %arg8[%swap3A_1361, %swap3A_1362], %swap3A_1365 {strides = array<i32>} : memref<8x128xi32, #tpu.memory_space<vmem>>, vector<1x16xi32>,
      %swap3A_1366 = arith.constant 4 : i32
      %swap3A_1367 = arith.index_cast %swap3A_1366 : i32 to index
      %swap3A_1368 = arith.constant 16 : index
      %swap3A_1369 = tpu.vector_load %arg9[%swap3A_1367, %swap3A_1368] {strides = array<i32>} : memref<8x128xf32, #tpu.memory_space<vmem>>, vector<1x16xf32>,
      %swap3A_1370 = vector.shape_cast %swap3A_1369 : vector<1x16xf32> to vector<16xf32>
      %swap3A_1371 = vector.shape_cast %sub3A_1339 : vector<16xf32> to vector<1x16xf32>
      tpu.vector_store %arg9[%swap3A_1367, %swap3A_1368], %swap3A_1371 {strides = array<i32>} : memref<8x128xf32, #tpu.memory_space<vmem>>, vector<1x16xf32>,
      %swap3A_1372 = arith.constant 4 : i32
      %swap3A_1373 = arith.index_cast %swap3A_1372 : i32 to index
      %swap3A_1374 = arith.constant 16 : index
      %swap3A_1375 = tpu.vector_load %arg10[%swap3A_1373, %swap3A_1374] {strides = array<i32>} : memref<8x128xf32, #tpu.memory_space<vmem>>, vector<1x16xf32>,
      %swap3A_1376 = vector.shape_cast %swap3A_1375 : vector<1x16xf32> to vector<16xf32>
      %swap3A_1377 = vector.shape_cast %sub3A_1344 : vector<16xf32> to vector<1x16xf32>
      tpu.vector_store %arg10[%swap3A_1373, %swap3A_1374], %swap3A_1377 {strides = array<i32>} : memref<8x128xf32, #tpu.memory_space<vmem>>, vector<1x16xf32>,
      %add3A_1378 = arith.constant 1 : i32
      %add3A_1379 = vector.broadcast %add3A_1378 : i32 to vector<16xi32>
      %add3A_1380 = arith.addi %add3A_1334, %add3A_1379 : vector<16xi32>
      %swap3A_1381 = arith.constant 4 : i32
      %swap3A_1382 = arith.index_cast %swap3A_1381 : i32 to index
      %swap3A_1383 = arith.constant 48 : index
      %swap3A_1384 = tpu.vector_load %arg8[%swap3A_1382, %swap3A_1383] {strides = array<i32>} : memref<8x128xi32, #tpu.memory_space<vmem>>, vector<1x16xi32>,
      %swap3A_1385 = vector.shape_cast %swap3A_1384 : vector<1x16xi32> to vector<16xi32>
      %swap3A_1386 = vector.shape_cast %add3A_1380 : vector<16xi32> to vector<1x16xi32>
      tpu.vector_store %arg8[%swap3A_1382, %swap3A_1383], %swap3A_1386 {strides = array<i32>} : memref<8x128xi32, #tpu.memory_space<vmem>>, vector<1x16xi32>,
      %swap3A_1387 = arith.constant 4 : i32
      %swap3A_1388 = arith.index_cast %swap3A_1387 : i32 to index
      %swap3A_1389 = arith.constant 48 : index
      %swap3A_1390 = tpu.vector_load %arg9[%swap3A_1388, %swap3A_1389] {strides = array<i32>} : memref<8x128xf32, #tpu.memory_space<vmem>>, vector<1x16xf32>,
      %swap3A_1391 = vector.shape_cast %swap3A_1390 : vector<1x16xf32> to vector<16xf32>
      %swap3A_1392 = vector.shape_cast %sub3A_1328 : vector<16xf32> to vector<1x16xf32>
      tpu.vector_store %arg9[%swap3A_1388, %swap3A_1389], %swap3A_1392 {strides = array<i32>} : memref<8x128xf32, #tpu.memory_space<vmem>>, vector<1x16xf32>,
      %swap3A_1393 = arith.constant 4 : i32
      %swap3A_1394 = arith.index_cast %swap3A_1393 : i32 to index
      %swap3A_1395 = arith.constant 48 : index
      %swap3A_1396 = tpu.vector_load %arg10[%swap3A_1394, %swap3A_1395] {strides = array<i32>} : memref<8x128xf32, #tpu.memory_space<vmem>>, vector<1x16xf32>,
      %swap3A_1397 = vector.shape_cast %swap3A_1396 : vector<1x16xf32> to vector<16xf32>
      %swap3A_1398 = vector.shape_cast %add3A_1347 : vector<16xf32> to vector<1x16xf32>
      tpu.vector_store %arg10[%swap3A_1394, %swap3A_1395], %swap3A_1398 {strides = array<i32>} : memref<8x128xf32, #tpu.memory_space<vmem>>, vector<1x16xf32>,
      %add3A_1399 = arith.constant 512 : i32
      %add3A_1400 = vector.broadcast %add3A_1399 : i32 to vector<16xi32>
      %add3A_1401 = arith.addi %add3A_1334, %add3A_1400 : vector<16xi32>
      %swap3A_1402 = arith.constant 4 : i32
      %swap3A_1403 = arith.index_cast %swap3A_1402 : i32 to index
      %swap3A_1404 = arith.constant 80 : index
      %swap3A_1405 = tpu.vector_load %arg8[%swap3A_1403, %swap3A_1404] {strides = array<i32>} : memref<8x128xi32, #tpu.memory_space<vmem>>, vector<1x16xi32>,
      %swap3A_1406 = vector.shape_cast %swap3A_1405 : vector<1x16xi32> to vector<16xi32>
      %swap3A_1407 = vector.shape_cast %add3A_1401 : vector<16xi32> to vector<1x16xi32>
      tpu.vector_store %arg8[%swap3A_1403, %swap3A_1404], %swap3A_1407 {strides = array<i32>} : memref<8x128xi32, #tpu.memory_space<vmem>>, vector<1x16xi32>,
      %swap3A_1408 = arith.constant 4 : i32
      %swap3A_1409 = arith.index_cast %swap3A_1408 : i32 to index
      %swap3A_1410 = arith.constant 80 : index
      %swap3A_1411 = tpu.vector_load %arg9[%swap3A_1409, %swap3A_1410] {strides = array<i32>} : memref<8x128xf32, #tpu.memory_space<vmem>>, vector<1x16xf32>,
      %swap3A_1412 = vector.shape_cast %swap3A_1411 : vector<1x16xf32> to vector<16xf32>
      %swap3A_1413 = vector.shape_cast %add3A_1350 : vector<16xf32> to vector<1x16xf32>
      tpu.vector_store %arg9[%swap3A_1409, %swap3A_1410], %swap3A_1413 {strides = array<i32>} : memref<8x128xf32, #tpu.memory_space<vmem>>, vector<1x16xf32>,
      %swap3A_1414 = arith.constant 4 : i32
      %swap3A_1415 = arith.index_cast %swap3A_1414 : i32 to index
      %swap3A_1416 = arith.constant 80 : index
      %swap3A_1417 = tpu.vector_load %arg10[%swap3A_1415, %swap3A_1416] {strides = array<i32>} : memref<8x128xf32, #tpu.memory_space<vmem>>, vector<1x16xf32>,
      %swap3A_1418 = vector.shape_cast %swap3A_1417 : vector<1x16xf32> to vector<16xf32>
      %swap3A_1419 = vector.shape_cast %sub3A_1330 : vector<16xf32> to vector<1x16xf32>
      tpu.vector_store %arg10[%swap3A_1415, %swap3A_1416], %swap3A_1419 {strides = array<i32>} : memref<8x128xf32, #tpu.memory_space<vmem>>, vector<1x16xf32>,
      %add3A_1420 = arith.constant 513 : i32
      %add3A_1421 = vector.broadcast %add3A_1420 : i32 to vector<16xi32>
      %add3A_1422 = arith.addi %add3A_1334, %add3A_1421 : vector<16xi32>
      %swap3A_1423 = arith.constant 4 : i32
      %swap3A_1424 = arith.index_cast %swap3A_1423 : i32 to index
      %swap3A_1425 = arith.constant 112 : index
      %swap3A_1426 = tpu.vector_load %arg8[%swap3A_1424, %swap3A_1425] {strides = array<i32>} : memref<8x128xi32, #tpu.memory_space<vmem>>, vector<1x16xi32>,
      %swap3A_1427 = vector.shape_cast %swap3A_1426 : vector<1x16xi32> to vector<16xi32>
      %swap3A_1428 = vector.shape_cast %add3A_1422 : vector<16xi32> to vector<1x16xi32>
      tpu.vector_store %arg8[%swap3A_1424, %swap3A_1425], %swap3A_1428 {strides = array<i32>} : memref<8x128xi32, #tpu.memory_space<vmem>>, vector<1x16xi32>,
      %swap3A_1429 = arith.constant 4 : i32
      %swap3A_1430 = arith.index_cast %swap3A_1429 : i32 to index
      %swap3A_1431 = arith.constant 112 : index
      %swap3A_1432 = tpu.vector_load %arg9[%swap3A_1430, %swap3A_1431] {strides = array<i32>} : memref<8x128xf32, #tpu.memory_space<vmem>>, vector<1x16xf32>,
      %swap3A_1433 = vector.shape_cast %swap3A_1432 : vector<1x16xf32> to vector<16xf32>
      %swap3A_1434 = vector.shape_cast %neg3A_1353 : vector<16xf32> to vector<1x16xf32>
      tpu.vector_store %arg9[%swap3A_1430, %swap3A_1431], %swap3A_1434 {strides = array<i32>} : memref<8x128xf32, #tpu.memory_space<vmem>>, vector<1x16xf32>,
      %swap3A_1435 = arith.constant 4 : i32
      %swap3A_1436 = arith.index_cast %swap3A_1435 : i32 to index
      %swap3A_1437 = arith.constant 112 : index
      %swap3A_1438 = tpu.vector_load %arg10[%swap3A_1436, %swap3A_1437] {strides = array<i32>} : memref<8x128xf32, #tpu.memory_space<vmem>>, vector<1x16xf32>,
      %swap3A_1439 = vector.shape_cast %swap3A_1438 : vector<1x16xf32> to vector<16xf32>
      %swap3A_1440 = vector.shape_cast %neg3A_1356 : vector<16xf32> to vector<1x16xf32>
      tpu.vector_store %arg10[%swap3A_1436, %swap3A_1437], %swap3A_1440 {strides = array<i32>} : memref<8x128xf32, #tpu.memory_space<vmem>>, vector<1x16xf32>,
      %dma_start3A_1441 = arith.constant 4 : i32
      %dma_start3A_1442 = arith.constant 4 : i32
      %dma_start3A_1443 = arith.constant 0 : i32
      %dma_start3A_1444 = tpu.memref_slice %arg9[%dma_start3A_1441, %dma_start3A_1443] : memref<8x128xf32, #tpu.memory_space<vmem>> -> memref<1x128xf32, #tpu.memory_space<vmem>>
      %dma_start3A_1445 = tpu.memref_squeeze %dma_start3A_1444 : memref<1x128xf32, #tpu.memory_space<vmem>> -> memref<128xf32, #tpu.memory_space<vmem>>
      %dma_start3A_1446 = arith.constant 0 : i32
      %dma_start3A_1447 = tpu.memref_slice %arg8[%dma_start3A_1442, %dma_start3A_1446] : memref<8x128xi32, #tpu.memory_space<vmem>> -> memref<1x128xi32, #tpu.memory_space<vmem>>
      %dma_start3A_1448 = tpu.memref_squeeze %dma_start3A_1447 : memref<1x128xi32, #tpu.memory_space<vmem>> -> memref<128xi32, #tpu.memory_space<vmem>>
      %dma_start3A_1449 = arith.constant 0 : i32
      %dma_start3A_1450 = tpu.memref_slice %arg12[%dma_start3A_1449] : memref<262144xf32, #tpu.memory_space<vmem_shared>> -> memref<262144xf32, #tpu.memory_space<vmem_shared>>
      tpu.enqueue_indirect_dma source(%dma_start3A_1445 : memref<128xf32, #tpu.memory_space<vmem>>) target(%dma_start3A_1450 : memref<262144xf32, #tpu.memory_space<vmem_shared>>) offsets(%dma_start3A_1448 : memref<128xi32, #tpu.memory_space<vmem>>) semaphore(%arg14 : memref<!tpu.dma_semaphore, #tpu.memory_space<semaphore_mem>>) {add = true}
      %dma_start3A_1451 = arith.constant 4 : i32
      %dma_start3A_1452 = arith.constant 4 : i32
      %dma_start3A_1453 = arith.constant 0 : i32
      %dma_start3A_1454 = tpu.memref_slice %arg10[%dma_start3A_1451, %dma_start3A_1453] : memref<8x128xf32, #tpu.memory_space<vmem>> -> memref<1x128xf32, #tpu.memory_space<vmem>>
      %dma_start3A_1455 = tpu.memref_squeeze %dma_start3A_1454 : memref<1x128xf32, #tpu.memory_space<vmem>> -> memref<128xf32, #tpu.memory_space<vmem>>
      %dma_start3A_1456 = arith.constant 0 : i32
      %dma_start3A_1457 = tpu.memref_slice %arg8[%dma_start3A_1452, %dma_start3A_1456] : memref<8x128xi32, #tpu.memory_space<vmem>> -> memref<1x128xi32, #tpu.memory_space<vmem>>
      %dma_start3A_1458 = tpu.memref_squeeze %dma_start3A_1457 : memref<1x128xi32, #tpu.memory_space<vmem>> -> memref<128xi32, #tpu.memory_space<vmem>>
      %dma_start3A_1459 = arith.constant 0 : i32
      %dma_start3A_1460 = tpu.memref_slice %arg13[%dma_start3A_1459] : memref<262144xf32, #tpu.memory_space<vmem_shared>> -> memref<262144xf32, #tpu.memory_space<vmem_shared>>
      tpu.enqueue_indirect_dma source(%dma_start3A_1455 : memref<128xf32, #tpu.memory_space<vmem>>) target(%dma_start3A_1460 : memref<262144xf32, #tpu.memory_space<vmem_shared>>) offsets(%dma_start3A_1458 : memref<128xi32, #tpu.memory_space<vmem>>) semaphore(%arg14 : memref<!tpu.dma_semaphore, #tpu.memory_space<semaphore_mem>>) {add = true}
      %mul3A_1461 = arith.constant 8 : i32
      %mul3A_1462 = arith.muli %scan3A_25, %mul3A_1461 : i32
      %add3A_1463 = arith.constant 5 : i32
      %add3A_1464 = arith.addi %mul3A_1462, %add3A_1463 : i32
      %mul3A_1465 = arith.constant 32 : i32
      %mul3A_1466 = arith.muli %add3A_1464, %mul3A_1465 : i32
      %add3A_1467 = arith.constant 0 : i32
      %add3A_1468 = arith.addi %mul3A_1466, %add3A_1467 : i32
      %get3A_1469 = arith.index_cast %add3A_1468 : i32 to index
      %get3A_1470 = tpu.vector_load %arg6[%get3A_1469] {strides = array<i32>} : memref<8192xf32, #tpu.memory_space<vmem>>, vector<16xf32>,
      %get3A_1471 = vector.shape_cast %get3A_1470 : vector<16xf32> to vector<16xf32>
      %mul3A_1472 = arith.constant 5.110000e+02 : f32
      %mul3A_1473 = vector.broadcast %mul3A_1472 : f32 to vector<16xf32>
      %mul3A_1474 = arith.mulf %get3A_1471, %mul3A_1473 : vector<16xf32>
      %get3A_1475 = arith.index_cast %add3A_1468 : i32 to index
      %get3A_1476 = tpu.vector_load %arg7[%get3A_1475] {strides = array<i32>} : memref<8192xf32, #tpu.memory_space<vmem>>, vector<16xf32>,
      %get3A_1477 = vector.shape_cast %get3A_1476 : vector<16xf32> to vector<16xf32>
      %mul3A_1478 = arith.constant 5.110000e+02 : f32
      %mul3A_1479 = vector.broadcast %mul3A_1478 : f32 to vector<16xf32>
      %mul3A_1480 = arith.mulf %get3A_1477, %mul3A_1479 : vector<16xf32>
      %convert_element_type3A_1481 = arith.fptosi %mul3A_1474 : vector<16xf32> to vector<16xi32>
      %convert_element_type3A_1482 = arith.fptosi %mul3A_1480 : vector<16xf32> to vector<16xi32>
      %convert_element_type3A_1483 = arith.sitofp %convert_element_type3A_1482 : vector<16xi32> to vector<16xf32>
      %sub3A_1484 = arith.subf %convert_element_type3A_1483, %mul3A_1480 : vector<16xf32>
      %convert_element_type3A_1485 = arith.sitofp %convert_element_type3A_1481 : vector<16xi32> to vector<16xf32>
      %sub3A_1486 = arith.subf %convert_element_type3A_1485, %mul3A_1474 : vector<16xf32>
      %mul3A_1487 = arith.constant 512 : i32
      %mul3A_1488 = vector.broadcast %mul3A_1487 : i32 to vector<16xi32>
      %mul3A_1489 = arith.muli %convert_element_type3A_1481, %mul3A_1488 : vector<16xi32>
      %add3A_1490 = arith.addi %mul3A_1489, %convert_element_type3A_1482 : vector<16xi32>
      %neg3A_1491 = arith.constant 0.000000e+00 : f32
      %neg3A_1492 = arith.constant 1.000000e+00 : f32
      %neg3A_1493 = arith.subf %neg3A_1491, %neg3A_1492 : f32
      %sub3A_1494 = vector.broadcast %neg3A_1493 : f32 to vector<16xf32>
      %sub3A_1495 = arith.subf %sub3A_1494, %sub3A_1484 : vector<16xf32>
      %neg3A_1496 = arith.constant 0.000000e+00 : f32
      %neg3A_1497 = arith.constant 1.000000e+00 : f32
      %neg3A_1498 = arith.subf %neg3A_1496, %neg3A_1497 : f32
      %sub3A_1499 = vector.broadcast %neg3A_1498 : f32 to vector<16xf32>
      %sub3A_1500 = arith.subf %sub3A_1499, %sub3A_1486 : vector<16xf32>
      %add3A_1501 = arith.constant 1.000000e+00 : f32
      %add3A_1502 = vector.broadcast %add3A_1501 : f32 to vector<16xf32>
      %add3A_1503 = arith.addf %add3A_1502, %sub3A_1486 : vector<16xf32>
      %add3A_1504 = arith.constant 1.000000e+00 : f32
      %add3A_1505 = vector.broadcast %add3A_1504 : f32 to vector<16xf32>
      %add3A_1506 = arith.addf %add3A_1505, %sub3A_1484 : vector<16xf32>
      %neg3A_1507 = arith.constant 0.000000e+00 : f32
      %neg3A_1508 = vector.broadcast %neg3A_1507 : f32 to vector<16xf32>
      %neg3A_1509 = arith.subf %neg3A_1508, %sub3A_1484 : vector<16xf32>
      %neg3A_1510 = arith.constant 0.000000e+00 : f32
      %neg3A_1511 = vector.broadcast %neg3A_1510 : f32 to vector<16xf32>
      %neg3A_1512 = arith.subf %neg3A_1511, %sub3A_1486 : vector<16xf32>
      %add3A_1513 = arith.constant 0 : i32
      %add3A_1514 = vector.broadcast %add3A_1513 : i32 to vector<16xi32>
      %add3A_1515 = arith.addi %add3A_1490, %add3A_1514 : vector<16xi32>
      %swap3A_1516 = arith.constant 5 : i32
      %swap3A_1517 = arith.index_cast %swap3A_1516 : i32 to index
      %swap3A_1518 = arith.constant 0 : index
      %swap3A_1519 = tpu.vector_load %arg8[%swap3A_1517, %swap3A_1518] {strides = array<i32>} : memref<8x128xi32, #tpu.memory_space<vmem>>, vector<1x16xi32>,
      %swap3A_1520 = vector.shape_cast %swap3A_1519 : vector<1x16xi32> to vector<16xi32>
      %swap3A_1521 = vector.shape_cast %add3A_1515 : vector<16xi32> to vector<1x16xi32>
      tpu.vector_store %arg8[%swap3A_1517, %swap3A_1518], %swap3A_1521 {strides = array<i32>} : memref<8x128xi32, #tpu.memory_space<vmem>>, vector<1x16xi32>,
      %swap3A_1522 = arith.constant 5 : i32
      %swap3A_1523 = arith.index_cast %swap3A_1522 : i32 to index
      %swap3A_1524 = arith.constant 0 : index
      %swap3A_1525 = tpu.vector_load %arg9[%swap3A_1523, %swap3A_1524] {strides = array<i32>} : memref<8x128xf32, #tpu.memory_space<vmem>>, vector<1x16xf32>,
      %swap3A_1526 = vector.shape_cast %swap3A_1525 : vector<1x16xf32> to vector<16xf32>
      %swap3A_1527 = vector.shape_cast %sub3A_1495 : vector<16xf32> to vector<1x16xf32>
      tpu.vector_store %arg9[%swap3A_1523, %swap3A_1524], %swap3A_1527 {strides = array<i32>} : memref<8x128xf32, #tpu.memory_space<vmem>>, vector<1x16xf32>,
      %swap3A_1528 = arith.constant 5 : i32
      %swap3A_1529 = arith.index_cast %swap3A_1528 : i32 to index
      %swap3A_1530 = arith.constant 0 : index
      %swap3A_1531 = tpu.vector_load %arg10[%swap3A_1529, %swap3A_1530] {strides = array<i32>} : memref<8x128xf32, #tpu.memory_space<vmem>>, vector<1x16xf32>,
      %swap3A_1532 = vector.shape_cast %swap3A_1531 : vector<1x16xf32> to vector<16xf32>
      %swap3A_1533 = vector.shape_cast %sub3A_1500 : vector<16xf32> to vector<1x16xf32>
      tpu.vector_store %arg10[%swap3A_1529, %swap3A_1530], %swap3A_1533 {strides = array<i32>} : memref<8x128xf32, #tpu.memory_space<vmem>>, vector<1x16xf32>,
      %add3A_1534 = arith.constant 1 : i32
      %add3A_1535 = vector.broadcast %add3A_1534 : i32 to vector<16xi32>
      %add3A_1536 = arith.addi %add3A_1490, %add3A_1535 : vector<16xi32>
      %swap3A_1537 = arith.constant 5 : i32
      %swap3A_1538 = arith.index_cast %swap3A_1537 : i32 to index
      %swap3A_1539 = arith.constant 32 : index
      %swap3A_1540 = tpu.vector_load %arg8[%swap3A_1538, %swap3A_1539] {strides = array<i32>} : memref<8x128xi32, #tpu.memory_space<vmem>>, vector<1x16xi32>,
      %swap3A_1541 = vector.shape_cast %swap3A_1540 : vector<1x16xi32> to vector<16xi32>
      %swap3A_1542 = vector.shape_cast %add3A_1536 : vector<16xi32> to vector<1x16xi32>
      tpu.vector_store %arg8[%swap3A_1538, %swap3A_1539], %swap3A_1542 {strides = array<i32>} : memref<8x128xi32, #tpu.memory_space<vmem>>, vector<1x16xi32>,
      %swap3A_1543 = arith.constant 5 : i32
      %swap3A_1544 = arith.index_cast %swap3A_1543 : i32 to index
      %swap3A_1545 = arith.constant 32 : index
      %swap3A_1546 = tpu.vector_load %arg9[%swap3A_1544, %swap3A_1545] {strides = array<i32>} : memref<8x128xf32, #tpu.memory_space<vmem>>, vector<1x16xf32>,
      %swap3A_1547 = vector.shape_cast %swap3A_1546 : vector<1x16xf32> to vector<16xf32>
      %swap3A_1548 = vector.shape_cast %sub3A_1484 : vector<16xf32> to vector<1x16xf32>
      tpu.vector_store %arg9[%swap3A_1544, %swap3A_1545], %swap3A_1548 {strides = array<i32>} : memref<8x128xf32, #tpu.memory_space<vmem>>, vector<1x16xf32>,
      %swap3A_1549 = arith.constant 5 : i32
      %swap3A_1550 = arith.index_cast %swap3A_1549 : i32 to index
      %swap3A_1551 = arith.constant 32 : index
      %swap3A_1552 = tpu.vector_load %arg10[%swap3A_1550, %swap3A_1551] {strides = array<i32>} : memref<8x128xf32, #tpu.memory_space<vmem>>, vector<1x16xf32>,
      %swap3A_1553 = vector.shape_cast %swap3A_1552 : vector<1x16xf32> to vector<16xf32>
      %swap3A_1554 = vector.shape_cast %add3A_1503 : vector<16xf32> to vector<1x16xf32>
      tpu.vector_store %arg10[%swap3A_1550, %swap3A_1551], %swap3A_1554 {strides = array<i32>} : memref<8x128xf32, #tpu.memory_space<vmem>>, vector<1x16xf32>,
      %add3A_1555 = arith.constant 512 : i32
      %add3A_1556 = vector.broadcast %add3A_1555 : i32 to vector<16xi32>
      %add3A_1557 = arith.addi %add3A_1490, %add3A_1556 : vector<16xi32>
      %swap3A_1558 = arith.constant 5 : i32
      %swap3A_1559 = arith.index_cast %swap3A_1558 : i32 to index
      %swap3A_1560 = arith.constant 64 : index
      %swap3A_1561 = tpu.vector_load %arg8[%swap3A_1559, %swap3A_1560] {strides = array<i32>} : memref<8x128xi32, #tpu.memory_space<vmem>>, vector<1x16xi32>,
      %swap3A_1562 = vector.shape_cast %swap3A_1561 : vector<1x16xi32> to vector<16xi32>
      %swap3A_1563 = vector.shape_cast %add3A_1557 : vector<16xi32> to vector<1x16xi32>
      tpu.vector_store %arg8[%swap3A_1559, %swap3A_1560], %swap3A_1563 {strides = array<i32>} : memref<8x128xi32, #tpu.memory_space<vmem>>, vector<1x16xi32>,
      %swap3A_1564 = arith.constant 5 : i32
      %swap3A_1565 = arith.index_cast %swap3A_1564 : i32 to index
      %swap3A_1566 = arith.constant 64 : index
      %swap3A_1567 = tpu.vector_load %arg9[%swap3A_1565, %swap3A_1566] {strides = array<i32>} : memref<8x128xf32, #tpu.memory_space<vmem>>, vector<1x16xf32>,
      %swap3A_1568 = vector.shape_cast %swap3A_1567 : vector<1x16xf32> to vector<16xf32>
      %swap3A_1569 = vector.shape_cast %add3A_1506 : vector<16xf32> to vector<1x16xf32>
      tpu.vector_store %arg9[%swap3A_1565, %swap3A_1566], %swap3A_1569 {strides = array<i32>} : memref<8x128xf32, #tpu.memory_space<vmem>>, vector<1x16xf32>,
      %swap3A_1570 = arith.constant 5 : i32
      %swap3A_1571 = arith.index_cast %swap3A_1570 : i32 to index
      %swap3A_1572 = arith.constant 64 : index
      %swap3A_1573 = tpu.vector_load %arg10[%swap3A_1571, %swap3A_1572] {strides = array<i32>} : memref<8x128xf32, #tpu.memory_space<vmem>>, vector<1x16xf32>,
      %swap3A_1574 = vector.shape_cast %swap3A_1573 : vector<1x16xf32> to vector<16xf32>
      %swap3A_1575 = vector.shape_cast %sub3A_1486 : vector<16xf32> to vector<1x16xf32>
      tpu.vector_store %arg10[%swap3A_1571, %swap3A_1572], %swap3A_1575 {strides = array<i32>} : memref<8x128xf32, #tpu.memory_space<vmem>>, vector<1x16xf32>,
      %add3A_1576 = arith.constant 513 : i32
      %add3A_1577 = vector.broadcast %add3A_1576 : i32 to vector<16xi32>
      %add3A_1578 = arith.addi %add3A_1490, %add3A_1577 : vector<16xi32>
      %swap3A_1579 = arith.constant 5 : i32
      %swap3A_1580 = arith.index_cast %swap3A_1579 : i32 to index
      %swap3A_1581 = arith.constant 96 : index
      %swap3A_1582 = tpu.vector_load %arg8[%swap3A_1580, %swap3A_1581] {strides = array<i32>} : memref<8x128xi32, #tpu.memory_space<vmem>>, vector<1x16xi32>,
      %swap3A_1583 = vector.shape_cast %swap3A_1582 : vector<1x16xi32> to vector<16xi32>
      %swap3A_1584 = vector.shape_cast %add3A_1578 : vector<16xi32> to vector<1x16xi32>
      tpu.vector_store %arg8[%swap3A_1580, %swap3A_1581], %swap3A_1584 {strides = array<i32>} : memref<8x128xi32, #tpu.memory_space<vmem>>, vector<1x16xi32>,
      %swap3A_1585 = arith.constant 5 : i32
      %swap3A_1586 = arith.index_cast %swap3A_1585 : i32 to index
      %swap3A_1587 = arith.constant 96 : index
      %swap3A_1588 = tpu.vector_load %arg9[%swap3A_1586, %swap3A_1587] {strides = array<i32>} : memref<8x128xf32, #tpu.memory_space<vmem>>, vector<1x16xf32>,
      %swap3A_1589 = vector.shape_cast %swap3A_1588 : vector<1x16xf32> to vector<16xf32>
      %swap3A_1590 = vector.shape_cast %neg3A_1509 : vector<16xf32> to vector<1x16xf32>
      tpu.vector_store %arg9[%swap3A_1586, %swap3A_1587], %swap3A_1590 {strides = array<i32>} : memref<8x128xf32, #tpu.memory_space<vmem>>, vector<1x16xf32>,
      %swap3A_1591 = arith.constant 5 : i32
      %swap3A_1592 = arith.index_cast %swap3A_1591 : i32 to index
      %swap3A_1593 = arith.constant 96 : index
      %swap3A_1594 = tpu.vector_load %arg10[%swap3A_1592, %swap3A_1593] {strides = array<i32>} : memref<8x128xf32, #tpu.memory_space<vmem>>, vector<1x16xf32>,
      %swap3A_1595 = vector.shape_cast %swap3A_1594 : vector<1x16xf32> to vector<16xf32>
      %swap3A_1596 = vector.shape_cast %neg3A_1512 : vector<16xf32> to vector<1x16xf32>
      tpu.vector_store %arg10[%swap3A_1592, %swap3A_1593], %swap3A_1596 {strides = array<i32>} : memref<8x128xf32, #tpu.memory_space<vmem>>, vector<1x16xf32>,
      %mul3A_1597 = arith.constant 32 : i32
      %mul3A_1598 = arith.muli %add3A_1464, %mul3A_1597 : i32
      %add3A_1599 = arith.constant 16 : i32
      %add3A_1600 = arith.addi %mul3A_1598, %add3A_1599 : i32
      %get3A_1601 = arith.index_cast %add3A_1600 : i32 to index
      %get3A_1602 = tpu.vector_load %arg6[%get3A_1601] {strides = array<i32>} : memref<8192xf32, #tpu.memory_space<vmem>>, vector<16xf32>,
      %get3A_1603 = vector.shape_cast %get3A_1602 : vector<16xf32> to vector<16xf32>
      %mul3A_1604 = arith.constant 5.110000e+02 : f32
      %mul3A_1605 = vector.broadcast %mul3A_1604 : f32 to vector<16xf32>
      %mul3A_1606 = arith.mulf %get3A_1603, %mul3A_1605 : vector<16xf32>
      %get3A_1607 = arith.index_cast %add3A_1600 : i32 to index
      %get3A_1608 = tpu.vector_load %arg7[%get3A_1607] {strides = array<i32>} : memref<8192xf32, #tpu.memory_space<vmem>>, vector<16xf32>,
      %get3A_1609 = vector.shape_cast %get3A_1608 : vector<16xf32> to vector<16xf32>
      %mul3A_1610 = arith.constant 5.110000e+02 : f32
      %mul3A_1611 = vector.broadcast %mul3A_1610 : f32 to vector<16xf32>
      %mul3A_1612 = arith.mulf %get3A_1609, %mul3A_1611 : vector<16xf32>
      %convert_element_type3A_1613 = arith.fptosi %mul3A_1606 : vector<16xf32> to vector<16xi32>
      %convert_element_type3A_1614 = arith.fptosi %mul3A_1612 : vector<16xf32> to vector<16xi32>
      %convert_element_type3A_1615 = arith.sitofp %convert_element_type3A_1614 : vector<16xi32> to vector<16xf32>
      %sub3A_1616 = arith.subf %convert_element_type3A_1615, %mul3A_1612 : vector<16xf32>
      %convert_element_type3A_1617 = arith.sitofp %convert_element_type3A_1613 : vector<16xi32> to vector<16xf32>
      %sub3A_1618 = arith.subf %convert_element_type3A_1617, %mul3A_1606 : vector<16xf32>
      %mul3A_1619 = arith.constant 512 : i32
      %mul3A_1620 = vector.broadcast %mul3A_1619 : i32 to vector<16xi32>
      %mul3A_1621 = arith.muli %convert_element_type3A_1613, %mul3A_1620 : vector<16xi32>
      %add3A_1622 = arith.addi %mul3A_1621, %convert_element_type3A_1614 : vector<16xi32>
      %neg3A_1623 = arith.constant 0.000000e+00 : f32
      %neg3A_1624 = arith.constant 1.000000e+00 : f32
      %neg3A_1625 = arith.subf %neg3A_1623, %neg3A_1624 : f32
      %sub3A_1626 = vector.broadcast %neg3A_1625 : f32 to vector<16xf32>
      %sub3A_1627 = arith.subf %sub3A_1626, %sub3A_1616 : vector<16xf32>
      %neg3A_1628 = arith.constant 0.000000e+00 : f32
      %neg3A_1629 = arith.constant 1.000000e+00 : f32
      %neg3A_1630 = arith.subf %neg3A_1628, %neg3A_1629 : f32
      %sub3A_1631 = vector.broadcast %neg3A_1630 : f32 to vector<16xf32>
      %sub3A_1632 = arith.subf %sub3A_1631, %sub3A_1618 : vector<16xf32>
      %add3A_1633 = arith.constant 1.000000e+00 : f32
      %add3A_1634 = vector.broadcast %add3A_1633 : f32 to vector<16xf32>
      %add3A_1635 = arith.addf %add3A_1634, %sub3A_1618 : vector<16xf32>
      %add3A_1636 = arith.constant 1.000000e+00 : f32
      %add3A_1637 = vector.broadcast %add3A_1636 : f32 to vector<16xf32>
      %add3A_1638 = arith.addf %add3A_1637, %sub3A_1616 : vector<16xf32>
      %neg3A_1639 = arith.constant 0.000000e+00 : f32
      %neg3A_1640 = vector.broadcast %neg3A_1639 : f32 to vector<16xf32>
      %neg3A_1641 = arith.subf %neg3A_1640, %sub3A_1616 : vector<16xf32>
      %neg3A_1642 = arith.constant 0.000000e+00 : f32
      %neg3A_1643 = vector.broadcast %neg3A_1642 : f32 to vector<16xf32>
      %neg3A_1644 = arith.subf %neg3A_1643, %sub3A_1618 : vector<16xf32>
      %add3A_1645 = arith.constant 0 : i32
      %add3A_1646 = vector.broadcast %add3A_1645 : i32 to vector<16xi32>
      %add3A_1647 = arith.addi %add3A_1622, %add3A_1646 : vector<16xi32>
      %swap3A_1648 = arith.constant 5 : i32
      %swap3A_1649 = arith.index_cast %swap3A_1648 : i32 to index
      %swap3A_1650 = arith.constant 16 : index
      %swap3A_1651 = tpu.vector_load %arg8[%swap3A_1649, %swap3A_1650] {strides = array<i32>} : memref<8x128xi32, #tpu.memory_space<vmem>>, vector<1x16xi32>,
      %swap3A_1652 = vector.shape_cast %swap3A_1651 : vector<1x16xi32> to vector<16xi32>
      %swap3A_1653 = vector.shape_cast %add3A_1647 : vector<16xi32> to vector<1x16xi32>
      tpu.vector_store %arg8[%swap3A_1649, %swap3A_1650], %swap3A_1653 {strides = array<i32>} : memref<8x128xi32, #tpu.memory_space<vmem>>, vector<1x16xi32>,
      %swap3A_1654 = arith.constant 5 : i32
      %swap3A_1655 = arith.index_cast %swap3A_1654 : i32 to index
      %swap3A_1656 = arith.constant 16 : index
      %swap3A_1657 = tpu.vector_load %arg9[%swap3A_1655, %swap3A_1656] {strides = array<i32>} : memref<8x128xf32, #tpu.memory_space<vmem>>, vector<1x16xf32>,
      %swap3A_1658 = vector.shape_cast %swap3A_1657 : vector<1x16xf32> to vector<16xf32>
      %swap3A_1659 = vector.shape_cast %sub3A_1627 : vector<16xf32> to vector<1x16xf32>
      tpu.vector_store %arg9[%swap3A_1655, %swap3A_1656], %swap3A_1659 {strides = array<i32>} : memref<8x128xf32, #tpu.memory_space<vmem>>, vector<1x16xf32>,
      %swap3A_1660 = arith.constant 5 : i32
      %swap3A_1661 = arith.index_cast %swap3A_1660 : i32 to index
      %swap3A_1662 = arith.constant 16 : index
      %swap3A_1663 = tpu.vector_load %arg10[%swap3A_1661, %swap3A_1662] {strides = array<i32>} : memref<8x128xf32, #tpu.memory_space<vmem>>, vector<1x16xf32>,
      %swap3A_1664 = vector.shape_cast %swap3A_1663 : vector<1x16xf32> to vector<16xf32>
      %swap3A_1665 = vector.shape_cast %sub3A_1632 : vector<16xf32> to vector<1x16xf32>
      tpu.vector_store %arg10[%swap3A_1661, %swap3A_1662], %swap3A_1665 {strides = array<i32>} : memref<8x128xf32, #tpu.memory_space<vmem>>, vector<1x16xf32>,
      %add3A_1666 = arith.constant 1 : i32
      %add3A_1667 = vector.broadcast %add3A_1666 : i32 to vector<16xi32>
      %add3A_1668 = arith.addi %add3A_1622, %add3A_1667 : vector<16xi32>
      %swap3A_1669 = arith.constant 5 : i32
      %swap3A_1670 = arith.index_cast %swap3A_1669 : i32 to index
      %swap3A_1671 = arith.constant 48 : index
      %swap3A_1672 = tpu.vector_load %arg8[%swap3A_1670, %swap3A_1671] {strides = array<i32>} : memref<8x128xi32, #tpu.memory_space<vmem>>, vector<1x16xi32>,
      %swap3A_1673 = vector.shape_cast %swap3A_1672 : vector<1x16xi32> to vector<16xi32>
      %swap3A_1674 = vector.shape_cast %add3A_1668 : vector<16xi32> to vector<1x16xi32>
      tpu.vector_store %arg8[%swap3A_1670, %swap3A_1671], %swap3A_1674 {strides = array<i32>} : memref<8x128xi32, #tpu.memory_space<vmem>>, vector<1x16xi32>,
      %swap3A_1675 = arith.constant 5 : i32
      %swap3A_1676 = arith.index_cast %swap3A_1675 : i32 to index
      %swap3A_1677 = arith.constant 48 : index
      %swap3A_1678 = tpu.vector_load %arg9[%swap3A_1676, %swap3A_1677] {strides = array<i32>} : memref<8x128xf32, #tpu.memory_space<vmem>>, vector<1x16xf32>,
      %swap3A_1679 = vector.shape_cast %swap3A_1678 : vector<1x16xf32> to vector<16xf32>
      %swap3A_1680 = vector.shape_cast %sub3A_1616 : vector<16xf32> to vector<1x16xf32>
      tpu.vector_store %arg9[%swap3A_1676, %swap3A_1677], %swap3A_1680 {strides = array<i32>} : memref<8x128xf32, #tpu.memory_space<vmem>>, vector<1x16xf32>,
      %swap3A_1681 = arith.constant 5 : i32
      %swap3A_1682 = arith.index_cast %swap3A_1681 : i32 to index
      %swap3A_1683 = arith.constant 48 : index
      %swap3A_1684 = tpu.vector_load %arg10[%swap3A_1682, %swap3A_1683] {strides = array<i32>} : memref<8x128xf32, #tpu.memory_space<vmem>>, vector<1x16xf32>,
      %swap3A_1685 = vector.shape_cast %swap3A_1684 : vector<1x16xf32> to vector<16xf32>
      %swap3A_1686 = vector.shape_cast %add3A_1635 : vector<16xf32> to vector<1x16xf32>
      tpu.vector_store %arg10[%swap3A_1682, %swap3A_1683], %swap3A_1686 {strides = array<i32>} : memref<8x128xf32, #tpu.memory_space<vmem>>, vector<1x16xf32>,
      %add3A_1687 = arith.constant 512 : i32
      %add3A_1688 = vector.broadcast %add3A_1687 : i32 to vector<16xi32>
      %add3A_1689 = arith.addi %add3A_1622, %add3A_1688 : vector<16xi32>
      %swap3A_1690 = arith.constant 5 : i32
      %swap3A_1691 = arith.index_cast %swap3A_1690 : i32 to index
      %swap3A_1692 = arith.constant 80 : index
      %swap3A_1693 = tpu.vector_load %arg8[%swap3A_1691, %swap3A_1692] {strides = array<i32>} : memref<8x128xi32, #tpu.memory_space<vmem>>, vector<1x16xi32>,
      %swap3A_1694 = vector.shape_cast %swap3A_1693 : vector<1x16xi32> to vector<16xi32>
      %swap3A_1695 = vector.shape_cast %add3A_1689 : vector<16xi32> to vector<1x16xi32>
      tpu.vector_store %arg8[%swap3A_1691, %swap3A_1692], %swap3A_1695 {strides = array<i32>} : memref<8x128xi32, #tpu.memory_space<vmem>>, vector<1x16xi32>,
      %swap3A_1696 = arith.constant 5 : i32
      %swap3A_1697 = arith.index_cast %swap3A_1696 : i32 to index
      %swap3A_1698 = arith.constant 80 : index
      %swap3A_1699 = tpu.vector_load %arg9[%swap3A_1697, %swap3A_1698] {strides = array<i32>} : memref<8x128xf32, #tpu.memory_space<vmem>>, vector<1x16xf32>,
      %swap3A_1700 = vector.shape_cast %swap3A_1699 : vector<1x16xf32> to vector<16xf32>
      %swap3A_1701 = vector.shape_cast %add3A_1638 : vector<16xf32> to vector<1x16xf32>
      tpu.vector_store %arg9[%swap3A_1697, %swap3A_1698], %swap3A_1701 {strides = array<i32>} : memref<8x128xf32, #tpu.memory_space<vmem>>, vector<1x16xf32>,
      %swap3A_1702 = arith.constant 5 : i32
      %swap3A_1703 = arith.index_cast %swap3A_1702 : i32 to index
      %swap3A_1704 = arith.constant 80 : index
      %swap3A_1705 = tpu.vector_load %arg10[%swap3A_1703, %swap3A_1704] {strides = array<i32>} : memref<8x128xf32, #tpu.memory_space<vmem>>, vector<1x16xf32>,
      %swap3A_1706 = vector.shape_cast %swap3A_1705 : vector<1x16xf32> to vector<16xf32>
      %swap3A_1707 = vector.shape_cast %sub3A_1618 : vector<16xf32> to vector<1x16xf32>
      tpu.vector_store %arg10[%swap3A_1703, %swap3A_1704], %swap3A_1707 {strides = array<i32>} : memref<8x128xf32, #tpu.memory_space<vmem>>, vector<1x16xf32>,
      %add3A_1708 = arith.constant 513 : i32
      %add3A_1709 = vector.broadcast %add3A_1708 : i32 to vector<16xi32>
      %add3A_1710 = arith.addi %add3A_1622, %add3A_1709 : vector<16xi32>
      %swap3A_1711 = arith.constant 5 : i32
      %swap3A_1712 = arith.index_cast %swap3A_1711 : i32 to index
      %swap3A_1713 = arith.constant 112 : index
      %swap3A_1714 = tpu.vector_load %arg8[%swap3A_1712, %swap3A_1713] {strides = array<i32>} : memref<8x128xi32, #tpu.memory_space<vmem>>, vector<1x16xi32>,
      %swap3A_1715 = vector.shape_cast %swap3A_1714 : vector<1x16xi32> to vector<16xi32>
      %swap3A_1716 = vector.shape_cast %add3A_1710 : vector<16xi32> to vector<1x16xi32>
      tpu.vector_store %arg8[%swap3A_1712, %swap3A_1713], %swap3A_1716 {strides = array<i32>} : memref<8x128xi32, #tpu.memory_space<vmem>>, vector<1x16xi32>,
      %swap3A_1717 = arith.constant 5 : i32
      %swap3A_1718 = arith.index_cast %swap3A_1717 : i32 to index
      %swap3A_1719 = arith.constant 112 : index
      %swap3A_1720 = tpu.vector_load %arg9[%swap3A_1718, %swap3A_1719] {strides = array<i32>} : memref<8x128xf32, #tpu.memory_space<vmem>>, vector<1x16xf32>,
      %swap3A_1721 = vector.shape_cast %swap3A_1720 : vector<1x16xf32> to vector<16xf32>
      %swap3A_1722 = vector.shape_cast %neg3A_1641 : vector<16xf32> to vector<1x16xf32>
      tpu.vector_store %arg9[%swap3A_1718, %swap3A_1719], %swap3A_1722 {strides = array<i32>} : memref<8x128xf32, #tpu.memory_space<vmem>>, vector<1x16xf32>,
      %swap3A_1723 = arith.constant 5 : i32
      %swap3A_1724 = arith.index_cast %swap3A_1723 : i32 to index
      %swap3A_1725 = arith.constant 112 : index
      %swap3A_1726 = tpu.vector_load %arg10[%swap3A_1724, %swap3A_1725] {strides = array<i32>} : memref<8x128xf32, #tpu.memory_space<vmem>>, vector<1x16xf32>,
      %swap3A_1727 = vector.shape_cast %swap3A_1726 : vector<1x16xf32> to vector<16xf32>
      %swap3A_1728 = vector.shape_cast %neg3A_1644 : vector<16xf32> to vector<1x16xf32>
      tpu.vector_store %arg10[%swap3A_1724, %swap3A_1725], %swap3A_1728 {strides = array<i32>} : memref<8x128xf32, #tpu.memory_space<vmem>>, vector<1x16xf32>,
      %dma_start3A_1729 = arith.constant 5 : i32
      %dma_start3A_1730 = arith.constant 5 : i32
      %dma_start3A_1731 = arith.constant 0 : i32
      %dma_start3A_1732 = tpu.memref_slice %arg9[%dma_start3A_1729, %dma_start3A_1731] : memref<8x128xf32, #tpu.memory_space<vmem>> -> memref<1x128xf32, #tpu.memory_space<vmem>>
      %dma_start3A_1733 = tpu.memref_squeeze %dma_start3A_1732 : memref<1x128xf32, #tpu.memory_space<vmem>> -> memref<128xf32, #tpu.memory_space<vmem>>
      %dma_start3A_1734 = arith.constant 0 : i32
      %dma_start3A_1735 = tpu.memref_slice %arg8[%dma_start3A_1730, %dma_start3A_1734] : memref<8x128xi32, #tpu.memory_space<vmem>> -> memref<1x128xi32, #tpu.memory_space<vmem>>
      %dma_start3A_1736 = tpu.memref_squeeze %dma_start3A_1735 : memref<1x128xi32, #tpu.memory_space<vmem>> -> memref<128xi32, #tpu.memory_space<vmem>>
      %dma_start3A_1737 = arith.constant 0 : i32
      %dma_start3A_1738 = tpu.memref_slice %arg12[%dma_start3A_1737] : memref<262144xf32, #tpu.memory_space<vmem_shared>> -> memref<262144xf32, #tpu.memory_space<vmem_shared>>
      tpu.enqueue_indirect_dma source(%dma_start3A_1733 : memref<128xf32, #tpu.memory_space<vmem>>) target(%dma_start3A_1738 : memref<262144xf32, #tpu.memory_space<vmem_shared>>) offsets(%dma_start3A_1736 : memref<128xi32, #tpu.memory_space<vmem>>) semaphore(%arg14 : memref<!tpu.dma_semaphore, #tpu.memory_space<semaphore_mem>>) {add = true}
      %dma_start3A_1739 = arith.constant 5 : i32
      %dma_start3A_1740 = arith.constant 5 : i32
      %dma_start3A_1741 = arith.constant 0 : i32
      %dma_start3A_1742 = tpu.memref_slice %arg10[%dma_start3A_1739, %dma_start3A_1741] : memref<8x128xf32, #tpu.memory_space<vmem>> -> memref<1x128xf32, #tpu.memory_space<vmem>>
      %dma_start3A_1743 = tpu.memref_squeeze %dma_start3A_1742 : memref<1x128xf32, #tpu.memory_space<vmem>> -> memref<128xf32, #tpu.memory_space<vmem>>
      %dma_start3A_1744 = arith.constant 0 : i32
      %dma_start3A_1745 = tpu.memref_slice %arg8[%dma_start3A_1740, %dma_start3A_1744] : memref<8x128xi32, #tpu.memory_space<vmem>> -> memref<1x128xi32, #tpu.memory_space<vmem>>
      %dma_start3A_1746 = tpu.memref_squeeze %dma_start3A_1745 : memref<1x128xi32, #tpu.memory_space<vmem>> -> memref<128xi32, #tpu.memory_space<vmem>>
      %dma_start3A_1747 = arith.constant 0 : i32
      %dma_start3A_1748 = tpu.memref_slice %arg13[%dma_start3A_1747] : memref<262144xf32, #tpu.memory_space<vmem_shared>> -> memref<262144xf32, #tpu.memory_space<vmem_shared>>
      tpu.enqueue_indirect_dma source(%dma_start3A_1743 : memref<128xf32, #tpu.memory_space<vmem>>) target(%dma_start3A_1748 : memref<262144xf32, #tpu.memory_space<vmem_shared>>) offsets(%dma_start3A_1746 : memref<128xi32, #tpu.memory_space<vmem>>) semaphore(%arg14 : memref<!tpu.dma_semaphore, #tpu.memory_space<semaphore_mem>>) {add = true}
      %mul3A_1749 = arith.constant 8 : i32
      %mul3A_1750 = arith.muli %scan3A_25, %mul3A_1749 : i32
      %add3A_1751 = arith.constant 6 : i32
      %add3A_1752 = arith.addi %mul3A_1750, %add3A_1751 : i32
      %mul3A_1753 = arith.constant 32 : i32
      %mul3A_1754 = arith.muli %add3A_1752, %mul3A_1753 : i32
      %add3A_1755 = arith.constant 0 : i32
      %add3A_1756 = arith.addi %mul3A_1754, %add3A_1755 : i32
      %get3A_1757 = arith.index_cast %add3A_1756 : i32 to index
      %get3A_1758 = tpu.vector_load %arg6[%get3A_1757] {strides = array<i32>} : memref<8192xf32, #tpu.memory_space<vmem>>, vector<16xf32>,
      %get3A_1759 = vector.shape_cast %get3A_1758 : vector<16xf32> to vector<16xf32>
      %mul3A_1760 = arith.constant 5.110000e+02 : f32
      %mul3A_1761 = vector.broadcast %mul3A_1760 : f32 to vector<16xf32>
      %mul3A_1762 = arith.mulf %get3A_1759, %mul3A_1761 : vector<16xf32>
      %get3A_1763 = arith.index_cast %add3A_1756 : i32 to index
      %get3A_1764 = tpu.vector_load %arg7[%get3A_1763] {strides = array<i32>} : memref<8192xf32, #tpu.memory_space<vmem>>, vector<16xf32>,
      %get3A_1765 = vector.shape_cast %get3A_1764 : vector<16xf32> to vector<16xf32>
      %mul3A_1766 = arith.constant 5.110000e+02 : f32
      %mul3A_1767 = vector.broadcast %mul3A_1766 : f32 to vector<16xf32>
      %mul3A_1768 = arith.mulf %get3A_1765, %mul3A_1767 : vector<16xf32>
      %convert_element_type3A_1769 = arith.fptosi %mul3A_1762 : vector<16xf32> to vector<16xi32>
      %convert_element_type3A_1770 = arith.fptosi %mul3A_1768 : vector<16xf32> to vector<16xi32>
      %convert_element_type3A_1771 = arith.sitofp %convert_element_type3A_1770 : vector<16xi32> to vector<16xf32>
      %sub3A_1772 = arith.subf %convert_element_type3A_1771, %mul3A_1768 : vector<16xf32>
      %convert_element_type3A_1773 = arith.sitofp %convert_element_type3A_1769 : vector<16xi32> to vector<16xf32>
      %sub3A_1774 = arith.subf %convert_element_type3A_1773, %mul3A_1762 : vector<16xf32>
      %mul3A_1775 = arith.constant 512 : i32
      %mul3A_1776 = vector.broadcast %mul3A_1775 : i32 to vector<16xi32>
      %mul3A_1777 = arith.muli %convert_element_type3A_1769, %mul3A_1776 : vector<16xi32>
      %add3A_1778 = arith.addi %mul3A_1777, %convert_element_type3A_1770 : vector<16xi32>
      %neg3A_1779 = arith.constant 0.000000e+00 : f32
      %neg3A_1780 = arith.constant 1.000000e+00 : f32
      %neg3A_1781 = arith.subf %neg3A_1779, %neg3A_1780 : f32
      %sub3A_1782 = vector.broadcast %neg3A_1781 : f32 to vector<16xf32>
      %sub3A_1783 = arith.subf %sub3A_1782, %sub3A_1772 : vector<16xf32>
      %neg3A_1784 = arith.constant 0.000000e+00 : f32
      %neg3A_1785 = arith.constant 1.000000e+00 : f32
      %neg3A_1786 = arith.subf %neg3A_1784, %neg3A_1785 : f32
      %sub3A_1787 = vector.broadcast %neg3A_1786 : f32 to vector<16xf32>
      %sub3A_1788 = arith.subf %sub3A_1787, %sub3A_1774 : vector<16xf32>
      %add3A_1789 = arith.constant 1.000000e+00 : f32
      %add3A_1790 = vector.broadcast %add3A_1789 : f32 to vector<16xf32>
      %add3A_1791 = arith.addf %add3A_1790, %sub3A_1774 : vector<16xf32>
      %add3A_1792 = arith.constant 1.000000e+00 : f32
      %add3A_1793 = vector.broadcast %add3A_1792 : f32 to vector<16xf32>
      %add3A_1794 = arith.addf %add3A_1793, %sub3A_1772 : vector<16xf32>
      %neg3A_1795 = arith.constant 0.000000e+00 : f32
      %neg3A_1796 = vector.broadcast %neg3A_1795 : f32 to vector<16xf32>
      %neg3A_1797 = arith.subf %neg3A_1796, %sub3A_1772 : vector<16xf32>
      %neg3A_1798 = arith.constant 0.000000e+00 : f32
      %neg3A_1799 = vector.broadcast %neg3A_1798 : f32 to vector<16xf32>
      %neg3A_1800 = arith.subf %neg3A_1799, %sub3A_1774 : vector<16xf32>
      %add3A_1801 = arith.constant 0 : i32
      %add3A_1802 = vector.broadcast %add3A_1801 : i32 to vector<16xi32>
      %add3A_1803 = arith.addi %add3A_1778, %add3A_1802 : vector<16xi32>
      %swap3A_1804 = arith.constant 6 : i32
      %swap3A_1805 = arith.index_cast %swap3A_1804 : i32 to index
      %swap3A_1806 = arith.constant 0 : index
      %swap3A_1807 = tpu.vector_load %arg8[%swap3A_1805, %swap3A_1806] {strides = array<i32>} : memref<8x128xi32, #tpu.memory_space<vmem>>, vector<1x16xi32>,
      %swap3A_1808 = vector.shape_cast %swap3A_1807 : vector<1x16xi32> to vector<16xi32>
      %swap3A_1809 = vector.shape_cast %add3A_1803 : vector<16xi32> to vector<1x16xi32>
      tpu.vector_store %arg8[%swap3A_1805, %swap3A_1806], %swap3A_1809 {strides = array<i32>} : memref<8x128xi32, #tpu.memory_space<vmem>>, vector<1x16xi32>,
      %swap3A_1810 = arith.constant 6 : i32
      %swap3A_1811 = arith.index_cast %swap3A_1810 : i32 to index
      %swap3A_1812 = arith.constant 0 : index
      %swap3A_1813 = tpu.vector_load %arg9[%swap3A_1811, %swap3A_1812] {strides = array<i32>} : memref<8x128xf32, #tpu.memory_space<vmem>>, vector<1x16xf32>,
      %swap3A_1814 = vector.shape_cast %swap3A_1813 : vector<1x16xf32> to vector<16xf32>
      %swap3A_1815 = vector.shape_cast %sub3A_1783 : vector<16xf32> to vector<1x16xf32>
      tpu.vector_store %arg9[%swap3A_1811, %swap3A_1812], %swap3A_1815 {strides = array<i32>} : memref<8x128xf32, #tpu.memory_space<vmem>>, vector<1x16xf32>,
      %swap3A_1816 = arith.constant 6 : i32
      %swap3A_1817 = arith.index_cast %swap3A_1816 : i32 to index
      %swap3A_1818 = arith.constant 0 : index
      %swap3A_1819 = tpu.vector_load %arg10[%swap3A_1817, %swap3A_1818] {strides = array<i32>} : memref<8x128xf32, #tpu.memory_space<vmem>>, vector<1x16xf32>,
      %swap3A_1820 = vector.shape_cast %swap3A_1819 : vector<1x16xf32> to vector<16xf32>
      %swap3A_1821 = vector.shape_cast %sub3A_1788 : vector<16xf32> to vector<1x16xf32>
      tpu.vector_store %arg10[%swap3A_1817, %swap3A_1818], %swap3A_1821 {strides = array<i32>} : memref<8x128xf32, #tpu.memory_space<vmem>>, vector<1x16xf32>,
      %add3A_1822 = arith.constant 1 : i32
      %add3A_1823 = vector.broadcast %add3A_1822 : i32 to vector<16xi32>
      %add3A_1824 = arith.addi %add3A_1778, %add3A_1823 : vector<16xi32>
      %swap3A_1825 = arith.constant 6 : i32
      %swap3A_1826 = arith.index_cast %swap3A_1825 : i32 to index
      %swap3A_1827 = arith.constant 32 : index
      %swap3A_1828 = tpu.vector_load %arg8[%swap3A_1826, %swap3A_1827] {strides = array<i32>} : memref<8x128xi32, #tpu.memory_space<vmem>>, vector<1x16xi32>,
      %swap3A_1829 = vector.shape_cast %swap3A_1828 : vector<1x16xi32> to vector<16xi32>
      %swap3A_1830 = vector.shape_cast %add3A_1824 : vector<16xi32> to vector<1x16xi32>
      tpu.vector_store %arg8[%swap3A_1826, %swap3A_1827], %swap3A_1830 {strides = array<i32>} : memref<8x128xi32, #tpu.memory_space<vmem>>, vector<1x16xi32>,
      %swap3A_1831 = arith.constant 6 : i32
      %swap3A_1832 = arith.index_cast %swap3A_1831 : i32 to index
      %swap3A_1833 = arith.constant 32 : index
      %swap3A_1834 = tpu.vector_load %arg9[%swap3A_1832, %swap3A_1833] {strides = array<i32>} : memref<8x128xf32, #tpu.memory_space<vmem>>, vector<1x16xf32>,
      %swap3A_1835 = vector.shape_cast %swap3A_1834 : vector<1x16xf32> to vector<16xf32>
      %swap3A_1836 = vector.shape_cast %sub3A_1772 : vector<16xf32> to vector<1x16xf32>
      tpu.vector_store %arg9[%swap3A_1832, %swap3A_1833], %swap3A_1836 {strides = array<i32>} : memref<8x128xf32, #tpu.memory_space<vmem>>, vector<1x16xf32>,
      %swap3A_1837 = arith.constant 6 : i32
      %swap3A_1838 = arith.index_cast %swap3A_1837 : i32 to index
      %swap3A_1839 = arith.constant 32 : index
      %swap3A_1840 = tpu.vector_load %arg10[%swap3A_1838, %swap3A_1839] {strides = array<i32>} : memref<8x128xf32, #tpu.memory_space<vmem>>, vector<1x16xf32>,
      %swap3A_1841 = vector.shape_cast %swap3A_1840 : vector<1x16xf32> to vector<16xf32>
      %swap3A_1842 = vector.shape_cast %add3A_1791 : vector<16xf32> to vector<1x16xf32>
      tpu.vector_store %arg10[%swap3A_1838, %swap3A_1839], %swap3A_1842 {strides = array<i32>} : memref<8x128xf32, #tpu.memory_space<vmem>>, vector<1x16xf32>,
      %add3A_1843 = arith.constant 512 : i32
      %add3A_1844 = vector.broadcast %add3A_1843 : i32 to vector<16xi32>
      %add3A_1845 = arith.addi %add3A_1778, %add3A_1844 : vector<16xi32>
      %swap3A_1846 = arith.constant 6 : i32
      %swap3A_1847 = arith.index_cast %swap3A_1846 : i32 to index
      %swap3A_1848 = arith.constant 64 : index
      %swap3A_1849 = tpu.vector_load %arg8[%swap3A_1847, %swap3A_1848] {strides = array<i32>} : memref<8x128xi32, #tpu.memory_space<vmem>>, vector<1x16xi32>,
      %swap3A_1850 = vector.shape_cast %swap3A_1849 : vector<1x16xi32> to vector<16xi32>
      %swap3A_1851 = vector.shape_cast %add3A_1845 : vector<16xi32> to vector<1x16xi32>
      tpu.vector_store %arg8[%swap3A_1847, %swap3A_1848], %swap3A_1851 {strides = array<i32>} : memref<8x128xi32, #tpu.memory_space<vmem>>, vector<1x16xi32>,
      %swap3A_1852 = arith.constant 6 : i32
      %swap3A_1853 = arith.index_cast %swap3A_1852 : i32 to index
      %swap3A_1854 = arith.constant 64 : index
      %swap3A_1855 = tpu.vector_load %arg9[%swap3A_1853, %swap3A_1854] {strides = array<i32>} : memref<8x128xf32, #tpu.memory_space<vmem>>, vector<1x16xf32>,
      %swap3A_1856 = vector.shape_cast %swap3A_1855 : vector<1x16xf32> to vector<16xf32>
      %swap3A_1857 = vector.shape_cast %add3A_1794 : vector<16xf32> to vector<1x16xf32>
      tpu.vector_store %arg9[%swap3A_1853, %swap3A_1854], %swap3A_1857 {strides = array<i32>} : memref<8x128xf32, #tpu.memory_space<vmem>>, vector<1x16xf32>,
      %swap3A_1858 = arith.constant 6 : i32
      %swap3A_1859 = arith.index_cast %swap3A_1858 : i32 to index
      %swap3A_1860 = arith.constant 64 : index
      %swap3A_1861 = tpu.vector_load %arg10[%swap3A_1859, %swap3A_1860] {strides = array<i32>} : memref<8x128xf32, #tpu.memory_space<vmem>>, vector<1x16xf32>,
      %swap3A_1862 = vector.shape_cast %swap3A_1861 : vector<1x16xf32> to vector<16xf32>
      %swap3A_1863 = vector.shape_cast %sub3A_1774 : vector<16xf32> to vector<1x16xf32>
      tpu.vector_store %arg10[%swap3A_1859, %swap3A_1860], %swap3A_1863 {strides = array<i32>} : memref<8x128xf32, #tpu.memory_space<vmem>>, vector<1x16xf32>,
      %add3A_1864 = arith.constant 513 : i32
      %add3A_1865 = vector.broadcast %add3A_1864 : i32 to vector<16xi32>
      %add3A_1866 = arith.addi %add3A_1778, %add3A_1865 : vector<16xi32>
      %swap3A_1867 = arith.constant 6 : i32
      %swap3A_1868 = arith.index_cast %swap3A_1867 : i32 to index
      %swap3A_1869 = arith.constant 96 : index
      %swap3A_1870 = tpu.vector_load %arg8[%swap3A_1868, %swap3A_1869] {strides = array<i32>} : memref<8x128xi32, #tpu.memory_space<vmem>>, vector<1x16xi32>,
      %swap3A_1871 = vector.shape_cast %swap3A_1870 : vector<1x16xi32> to vector<16xi32>
      %swap3A_1872 = vector.shape_cast %add3A_1866 : vector<16xi32> to vector<1x16xi32>
      tpu.vector_store %arg8[%swap3A_1868, %swap3A_1869], %swap3A_1872 {strides = array<i32>} : memref<8x128xi32, #tpu.memory_space<vmem>>, vector<1x16xi32>,
      %swap3A_1873 = arith.constant 6 : i32
      %swap3A_1874 = arith.index_cast %swap3A_1873 : i32 to index
      %swap3A_1875 = arith.constant 96 : index
      %swap3A_1876 = tpu.vector_load %arg9[%swap3A_1874, %swap3A_1875] {strides = array<i32>} : memref<8x128xf32, #tpu.memory_space<vmem>>, vector<1x16xf32>,
      %swap3A_1877 = vector.shape_cast %swap3A_1876 : vector<1x16xf32> to vector<16xf32>
      %swap3A_1878 = vector.shape_cast %neg3A_1797 : vector<16xf32> to vector<1x16xf32>
      tpu.vector_store %arg9[%swap3A_1874, %swap3A_1875], %swap3A_1878 {strides = array<i32>} : memref<8x128xf32, #tpu.memory_space<vmem>>, vector<1x16xf32>,
      %swap3A_1879 = arith.constant 6 : i32
      %swap3A_1880 = arith.index_cast %swap3A_1879 : i32 to index
      %swap3A_1881 = arith.constant 96 : index
      %swap3A_1882 = tpu.vector_load %arg10[%swap3A_1880, %swap3A_1881] {strides = array<i32>} : memref<8x128xf32, #tpu.memory_space<vmem>>, vector<1x16xf32>,
      %swap3A_1883 = vector.shape_cast %swap3A_1882 : vector<1x16xf32> to vector<16xf32>
      %swap3A_1884 = vector.shape_cast %neg3A_1800 : vector<16xf32> to vector<1x16xf32>
      tpu.vector_store %arg10[%swap3A_1880, %swap3A_1881], %swap3A_1884 {strides = array<i32>} : memref<8x128xf32, #tpu.memory_space<vmem>>, vector<1x16xf32>,
      %mul3A_1885 = arith.constant 32 : i32
      %mul3A_1886 = arith.muli %add3A_1752, %mul3A_1885 : i32
      %add3A_1887 = arith.constant 16 : i32
      %add3A_1888 = arith.addi %mul3A_1886, %add3A_1887 : i32
      %get3A_1889 = arith.index_cast %add3A_1888 : i32 to index
      %get3A_1890 = tpu.vector_load %arg6[%get3A_1889] {strides = array<i32>} : memref<8192xf32, #tpu.memory_space<vmem>>, vector<16xf32>,
      %get3A_1891 = vector.shape_cast %get3A_1890 : vector<16xf32> to vector<16xf32>
      %mul3A_1892 = arith.constant 5.110000e+02 : f32
      %mul3A_1893 = vector.broadcast %mul3A_1892 : f32 to vector<16xf32>
      %mul3A_1894 = arith.mulf %get3A_1891, %mul3A_1893 : vector<16xf32>
      %get3A_1895 = arith.index_cast %add3A_1888 : i32 to index
      %get3A_1896 = tpu.vector_load %arg7[%get3A_1895] {strides = array<i32>} : memref<8192xf32, #tpu.memory_space<vmem>>, vector<16xf32>,
      %get3A_1897 = vector.shape_cast %get3A_1896 : vector<16xf32> to vector<16xf32>
      %mul3A_1898 = arith.constant 5.110000e+02 : f32
      %mul3A_1899 = vector.broadcast %mul3A_1898 : f32 to vector<16xf32>
      %mul3A_1900 = arith.mulf %get3A_1897, %mul3A_1899 : vector<16xf32>
      %convert_element_type3A_1901 = arith.fptosi %mul3A_1894 : vector<16xf32> to vector<16xi32>
      %convert_element_type3A_1902 = arith.fptosi %mul3A_1900 : vector<16xf32> to vector<16xi32>
      %convert_element_type3A_1903 = arith.sitofp %convert_element_type3A_1902 : vector<16xi32> to vector<16xf32>
      %sub3A_1904 = arith.subf %convert_element_type3A_1903, %mul3A_1900 : vector<16xf32>
      %convert_element_type3A_1905 = arith.sitofp %convert_element_type3A_1901 : vector<16xi32> to vector<16xf32>
      %sub3A_1906 = arith.subf %convert_element_type3A_1905, %mul3A_1894 : vector<16xf32>
      %mul3A_1907 = arith.constant 512 : i32
      %mul3A_1908 = vector.broadcast %mul3A_1907 : i32 to vector<16xi32>
      %mul3A_1909 = arith.muli %convert_element_type3A_1901, %mul3A_1908 : vector<16xi32>
      %add3A_1910 = arith.addi %mul3A_1909, %convert_element_type3A_1902 : vector<16xi32>
      %neg3A_1911 = arith.constant 0.000000e+00 : f32
      %neg3A_1912 = arith.constant 1.000000e+00 : f32
      %neg3A_1913 = arith.subf %neg3A_1911, %neg3A_1912 : f32
      %sub3A_1914 = vector.broadcast %neg3A_1913 : f32 to vector<16xf32>
      %sub3A_1915 = arith.subf %sub3A_1914, %sub3A_1904 : vector<16xf32>
      %neg3A_1916 = arith.constant 0.000000e+00 : f32
      %neg3A_1917 = arith.constant 1.000000e+00 : f32
      %neg3A_1918 = arith.subf %neg3A_1916, %neg3A_1917 : f32
      %sub3A_1919 = vector.broadcast %neg3A_1918 : f32 to vector<16xf32>
      %sub3A_1920 = arith.subf %sub3A_1919, %sub3A_1906 : vector<16xf32>
      %add3A_1921 = arith.constant 1.000000e+00 : f32
      %add3A_1922 = vector.broadcast %add3A_1921 : f32 to vector<16xf32>
      %add3A_1923 = arith.addf %add3A_1922, %sub3A_1906 : vector<16xf32>
      %add3A_1924 = arith.constant 1.000000e+00 : f32
      %add3A_1925 = vector.broadcast %add3A_1924 : f32 to vector<16xf32>
      %add3A_1926 = arith.addf %add3A_1925, %sub3A_1904 : vector<16xf32>
      %neg3A_1927 = arith.constant 0.000000e+00 : f32
      %neg3A_1928 = vector.broadcast %neg3A_1927 : f32 to vector<16xf32>
      %neg3A_1929 = arith.subf %neg3A_1928, %sub3A_1904 : vector<16xf32>
      %neg3A_1930 = arith.constant 0.000000e+00 : f32
      %neg3A_1931 = vector.broadcast %neg3A_1930 : f32 to vector<16xf32>
      %neg3A_1932 = arith.subf %neg3A_1931, %sub3A_1906 : vector<16xf32>
      %add3A_1933 = arith.constant 0 : i32
      %add3A_1934 = vector.broadcast %add3A_1933 : i32 to vector<16xi32>
      %add3A_1935 = arith.addi %add3A_1910, %add3A_1934 : vector<16xi32>
      %swap3A_1936 = arith.constant 6 : i32
      %swap3A_1937 = arith.index_cast %swap3A_1936 : i32 to index
      %swap3A_1938 = arith.constant 16 : index
      %swap3A_1939 = tpu.vector_load %arg8[%swap3A_1937, %swap3A_1938] {strides = array<i32>} : memref<8x128xi32, #tpu.memory_space<vmem>>, vector<1x16xi32>,
      %swap3A_1940 = vector.shape_cast %swap3A_1939 : vector<1x16xi32> to vector<16xi32>
      %swap3A_1941 = vector.shape_cast %add3A_1935 : vector<16xi32> to vector<1x16xi32>
      tpu.vector_store %arg8[%swap3A_1937, %swap3A_1938], %swap3A_1941 {strides = array<i32>} : memref<8x128xi32, #tpu.memory_space<vmem>>, vector<1x16xi32>,
      %swap3A_1942 = arith.constant 6 : i32
      %swap3A_1943 = arith.index_cast %swap3A_1942 : i32 to index
      %swap3A_1944 = arith.constant 16 : index
      %swap3A_1945 = tpu.vector_load %arg9[%swap3A_1943, %swap3A_1944] {strides = array<i32>} : memref<8x128xf32, #tpu.memory_space<vmem>>, vector<1x16xf32>,
      %swap3A_1946 = vector.shape_cast %swap3A_1945 : vector<1x16xf32> to vector<16xf32>
      %swap3A_1947 = vector.shape_cast %sub3A_1915 : vector<16xf32> to vector<1x16xf32>
      tpu.vector_store %arg9[%swap3A_1943, %swap3A_1944], %swap3A_1947 {strides = array<i32>} : memref<8x128xf32, #tpu.memory_space<vmem>>, vector<1x16xf32>,
      %swap3A_1948 = arith.constant 6 : i32
      %swap3A_1949 = arith.index_cast %swap3A_1948 : i32 to index
      %swap3A_1950 = arith.constant 16 : index
      %swap3A_1951 = tpu.vector_load %arg10[%swap3A_1949, %swap3A_1950] {strides = array<i32>} : memref<8x128xf32, #tpu.memory_space<vmem>>, vector<1x16xf32>,
      %swap3A_1952 = vector.shape_cast %swap3A_1951 : vector<1x16xf32> to vector<16xf32>
      %swap3A_1953 = vector.shape_cast %sub3A_1920 : vector<16xf32> to vector<1x16xf32>
      tpu.vector_store %arg10[%swap3A_1949, %swap3A_1950], %swap3A_1953 {strides = array<i32>} : memref<8x128xf32, #tpu.memory_space<vmem>>, vector<1x16xf32>,
      %add3A_1954 = arith.constant 1 : i32
      %add3A_1955 = vector.broadcast %add3A_1954 : i32 to vector<16xi32>
      %add3A_1956 = arith.addi %add3A_1910, %add3A_1955 : vector<16xi32>
      %swap3A_1957 = arith.constant 6 : i32
      %swap3A_1958 = arith.index_cast %swap3A_1957 : i32 to index
      %swap3A_1959 = arith.constant 48 : index
      %swap3A_1960 = tpu.vector_load %arg8[%swap3A_1958, %swap3A_1959] {strides = array<i32>} : memref<8x128xi32, #tpu.memory_space<vmem>>, vector<1x16xi32>,
      %swap3A_1961 = vector.shape_cast %swap3A_1960 : vector<1x16xi32> to vector<16xi32>
      %swap3A_1962 = vector.shape_cast %add3A_1956 : vector<16xi32> to vector<1x16xi32>
      tpu.vector_store %arg8[%swap3A_1958, %swap3A_1959], %swap3A_1962 {strides = array<i32>} : memref<8x128xi32, #tpu.memory_space<vmem>>, vector<1x16xi32>,
      %swap3A_1963 = arith.constant 6 : i32
      %swap3A_1964 = arith.index_cast %swap3A_1963 : i32 to index
      %swap3A_1965 = arith.constant 48 : index
      %swap3A_1966 = tpu.vector_load %arg9[%swap3A_1964, %swap3A_1965] {strides = array<i32>} : memref<8x128xf32, #tpu.memory_space<vmem>>, vector<1x16xf32>,
      %swap3A_1967 = vector.shape_cast %swap3A_1966 : vector<1x16xf32> to vector<16xf32>
      %swap3A_1968 = vector.shape_cast %sub3A_1904 : vector<16xf32> to vector<1x16xf32>
      tpu.vector_store %arg9[%swap3A_1964, %swap3A_1965], %swap3A_1968 {strides = array<i32>} : memref<8x128xf32, #tpu.memory_space<vmem>>, vector<1x16xf32>,
      %swap3A_1969 = arith.constant 6 : i32
      %swap3A_1970 = arith.index_cast %swap3A_1969 : i32 to index
      %swap3A_1971 = arith.constant 48 : index
      %swap3A_1972 = tpu.vector_load %arg10[%swap3A_1970, %swap3A_1971] {strides = array<i32>} : memref<8x128xf32, #tpu.memory_space<vmem>>, vector<1x16xf32>,
      %swap3A_1973 = vector.shape_cast %swap3A_1972 : vector<1x16xf32> to vector<16xf32>
      %swap3A_1974 = vector.shape_cast %add3A_1923 : vector<16xf32> to vector<1x16xf32>
      tpu.vector_store %arg10[%swap3A_1970, %swap3A_1971], %swap3A_1974 {strides = array<i32>} : memref<8x128xf32, #tpu.memory_space<vmem>>, vector<1x16xf32>,
      %add3A_1975 = arith.constant 512 : i32
      %add3A_1976 = vector.broadcast %add3A_1975 : i32 to vector<16xi32>
      %add3A_1977 = arith.addi %add3A_1910, %add3A_1976 : vector<16xi32>
      %swap3A_1978 = arith.constant 6 : i32
      %swap3A_1979 = arith.index_cast %swap3A_1978 : i32 to index
      %swap3A_1980 = arith.constant 80 : index
      %swap3A_1981 = tpu.vector_load %arg8[%swap3A_1979, %swap3A_1980] {strides = array<i32>} : memref<8x128xi32, #tpu.memory_space<vmem>>, vector<1x16xi32>,
      %swap3A_1982 = vector.shape_cast %swap3A_1981 : vector<1x16xi32> to vector<16xi32>
      %swap3A_1983 = vector.shape_cast %add3A_1977 : vector<16xi32> to vector<1x16xi32>
      tpu.vector_store %arg8[%swap3A_1979, %swap3A_1980], %swap3A_1983 {strides = array<i32>} : memref<8x128xi32, #tpu.memory_space<vmem>>, vector<1x16xi32>,
      %swap3A_1984 = arith.constant 6 : i32
      %swap3A_1985 = arith.index_cast %swap3A_1984 : i32 to index
      %swap3A_1986 = arith.constant 80 : index
      %swap3A_1987 = tpu.vector_load %arg9[%swap3A_1985, %swap3A_1986] {strides = array<i32>} : memref<8x128xf32, #tpu.memory_space<vmem>>, vector<1x16xf32>,
      %swap3A_1988 = vector.shape_cast %swap3A_1987 : vector<1x16xf32> to vector<16xf32>
      %swap3A_1989 = vector.shape_cast %add3A_1926 : vector<16xf32> to vector<1x16xf32>
      tpu.vector_store %arg9[%swap3A_1985, %swap3A_1986], %swap3A_1989 {strides = array<i32>} : memref<8x128xf32, #tpu.memory_space<vmem>>, vector<1x16xf32>,
      %swap3A_1990 = arith.constant 6 : i32
      %swap3A_1991 = arith.index_cast %swap3A_1990 : i32 to index
      %swap3A_1992 = arith.constant 80 : index
      %swap3A_1993 = tpu.vector_load %arg10[%swap3A_1991, %swap3A_1992] {strides = array<i32>} : memref<8x128xf32, #tpu.memory_space<vmem>>, vector<1x16xf32>,
      %swap3A_1994 = vector.shape_cast %swap3A_1993 : vector<1x16xf32> to vector<16xf32>
      %swap3A_1995 = vector.shape_cast %sub3A_1906 : vector<16xf32> to vector<1x16xf32>
      tpu.vector_store %arg10[%swap3A_1991, %swap3A_1992], %swap3A_1995 {strides = array<i32>} : memref<8x128xf32, #tpu.memory_space<vmem>>, vector<1x16xf32>,
      %add3A_1996 = arith.constant 513 : i32
      %add3A_1997 = vector.broadcast %add3A_1996 : i32 to vector<16xi32>
      %add3A_1998 = arith.addi %add3A_1910, %add3A_1997 : vector<16xi32>
      %swap3A_1999 = arith.constant 6 : i32
      %swap3A_2000 = arith.index_cast %swap3A_1999 : i32 to index
      %swap3A_2001 = arith.constant 112 : index
      %swap3A_2002 = tpu.vector_load %arg8[%swap3A_2000, %swap3A_2001] {strides = array<i32>} : memref<8x128xi32, #tpu.memory_space<vmem>>, vector<1x16xi32>,
      %swap3A_2003 = vector.shape_cast %swap3A_2002 : vector<1x16xi32> to vector<16xi32>
      %swap3A_2004 = vector.shape_cast %add3A_1998 : vector<16xi32> to vector<1x16xi32>
      tpu.vector_store %arg8[%swap3A_2000, %swap3A_2001], %swap3A_2004 {strides = array<i32>} : memref<8x128xi32, #tpu.memory_space<vmem>>, vector<1x16xi32>,
      %swap3A_2005 = arith.constant 6 : i32
      %swap3A_2006 = arith.index_cast %swap3A_2005 : i32 to index
      %swap3A_2007 = arith.constant 112 : index
      %swap3A_2008 = tpu.vector_load %arg9[%swap3A_2006, %swap3A_2007] {strides = array<i32>} : memref<8x128xf32, #tpu.memory_space<vmem>>, vector<1x16xf32>,
      %swap3A_2009 = vector.shape_cast %swap3A_2008 : vector<1x16xf32> to vector<16xf32>
      %swap3A_2010 = vector.shape_cast %neg3A_1929 : vector<16xf32> to vector<1x16xf32>
      tpu.vector_store %arg9[%swap3A_2006, %swap3A_2007], %swap3A_2010 {strides = array<i32>} : memref<8x128xf32, #tpu.memory_space<vmem>>, vector<1x16xf32>,
      %swap3A_2011 = arith.constant 6 : i32
      %swap3A_2012 = arith.index_cast %swap3A_2011 : i32 to index
      %swap3A_2013 = arith.constant 112 : index
      %swap3A_2014 = tpu.vector_load %arg10[%swap3A_2012, %swap3A_2013] {strides = array<i32>} : memref<8x128xf32, #tpu.memory_space<vmem>>, vector<1x16xf32>,
      %swap3A_2015 = vector.shape_cast %swap3A_2014 : vector<1x16xf32> to vector<16xf32>
      %swap3A_2016 = vector.shape_cast %neg3A_1932 : vector<16xf32> to vector<1x16xf32>
      tpu.vector_store %arg10[%swap3A_2012, %swap3A_2013], %swap3A_2016 {strides = array<i32>} : memref<8x128xf32, #tpu.memory_space<vmem>>, vector<1x16xf32>,
      %dma_start3A_2017 = arith.constant 6 : i32
      %dma_start3A_2018 = arith.constant 6 : i32
      %dma_start3A_2019 = arith.constant 0 : i32
      %dma_start3A_2020 = tpu.memref_slice %arg9[%dma_start3A_2017, %dma_start3A_2019] : memref<8x128xf32, #tpu.memory_space<vmem>> -> memref<1x128xf32, #tpu.memory_space<vmem>>
      %dma_start3A_2021 = tpu.memref_squeeze %dma_start3A_2020 : memref<1x128xf32, #tpu.memory_space<vmem>> -> memref<128xf32, #tpu.memory_space<vmem>>
      %dma_start3A_2022 = arith.constant 0 : i32
      %dma_start3A_2023 = tpu.memref_slice %arg8[%dma_start3A_2018, %dma_start3A_2022] : memref<8x128xi32, #tpu.memory_space<vmem>> -> memref<1x128xi32, #tpu.memory_space<vmem>>
      %dma_start3A_2024 = tpu.memref_squeeze %dma_start3A_2023 : memref<1x128xi32, #tpu.memory_space<vmem>> -> memref<128xi32, #tpu.memory_space<vmem>>
      %dma_start3A_2025 = arith.constant 0 : i32
      %dma_start3A_2026 = tpu.memref_slice %arg12[%dma_start3A_2025] : memref<262144xf32, #tpu.memory_space<vmem_shared>> -> memref<262144xf32, #tpu.memory_space<vmem_shared>>
      tpu.enqueue_indirect_dma source(%dma_start3A_2021 : memref<128xf32, #tpu.memory_space<vmem>>) target(%dma_start3A_2026 : memref<262144xf32, #tpu.memory_space<vmem_shared>>) offsets(%dma_start3A_2024 : memref<128xi32, #tpu.memory_space<vmem>>) semaphore(%arg14 : memref<!tpu.dma_semaphore, #tpu.memory_space<semaphore_mem>>) {add = true}
      %dma_start3A_2027 = arith.constant 6 : i32
      %dma_start3A_2028 = arith.constant 6 : i32
      %dma_start3A_2029 = arith.constant 0 : i32
      %dma_start3A_2030 = tpu.memref_slice %arg10[%dma_start3A_2027, %dma_start3A_2029] : memref<8x128xf32, #tpu.memory_space<vmem>> -> memref<1x128xf32, #tpu.memory_space<vmem>>
      %dma_start3A_2031 = tpu.memref_squeeze %dma_start3A_2030 : memref<1x128xf32, #tpu.memory_space<vmem>> -> memref<128xf32, #tpu.memory_space<vmem>>
      %dma_start3A_2032 = arith.constant 0 : i32
      %dma_start3A_2033 = tpu.memref_slice %arg8[%dma_start3A_2028, %dma_start3A_2032] : memref<8x128xi32, #tpu.memory_space<vmem>> -> memref<1x128xi32, #tpu.memory_space<vmem>>
      %dma_start3A_2034 = tpu.memref_squeeze %dma_start3A_2033 : memref<1x128xi32, #tpu.memory_space<vmem>> -> memref<128xi32, #tpu.memory_space<vmem>>
      %dma_start3A_2035 = arith.constant 0 : i32
      %dma_start3A_2036 = tpu.memref_slice %arg13[%dma_start3A_2035] : memref<262144xf32, #tpu.memory_space<vmem_shared>> -> memref<262144xf32, #tpu.memory_space<vmem_shared>>
      tpu.enqueue_indirect_dma source(%dma_start3A_2031 : memref<128xf32, #tpu.memory_space<vmem>>) target(%dma_start3A_2036 : memref<262144xf32, #tpu.memory_space<vmem_shared>>) offsets(%dma_start3A_2034 : memref<128xi32, #tpu.memory_space<vmem>>) semaphore(%arg14 : memref<!tpu.dma_semaphore, #tpu.memory_space<semaphore_mem>>) {add = true}
      %mul3A_2037 = arith.constant 8 : i32
      %mul3A_2038 = arith.muli %scan3A_25, %mul3A_2037 : i32
      %add3A_2039 = arith.constant 7 : i32
      %add3A_2040 = arith.addi %mul3A_2038, %add3A_2039 : i32
      %mul3A_2041 = arith.constant 32 : i32
      %mul3A_2042 = arith.muli %add3A_2040, %mul3A_2041 : i32
      %add3A_2043 = arith.constant 0 : i32
      %add3A_2044 = arith.addi %mul3A_2042, %add3A_2043 : i32
      %get3A_2045 = arith.index_cast %add3A_2044 : i32 to index
      %get3A_2046 = tpu.vector_load %arg6[%get3A_2045] {strides = array<i32>} : memref<8192xf32, #tpu.memory_space<vmem>>, vector<16xf32>,
      %get3A_2047 = vector.shape_cast %get3A_2046 : vector<16xf32> to vector<16xf32>
      %mul3A_2048 = arith.constant 5.110000e+02 : f32
      %mul3A_2049 = vector.broadcast %mul3A_2048 : f32 to vector<16xf32>
      %mul3A_2050 = arith.mulf %get3A_2047, %mul3A_2049 : vector<16xf32>
      %get3A_2051 = arith.index_cast %add3A_2044 : i32 to index
      %get3A_2052 = tpu.vector_load %arg7[%get3A_2051] {strides = array<i32>} : memref<8192xf32, #tpu.memory_space<vmem>>, vector<16xf32>,
      %get3A_2053 = vector.shape_cast %get3A_2052 : vector<16xf32> to vector<16xf32>
      %mul3A_2054 = arith.constant 5.110000e+02 : f32
      %mul3A_2055 = vector.broadcast %mul3A_2054 : f32 to vector<16xf32>
      %mul3A_2056 = arith.mulf %get3A_2053, %mul3A_2055 : vector<16xf32>
      %convert_element_type3A_2057 = arith.fptosi %mul3A_2050 : vector<16xf32> to vector<16xi32>
      %convert_element_type3A_2058 = arith.fptosi %mul3A_2056 : vector<16xf32> to vector<16xi32>
      %convert_element_type3A_2059 = arith.sitofp %convert_element_type3A_2058 : vector<16xi32> to vector<16xf32>
      %sub3A_2060 = arith.subf %convert_element_type3A_2059, %mul3A_2056 : vector<16xf32>
      %convert_element_type3A_2061 = arith.sitofp %convert_element_type3A_2057 : vector<16xi32> to vector<16xf32>
      %sub3A_2062 = arith.subf %convert_element_type3A_2061, %mul3A_2050 : vector<16xf32>
      %mul3A_2063 = arith.constant 512 : i32
      %mul3A_2064 = vector.broadcast %mul3A_2063 : i32 to vector<16xi32>
      %mul3A_2065 = arith.muli %convert_element_type3A_2057, %mul3A_2064 : vector<16xi32>
      %add3A_2066 = arith.addi %mul3A_2065, %convert_element_type3A_2058 : vector<16xi32>
      %neg3A_2067 = arith.constant 0.000000e+00 : f32
      %neg3A_2068 = arith.constant 1.000000e+00 : f32
      %neg3A_2069 = arith.subf %neg3A_2067, %neg3A_2068 : f32
      %sub3A_2070 = vector.broadcast %neg3A_2069 : f32 to vector<16xf32>
      %sub3A_2071 = arith.subf %sub3A_2070, %sub3A_2060 : vector<16xf32>
      %neg3A_2072 = arith.constant 0.000000e+00 : f32
      %neg3A_2073 = arith.constant 1.000000e+00 : f32
      %neg3A_2074 = arith.subf %neg3A_2072, %neg3A_2073 : f32
      %sub3A_2075 = vector.broadcast %neg3A_2074 : f32 to vector<16xf32>
      %sub3A_2076 = arith.subf %sub3A_2075, %sub3A_2062 : vector<16xf32>
      %add3A_2077 = arith.constant 1.000000e+00 : f32
      %add3A_2078 = vector.broadcast %add3A_2077 : f32 to vector<16xf32>
      %add3A_2079 = arith.addf %add3A_2078, %sub3A_2062 : vector<16xf32>
      %add3A_2080 = arith.constant 1.000000e+00 : f32
      %add3A_2081 = vector.broadcast %add3A_2080 : f32 to vector<16xf32>
      %add3A_2082 = arith.addf %add3A_2081, %sub3A_2060 : vector<16xf32>
      %neg3A_2083 = arith.constant 0.000000e+00 : f32
      %neg3A_2084 = vector.broadcast %neg3A_2083 : f32 to vector<16xf32>
      %neg3A_2085 = arith.subf %neg3A_2084, %sub3A_2060 : vector<16xf32>
      %neg3A_2086 = arith.constant 0.000000e+00 : f32
      %neg3A_2087 = vector.broadcast %neg3A_2086 : f32 to vector<16xf32>
      %neg3A_2088 = arith.subf %neg3A_2087, %sub3A_2062 : vector<16xf32>
      %add3A_2089 = arith.constant 0 : i32
      %add3A_2090 = vector.broadcast %add3A_2089 : i32 to vector<16xi32>
      %add3A_2091 = arith.addi %add3A_2066, %add3A_2090 : vector<16xi32>
      %swap3A_2092 = arith.constant 7 : i32
      %swap3A_2093 = arith.index_cast %swap3A_2092 : i32 to index
      %swap3A_2094 = arith.constant 0 : index
      %swap3A_2095 = tpu.vector_load %arg8[%swap3A_2093, %swap3A_2094] {strides = array<i32>} : memref<8x128xi32, #tpu.memory_space<vmem>>, vector<1x16xi32>,
      %swap3A_2096 = vector.shape_cast %swap3A_2095 : vector<1x16xi32> to vector<16xi32>
      %swap3A_2097 = vector.shape_cast %add3A_2091 : vector<16xi32> to vector<1x16xi32>
      tpu.vector_store %arg8[%swap3A_2093, %swap3A_2094], %swap3A_2097 {strides = array<i32>} : memref<8x128xi32, #tpu.memory_space<vmem>>, vector<1x16xi32>,
      %swap3A_2098 = arith.constant 7 : i32
      %swap3A_2099 = arith.index_cast %swap3A_2098 : i32 to index
      %swap3A_2100 = arith.constant 0 : index
      %swap3A_2101 = tpu.vector_load %arg9[%swap3A_2099, %swap3A_2100] {strides = array<i32>} : memref<8x128xf32, #tpu.memory_space<vmem>>, vector<1x16xf32>,
      %swap3A_2102 = vector.shape_cast %swap3A_2101 : vector<1x16xf32> to vector<16xf32>
      %swap3A_2103 = vector.shape_cast %sub3A_2071 : vector<16xf32> to vector<1x16xf32>
      tpu.vector_store %arg9[%swap3A_2099, %swap3A_2100], %swap3A_2103 {strides = array<i32>} : memref<8x128xf32, #tpu.memory_space<vmem>>, vector<1x16xf32>,
      %swap3A_2104 = arith.constant 7 : i32
      %swap3A_2105 = arith.index_cast %swap3A_2104 : i32 to index
      %swap3A_2106 = arith.constant 0 : index
      %swap3A_2107 = tpu.vector_load %arg10[%swap3A_2105, %swap3A_2106] {strides = array<i32>} : memref<8x128xf32, #tpu.memory_space<vmem>>, vector<1x16xf32>,
      %swap3A_2108 = vector.shape_cast %swap3A_2107 : vector<1x16xf32> to vector<16xf32>
      %swap3A_2109 = vector.shape_cast %sub3A_2076 : vector<16xf32> to vector<1x16xf32>
      tpu.vector_store %arg10[%swap3A_2105, %swap3A_2106], %swap3A_2109 {strides = array<i32>} : memref<8x128xf32, #tpu.memory_space<vmem>>, vector<1x16xf32>,
      %add3A_2110 = arith.constant 1 : i32
      %add3A_2111 = vector.broadcast %add3A_2110 : i32 to vector<16xi32>
      %add3A_2112 = arith.addi %add3A_2066, %add3A_2111 : vector<16xi32>
      %swap3A_2113 = arith.constant 7 : i32
      %swap3A_2114 = arith.index_cast %swap3A_2113 : i32 to index
      %swap3A_2115 = arith.constant 32 : index
      %swap3A_2116 = tpu.vector_load %arg8[%swap3A_2114, %swap3A_2115] {strides = array<i32>} : memref<8x128xi32, #tpu.memory_space<vmem>>, vector<1x16xi32>,
      %swap3A_2117 = vector.shape_cast %swap3A_2116 : vector<1x16xi32> to vector<16xi32>
      %swap3A_2118 = vector.shape_cast %add3A_2112 : vector<16xi32> to vector<1x16xi32>
      tpu.vector_store %arg8[%swap3A_2114, %swap3A_2115], %swap3A_2118 {strides = array<i32>} : memref<8x128xi32, #tpu.memory_space<vmem>>, vector<1x16xi32>,
      %swap3A_2119 = arith.constant 7 : i32
      %swap3A_2120 = arith.index_cast %swap3A_2119 : i32 to index
      %swap3A_2121 = arith.constant 32 : index
      %swap3A_2122 = tpu.vector_load %arg9[%swap3A_2120, %swap3A_2121] {strides = array<i32>} : memref<8x128xf32, #tpu.memory_space<vmem>>, vector<1x16xf32>,
      %swap3A_2123 = vector.shape_cast %swap3A_2122 : vector<1x16xf32> to vector<16xf32>
      %swap3A_2124 = vector.shape_cast %sub3A_2060 : vector<16xf32> to vector<1x16xf32>
      tpu.vector_store %arg9[%swap3A_2120, %swap3A_2121], %swap3A_2124 {strides = array<i32>} : memref<8x128xf32, #tpu.memory_space<vmem>>, vector<1x16xf32>,
      %swap3A_2125 = arith.constant 7 : i32
      %swap3A_2126 = arith.index_cast %swap3A_2125 : i32 to index
      %swap3A_2127 = arith.constant 32 : index
      %swap3A_2128 = tpu.vector_load %arg10[%swap3A_2126, %swap3A_2127] {strides = array<i32>} : memref<8x128xf32, #tpu.memory_space<vmem>>, vector<1x16xf32>,
      %swap3A_2129 = vector.shape_cast %swap3A_2128 : vector<1x16xf32> to vector<16xf32>
      %swap3A_2130 = vector.shape_cast %add3A_2079 : vector<16xf32> to vector<1x16xf32>
      tpu.vector_store %arg10[%swap3A_2126, %swap3A_2127], %swap3A_2130 {strides = array<i32>} : memref<8x128xf32, #tpu.memory_space<vmem>>, vector<1x16xf32>,
      %add3A_2131 = arith.constant 512 : i32
      %add3A_2132 = vector.broadcast %add3A_2131 : i32 to vector<16xi32>
      %add3A_2133 = arith.addi %add3A_2066, %add3A_2132 : vector<16xi32>
      %swap3A_2134 = arith.constant 7 : i32
      %swap3A_2135 = arith.index_cast %swap3A_2134 : i32 to index
      %swap3A_2136 = arith.constant 64 : index
      %swap3A_2137 = tpu.vector_load %arg8[%swap3A_2135, %swap3A_2136] {strides = array<i32>} : memref<8x128xi32, #tpu.memory_space<vmem>>, vector<1x16xi32>,
      %swap3A_2138 = vector.shape_cast %swap3A_2137 : vector<1x16xi32> to vector<16xi32>
      %swap3A_2139 = vector.shape_cast %add3A_2133 : vector<16xi32> to vector<1x16xi32>
      tpu.vector_store %arg8[%swap3A_2135, %swap3A_2136], %swap3A_2139 {strides = array<i32>} : memref<8x128xi32, #tpu.memory_space<vmem>>, vector<1x16xi32>,
      %swap3A_2140 = arith.constant 7 : i32
      %swap3A_2141 = arith.index_cast %swap3A_2140 : i32 to index
      %swap3A_2142 = arith.constant 64 : index
      %swap3A_2143 = tpu.vector_load %arg9[%swap3A_2141, %swap3A_2142] {strides = array<i32>} : memref<8x128xf32, #tpu.memory_space<vmem>>, vector<1x16xf32>,
      %swap3A_2144 = vector.shape_cast %swap3A_2143 : vector<1x16xf32> to vector<16xf32>
      %swap3A_2145 = vector.shape_cast %add3A_2082 : vector<16xf32> to vector<1x16xf32>
      tpu.vector_store %arg9[%swap3A_2141, %swap3A_2142], %swap3A_2145 {strides = array<i32>} : memref<8x128xf32, #tpu.memory_space<vmem>>, vector<1x16xf32>,
      %swap3A_2146 = arith.constant 7 : i32
      %swap3A_2147 = arith.index_cast %swap3A_2146 : i32 to index
      %swap3A_2148 = arith.constant 64 : index
      %swap3A_2149 = tpu.vector_load %arg10[%swap3A_2147, %swap3A_2148] {strides = array<i32>} : memref<8x128xf32, #tpu.memory_space<vmem>>, vector<1x16xf32>,
      %swap3A_2150 = vector.shape_cast %swap3A_2149 : vector<1x16xf32> to vector<16xf32>
      %swap3A_2151 = vector.shape_cast %sub3A_2062 : vector<16xf32> to vector<1x16xf32>
      tpu.vector_store %arg10[%swap3A_2147, %swap3A_2148], %swap3A_2151 {strides = array<i32>} : memref<8x128xf32, #tpu.memory_space<vmem>>, vector<1x16xf32>,
      %add3A_2152 = arith.constant 513 : i32
      %add3A_2153 = vector.broadcast %add3A_2152 : i32 to vector<16xi32>
      %add3A_2154 = arith.addi %add3A_2066, %add3A_2153 : vector<16xi32>
      %swap3A_2155 = arith.constant 7 : i32
      %swap3A_2156 = arith.index_cast %swap3A_2155 : i32 to index
      %swap3A_2157 = arith.constant 96 : index
      %swap3A_2158 = tpu.vector_load %arg8[%swap3A_2156, %swap3A_2157] {strides = array<i32>} : memref<8x128xi32, #tpu.memory_space<vmem>>, vector<1x16xi32>,
      %swap3A_2159 = vector.shape_cast %swap3A_2158 : vector<1x16xi32> to vector<16xi32>
      %swap3A_2160 = vector.shape_cast %add3A_2154 : vector<16xi32> to vector<1x16xi32>
      tpu.vector_store %arg8[%swap3A_2156, %swap3A_2157], %swap3A_2160 {strides = array<i32>} : memref<8x128xi32, #tpu.memory_space<vmem>>, vector<1x16xi32>,
      %swap3A_2161 = arith.constant 7 : i32
      %swap3A_2162 = arith.index_cast %swap3A_2161 : i32 to index
      %swap3A_2163 = arith.constant 96 : index
      %swap3A_2164 = tpu.vector_load %arg9[%swap3A_2162, %swap3A_2163] {strides = array<i32>} : memref<8x128xf32, #tpu.memory_space<vmem>>, vector<1x16xf32>,
      %swap3A_2165 = vector.shape_cast %swap3A_2164 : vector<1x16xf32> to vector<16xf32>
      %swap3A_2166 = vector.shape_cast %neg3A_2085 : vector<16xf32> to vector<1x16xf32>
      tpu.vector_store %arg9[%swap3A_2162, %swap3A_2163], %swap3A_2166 {strides = array<i32>} : memref<8x128xf32, #tpu.memory_space<vmem>>, vector<1x16xf32>,
      %swap3A_2167 = arith.constant 7 : i32
      %swap3A_2168 = arith.index_cast %swap3A_2167 : i32 to index
      %swap3A_2169 = arith.constant 96 : index
      %swap3A_2170 = tpu.vector_load %arg10[%swap3A_2168, %swap3A_2169] {strides = array<i32>} : memref<8x128xf32, #tpu.memory_space<vmem>>, vector<1x16xf32>,
      %swap3A_2171 = vector.shape_cast %swap3A_2170 : vector<1x16xf32> to vector<16xf32>
      %swap3A_2172 = vector.shape_cast %neg3A_2088 : vector<16xf32> to vector<1x16xf32>
      tpu.vector_store %arg10[%swap3A_2168, %swap3A_2169], %swap3A_2172 {strides = array<i32>} : memref<8x128xf32, #tpu.memory_space<vmem>>, vector<1x16xf32>,
      %mul3A_2173 = arith.constant 32 : i32
      %mul3A_2174 = arith.muli %add3A_2040, %mul3A_2173 : i32
      %add3A_2175 = arith.constant 16 : i32
      %add3A_2176 = arith.addi %mul3A_2174, %add3A_2175 : i32
      %get3A_2177 = arith.index_cast %add3A_2176 : i32 to index
      %get3A_2178 = tpu.vector_load %arg6[%get3A_2177] {strides = array<i32>} : memref<8192xf32, #tpu.memory_space<vmem>>, vector<16xf32>,
      %get3A_2179 = vector.shape_cast %get3A_2178 : vector<16xf32> to vector<16xf32>
      %mul3A_2180 = arith.constant 5.110000e+02 : f32
      %mul3A_2181 = vector.broadcast %mul3A_2180 : f32 to vector<16xf32>
      %mul3A_2182 = arith.mulf %get3A_2179, %mul3A_2181 : vector<16xf32>
      %get3A_2183 = arith.index_cast %add3A_2176 : i32 to index
      %get3A_2184 = tpu.vector_load %arg7[%get3A_2183] {strides = array<i32>} : memref<8192xf32, #tpu.memory_space<vmem>>, vector<16xf32>,
      %get3A_2185 = vector.shape_cast %get3A_2184 : vector<16xf32> to vector<16xf32>
      %mul3A_2186 = arith.constant 5.110000e+02 : f32
      %mul3A_2187 = vector.broadcast %mul3A_2186 : f32 to vector<16xf32>
      %mul3A_2188 = arith.mulf %get3A_2185, %mul3A_2187 : vector<16xf32>
      %convert_element_type3A_2189 = arith.fptosi %mul3A_2182 : vector<16xf32> to vector<16xi32>
      %convert_element_type3A_2190 = arith.fptosi %mul3A_2188 : vector<16xf32> to vector<16xi32>
      %convert_element_type3A_2191 = arith.sitofp %convert_element_type3A_2190 : vector<16xi32> to vector<16xf32>
      %sub3A_2192 = arith.subf %convert_element_type3A_2191, %mul3A_2188 : vector<16xf32>
      %convert_element_type3A_2193 = arith.sitofp %convert_element_type3A_2189 : vector<16xi32> to vector<16xf32>
      %sub3A_2194 = arith.subf %convert_element_type3A_2193, %mul3A_2182 : vector<16xf32>
      %mul3A_2195 = arith.constant 512 : i32
      %mul3A_2196 = vector.broadcast %mul3A_2195 : i32 to vector<16xi32>
      %mul3A_2197 = arith.muli %convert_element_type3A_2189, %mul3A_2196 : vector<16xi32>
      %add3A_2198 = arith.addi %mul3A_2197, %convert_element_type3A_2190 : vector<16xi32>
      %neg3A_2199 = arith.constant 0.000000e+00 : f32
      %neg3A_2200 = arith.constant 1.000000e+00 : f32
      %neg3A_2201 = arith.subf %neg3A_2199, %neg3A_2200 : f32
      %sub3A_2202 = vector.broadcast %neg3A_2201 : f32 to vector<16xf32>
      %sub3A_2203 = arith.subf %sub3A_2202, %sub3A_2192 : vector<16xf32>
      %neg3A_2204 = arith.constant 0.000000e+00 : f32
      %neg3A_2205 = arith.constant 1.000000e+00 : f32
      %neg3A_2206 = arith.subf %neg3A_2204, %neg3A_2205 : f32
      %sub3A_2207 = vector.broadcast %neg3A_2206 : f32 to vector<16xf32>
      %sub3A_2208 = arith.subf %sub3A_2207, %sub3A_2194 : vector<16xf32>
      %add3A_2209 = arith.constant 1.000000e+00 : f32
      %add3A_2210 = vector.broadcast %add3A_2209 : f32 to vector<16xf32>
      %add3A_2211 = arith.addf %add3A_2210, %sub3A_2194 : vector<16xf32>
      %add3A_2212 = arith.constant 1.000000e+00 : f32
      %add3A_2213 = vector.broadcast %add3A_2212 : f32 to vector<16xf32>
      %add3A_2214 = arith.addf %add3A_2213, %sub3A_2192 : vector<16xf32>
      %neg3A_2215 = arith.constant 0.000000e+00 : f32
      %neg3A_2216 = vector.broadcast %neg3A_2215 : f32 to vector<16xf32>
      %neg3A_2217 = arith.subf %neg3A_2216, %sub3A_2192 : vector<16xf32>
      %neg3A_2218 = arith.constant 0.000000e+00 : f32
      %neg3A_2219 = vector.broadcast %neg3A_2218 : f32 to vector<16xf32>
      %neg3A_2220 = arith.subf %neg3A_2219, %sub3A_2194 : vector<16xf32>
      %add3A_2221 = arith.constant 0 : i32
      %add3A_2222 = vector.broadcast %add3A_2221 : i32 to vector<16xi32>
      %add3A_2223 = arith.addi %add3A_2198, %add3A_2222 : vector<16xi32>
      %swap3A_2224 = arith.constant 7 : i32
      %swap3A_2225 = arith.index_cast %swap3A_2224 : i32 to index
      %swap3A_2226 = arith.constant 16 : index
      %swap3A_2227 = tpu.vector_load %arg8[%swap3A_2225, %swap3A_2226] {strides = array<i32>} : memref<8x128xi32, #tpu.memory_space<vmem>>, vector<1x16xi32>,
      %swap3A_2228 = vector.shape_cast %swap3A_2227 : vector<1x16xi32> to vector<16xi32>
      %swap3A_2229 = vector.shape_cast %add3A_2223 : vector<16xi32> to vector<1x16xi32>
      tpu.vector_store %arg8[%swap3A_2225, %swap3A_2226], %swap3A_2229 {strides = array<i32>} : memref<8x128xi32, #tpu.memory_space<vmem>>, vector<1x16xi32>,
      %swap3A_2230 = arith.constant 7 : i32
      %swap3A_2231 = arith.index_cast %swap3A_2230 : i32 to index
      %swap3A_2232 = arith.constant 16 : index
      %swap3A_2233 = tpu.vector_load %arg9[%swap3A_2231, %swap3A_2232] {strides = array<i32>} : memref<8x128xf32, #tpu.memory_space<vmem>>, vector<1x16xf32>,
      %swap3A_2234 = vector.shape_cast %swap3A_2233 : vector<1x16xf32> to vector<16xf32>
      %swap3A_2235 = vector.shape_cast %sub3A_2203 : vector<16xf32> to vector<1x16xf32>
      tpu.vector_store %arg9[%swap3A_2231, %swap3A_2232], %swap3A_2235 {strides = array<i32>} : memref<8x128xf32, #tpu.memory_space<vmem>>, vector<1x16xf32>,
      %swap3A_2236 = arith.constant 7 : i32
      %swap3A_2237 = arith.index_cast %swap3A_2236 : i32 to index
      %swap3A_2238 = arith.constant 16 : index
      %swap3A_2239 = tpu.vector_load %arg10[%swap3A_2237, %swap3A_2238] {strides = array<i32>} : memref<8x128xf32, #tpu.memory_space<vmem>>, vector<1x16xf32>,
      %swap3A_2240 = vector.shape_cast %swap3A_2239 : vector<1x16xf32> to vector<16xf32>
      %swap3A_2241 = vector.shape_cast %sub3A_2208 : vector<16xf32> to vector<1x16xf32>
      tpu.vector_store %arg10[%swap3A_2237, %swap3A_2238], %swap3A_2241 {strides = array<i32>} : memref<8x128xf32, #tpu.memory_space<vmem>>, vector<1x16xf32>,
      %add3A_2242 = arith.constant 1 : i32
      %add3A_2243 = vector.broadcast %add3A_2242 : i32 to vector<16xi32>
      %add3A_2244 = arith.addi %add3A_2198, %add3A_2243 : vector<16xi32>
      %swap3A_2245 = arith.constant 7 : i32
      %swap3A_2246 = arith.index_cast %swap3A_2245 : i32 to index
      %swap3A_2247 = arith.constant 48 : index
      %swap3A_2248 = tpu.vector_load %arg8[%swap3A_2246, %swap3A_2247] {strides = array<i32>} : memref<8x128xi32, #tpu.memory_space<vmem>>, vector<1x16xi32>,
      %swap3A_2249 = vector.shape_cast %swap3A_2248 : vector<1x16xi32> to vector<16xi32>
      %swap3A_2250 = vector.shape_cast %add3A_2244 : vector<16xi32> to vector<1x16xi32>
      tpu.vector_store %arg8[%swap3A_2246, %swap3A_2247], %swap3A_2250 {strides = array<i32>} : memref<8x128xi32, #tpu.memory_space<vmem>>, vector<1x16xi32>,
      %swap3A_2251 = arith.constant 7 : i32
      %swap3A_2252 = arith.index_cast %swap3A_2251 : i32 to index
      %swap3A_2253 = arith.constant 48 : index
      %swap3A_2254 = tpu.vector_load %arg9[%swap3A_2252, %swap3A_2253] {strides = array<i32>} : memref<8x128xf32, #tpu.memory_space<vmem>>, vector<1x16xf32>,
      %swap3A_2255 = vector.shape_cast %swap3A_2254 : vector<1x16xf32> to vector<16xf32>
      %swap3A_2256 = vector.shape_cast %sub3A_2192 : vector<16xf32> to vector<1x16xf32>
      tpu.vector_store %arg9[%swap3A_2252, %swap3A_2253], %swap3A_2256 {strides = array<i32>} : memref<8x128xf32, #tpu.memory_space<vmem>>, vector<1x16xf32>,
      %swap3A_2257 = arith.constant 7 : i32
      %swap3A_2258 = arith.index_cast %swap3A_2257 : i32 to index
      %swap3A_2259 = arith.constant 48 : index
      %swap3A_2260 = tpu.vector_load %arg10[%swap3A_2258, %swap3A_2259] {strides = array<i32>} : memref<8x128xf32, #tpu.memory_space<vmem>>, vector<1x16xf32>,
      %swap3A_2261 = vector.shape_cast %swap3A_2260 : vector<1x16xf32> to vector<16xf32>
      %swap3A_2262 = vector.shape_cast %add3A_2211 : vector<16xf32> to vector<1x16xf32>
      tpu.vector_store %arg10[%swap3A_2258, %swap3A_2259], %swap3A_2262 {strides = array<i32>} : memref<8x128xf32, #tpu.memory_space<vmem>>, vector<1x16xf32>,
      %add3A_2263 = arith.constant 512 : i32
      %add3A_2264 = vector.broadcast %add3A_2263 : i32 to vector<16xi32>
      %add3A_2265 = arith.addi %add3A_2198, %add3A_2264 : vector<16xi32>
      %swap3A_2266 = arith.constant 7 : i32
      %swap3A_2267 = arith.index_cast %swap3A_2266 : i32 to index
      %swap3A_2268 = arith.constant 80 : index
      %swap3A_2269 = tpu.vector_load %arg8[%swap3A_2267, %swap3A_2268] {strides = array<i32>} : memref<8x128xi32, #tpu.memory_space<vmem>>, vector<1x16xi32>,
      %swap3A_2270 = vector.shape_cast %swap3A_2269 : vector<1x16xi32> to vector<16xi32>
      %swap3A_2271 = vector.shape_cast %add3A_2265 : vector<16xi32> to vector<1x16xi32>
      tpu.vector_store %arg8[%swap3A_2267, %swap3A_2268], %swap3A_2271 {strides = array<i32>} : memref<8x128xi32, #tpu.memory_space<vmem>>, vector<1x16xi32>,
      %swap3A_2272 = arith.constant 7 : i32
      %swap3A_2273 = arith.index_cast %swap3A_2272 : i32 to index
      %swap3A_2274 = arith.constant 80 : index
      %swap3A_2275 = tpu.vector_load %arg9[%swap3A_2273, %swap3A_2274] {strides = array<i32>} : memref<8x128xf32, #tpu.memory_space<vmem>>, vector<1x16xf32>,
      %swap3A_2276 = vector.shape_cast %swap3A_2275 : vector<1x16xf32> to vector<16xf32>
      %swap3A_2277 = vector.shape_cast %add3A_2214 : vector<16xf32> to vector<1x16xf32>
      tpu.vector_store %arg9[%swap3A_2273, %swap3A_2274], %swap3A_2277 {strides = array<i32>} : memref<8x128xf32, #tpu.memory_space<vmem>>, vector<1x16xf32>,
      %swap3A_2278 = arith.constant 7 : i32
      %swap3A_2279 = arith.index_cast %swap3A_2278 : i32 to index
      %swap3A_2280 = arith.constant 80 : index
      %swap3A_2281 = tpu.vector_load %arg10[%swap3A_2279, %swap3A_2280] {strides = array<i32>} : memref<8x128xf32, #tpu.memory_space<vmem>>, vector<1x16xf32>,
      %swap3A_2282 = vector.shape_cast %swap3A_2281 : vector<1x16xf32> to vector<16xf32>
      %swap3A_2283 = vector.shape_cast %sub3A_2194 : vector<16xf32> to vector<1x16xf32>
      tpu.vector_store %arg10[%swap3A_2279, %swap3A_2280], %swap3A_2283 {strides = array<i32>} : memref<8x128xf32, #tpu.memory_space<vmem>>, vector<1x16xf32>,
      %add3A_2284 = arith.constant 513 : i32
      %add3A_2285 = vector.broadcast %add3A_2284 : i32 to vector<16xi32>
      %add3A_2286 = arith.addi %add3A_2198, %add3A_2285 : vector<16xi32>
      %swap3A_2287 = arith.constant 7 : i32
      %swap3A_2288 = arith.index_cast %swap3A_2287 : i32 to index
      %swap3A_2289 = arith.constant 112 : index
      %swap3A_2290 = tpu.vector_load %arg8[%swap3A_2288, %swap3A_2289] {strides = array<i32>} : memref<8x128xi32, #tpu.memory_space<vmem>>, vector<1x16xi32>,
      %swap3A_2291 = vector.shape_cast %swap3A_2290 : vector<1x16xi32> to vector<16xi32>
      %swap3A_2292 = vector.shape_cast %add3A_2286 : vector<16xi32> to vector<1x16xi32>
      tpu.vector_store %arg8[%swap3A_2288, %swap3A_2289], %swap3A_2292 {strides = array<i32>} : memref<8x128xi32, #tpu.memory_space<vmem>>, vector<1x16xi32>,
      %swap3A_2293 = arith.constant 7 : i32
      %swap3A_2294 = arith.index_cast %swap3A_2293 : i32 to index
      %swap3A_2295 = arith.constant 112 : index
      %swap3A_2296 = tpu.vector_load %arg9[%swap3A_2294, %swap3A_2295] {strides = array<i32>} : memref<8x128xf32, #tpu.memory_space<vmem>>, vector<1x16xf32>,
      %swap3A_2297 = vector.shape_cast %swap3A_2296 : vector<1x16xf32> to vector<16xf32>
      %swap3A_2298 = vector.shape_cast %neg3A_2217 : vector<16xf32> to vector<1x16xf32>
      tpu.vector_store %arg9[%swap3A_2294, %swap3A_2295], %swap3A_2298 {strides = array<i32>} : memref<8x128xf32, #tpu.memory_space<vmem>>, vector<1x16xf32>,
      %swap3A_2299 = arith.constant 7 : i32
      %swap3A_2300 = arith.index_cast %swap3A_2299 : i32 to index
      %swap3A_2301 = arith.constant 112 : index
      %swap3A_2302 = tpu.vector_load %arg10[%swap3A_2300, %swap3A_2301] {strides = array<i32>} : memref<8x128xf32, #tpu.memory_space<vmem>>, vector<1x16xf32>,
      %swap3A_2303 = vector.shape_cast %swap3A_2302 : vector<1x16xf32> to vector<16xf32>
      %swap3A_2304 = vector.shape_cast %neg3A_2220 : vector<16xf32> to vector<1x16xf32>
      tpu.vector_store %arg10[%swap3A_2300, %swap3A_2301], %swap3A_2304 {strides = array<i32>} : memref<8x128xf32, #tpu.memory_space<vmem>>, vector<1x16xf32>,
      %dma_start3A_2305 = arith.constant 7 : i32
      %dma_start3A_2306 = arith.constant 7 : i32
      %dma_start3A_2307 = arith.constant 0 : i32
      %dma_start3A_2308 = tpu.memref_slice %arg9[%dma_start3A_2305, %dma_start3A_2307] : memref<8x128xf32, #tpu.memory_space<vmem>> -> memref<1x128xf32, #tpu.memory_space<vmem>>
      %dma_start3A_2309 = tpu.memref_squeeze %dma_start3A_2308 : memref<1x128xf32, #tpu.memory_space<vmem>> -> memref<128xf32, #tpu.memory_space<vmem>>
      %dma_start3A_2310 = arith.constant 0 : i32
      %dma_start3A_2311 = tpu.memref_slice %arg8[%dma_start3A_2306, %dma_start3A_2310] : memref<8x128xi32, #tpu.memory_space<vmem>> -> memref<1x128xi32, #tpu.memory_space<vmem>>
      %dma_start3A_2312 = tpu.memref_squeeze %dma_start3A_2311 : memref<1x128xi32, #tpu.memory_space<vmem>> -> memref<128xi32, #tpu.memory_space<vmem>>
      %dma_start3A_2313 = arith.constant 0 : i32
      %dma_start3A_2314 = tpu.memref_slice %arg12[%dma_start3A_2313] : memref<262144xf32, #tpu.memory_space<vmem_shared>> -> memref<262144xf32, #tpu.memory_space<vmem_shared>>
      tpu.enqueue_indirect_dma source(%dma_start3A_2309 : memref<128xf32, #tpu.memory_space<vmem>>) target(%dma_start3A_2314 : memref<262144xf32, #tpu.memory_space<vmem_shared>>) offsets(%dma_start3A_2312 : memref<128xi32, #tpu.memory_space<vmem>>) semaphore(%arg14 : memref<!tpu.dma_semaphore, #tpu.memory_space<semaphore_mem>>) {add = true}
      %dma_start3A_2315 = arith.constant 7 : i32
      %dma_start3A_2316 = arith.constant 7 : i32
      %dma_start3A_2317 = arith.constant 0 : i32
      %dma_start3A_2318 = tpu.memref_slice %arg10[%dma_start3A_2315, %dma_start3A_2317] : memref<8x128xf32, #tpu.memory_space<vmem>> -> memref<1x128xf32, #tpu.memory_space<vmem>>
      %dma_start3A_2319 = tpu.memref_squeeze %dma_start3A_2318 : memref<1x128xf32, #tpu.memory_space<vmem>> -> memref<128xf32, #tpu.memory_space<vmem>>
      %dma_start3A_2320 = arith.constant 0 : i32
      %dma_start3A_2321 = tpu.memref_slice %arg8[%dma_start3A_2316, %dma_start3A_2320] : memref<8x128xi32, #tpu.memory_space<vmem>> -> memref<1x128xi32, #tpu.memory_space<vmem>>
      %dma_start3A_2322 = tpu.memref_squeeze %dma_start3A_2321 : memref<1x128xi32, #tpu.memory_space<vmem>> -> memref<128xi32, #tpu.memory_space<vmem>>
      %dma_start3A_2323 = arith.constant 0 : i32
      %dma_start3A_2324 = tpu.memref_slice %arg13[%dma_start3A_2323] : memref<262144xf32, #tpu.memory_space<vmem_shared>> -> memref<262144xf32, #tpu.memory_space<vmem_shared>>
      tpu.enqueue_indirect_dma source(%dma_start3A_2319 : memref<128xf32, #tpu.memory_space<vmem>>) target(%dma_start3A_2324 : memref<262144xf32, #tpu.memory_space<vmem_shared>>) offsets(%dma_start3A_2322 : memref<128xi32, #tpu.memory_space<vmem>>) semaphore(%arg14 : memref<!tpu.dma_semaphore, #tpu.memory_space<semaphore_mem>>) {add = true}
      %dma_wait3A = arith.constant 0 : i32
      %dma_wait3A_2325 = arith.constant 0 : i32
      %dma_wait3A_2326 = arith.constant 0 : i32
      %dma_wait3A_2327 = tpu.memref_slice %arg9[%dma_wait3A, %dma_wait3A_2326] : memref<8x128xf32, #tpu.memory_space<vmem>> -> memref<1x128xf32, #tpu.memory_space<vmem>>
      %dma_wait3A_2328 = tpu.memref_squeeze %dma_wait3A_2327 : memref<1x128xf32, #tpu.memory_space<vmem>> -> memref<128xf32, #tpu.memory_space<vmem>>
      %dma_wait3A_2329 = arith.constant 0 : i32
      %dma_wait3A_2330 = tpu.memref_slice %arg8[%dma_wait3A_2325, %dma_wait3A_2329] : memref<8x128xi32, #tpu.memory_space<vmem>> -> memref<1x128xi32, #tpu.memory_space<vmem>>
      %dma_wait3A_2331 = tpu.memref_squeeze %dma_wait3A_2330 : memref<1x128xi32, #tpu.memory_space<vmem>> -> memref<128xi32, #tpu.memory_space<vmem>>
      %dma_wait3A_2332 = arith.constant 0 : i32
      %dma_wait3A_2333 = tpu.memref_slice %arg12[%dma_wait3A_2332] : memref<262144xf32, #tpu.memory_space<vmem_shared>> -> memref<262144xf32, #tpu.memory_space<vmem_shared>>
      tpu.wait_indirect_dma semaphore(%arg14 : memref<!tpu.dma_semaphore, #tpu.memory_space<semaphore_mem>>) src(%dma_wait3A_2328 : memref<128xf32, #tpu.memory_space<vmem>>) dst(%dma_wait3A_2333 : memref<262144xf32, #tpu.memory_space<vmem_shared>>)
      %dma_wait3A_2334 = arith.constant 0 : i32
      %dma_wait3A_2335 = arith.constant 0 : i32
      %dma_wait3A_2336 = arith.constant 0 : i32
      %dma_wait3A_2337 = tpu.memref_slice %arg10[%dma_wait3A_2334, %dma_wait3A_2336] : memref<8x128xf32, #tpu.memory_space<vmem>> -> memref<1x128xf32, #tpu.memory_space<vmem>>
      %dma_wait3A_2338 = tpu.memref_squeeze %dma_wait3A_2337 : memref<1x128xf32, #tpu.memory_space<vmem>> -> memref<128xf32, #tpu.memory_space<vmem>>
      %dma_wait3A_2339 = arith.constant 0 : i32
      %dma_wait3A_2340 = tpu.memref_slice %arg8[%dma_wait3A_2335, %dma_wait3A_2339] : memref<8x128xi32, #tpu.memory_space<vmem>> -> memref<1x128xi32, #tpu.memory_space<vmem>>
      %dma_wait3A_2341 = tpu.memref_squeeze %dma_wait3A_2340 : memref<1x128xi32, #tpu.memory_space<vmem>> -> memref<128xi32, #tpu.memory_space<vmem>>
      %dma_wait3A_2342 = arith.constant 0 : i32
      %dma_wait3A_2343 = tpu.memref_slice %arg13[%dma_wait3A_2342] : memref<262144xf32, #tpu.memory_space<vmem_shared>> -> memref<262144xf32, #tpu.memory_space<vmem_shared>>
      tpu.wait_indirect_dma semaphore(%arg14 : memref<!tpu.dma_semaphore, #tpu.memory_space<semaphore_mem>>) src(%dma_wait3A_2338 : memref<128xf32, #tpu.memory_space<vmem>>) dst(%dma_wait3A_2343 : memref<262144xf32, #tpu.memory_space<vmem_shared>>)
      %dma_wait3A_2344 = arith.constant 1 : i32
      %dma_wait3A_2345 = arith.constant 1 : i32
      %dma_wait3A_2346 = arith.constant 0 : i32
      %dma_wait3A_2347 = tpu.memref_slice %arg9[%dma_wait3A_2344, %dma_wait3A_2346] : memref<8x128xf32, #tpu.memory_space<vmem>> -> memref<1x128xf32, #tpu.memory_space<vmem>>
      %dma_wait3A_2348 = tpu.memref_squeeze %dma_wait3A_2347 : memref<1x128xf32, #tpu.memory_space<vmem>> -> memref<128xf32, #tpu.memory_space<vmem>>
      %dma_wait3A_2349 = arith.constant 0 : i32
      %dma_wait3A_2350 = tpu.memref_slice %arg8[%dma_wait3A_2345, %dma_wait3A_2349] : memref<8x128xi32, #tpu.memory_space<vmem>> -> memref<1x128xi32, #tpu.memory_space<vmem>>
      %dma_wait3A_2351 = tpu.memref_squeeze %dma_wait3A_2350 : memref<1x128xi32, #tpu.memory_space<vmem>> -> memref<128xi32, #tpu.memory_space<vmem>>
      %dma_wait3A_2352 = arith.constant 0 : i32
      %dma_wait3A_2353 = tpu.memref_slice %arg12[%dma_wait3A_2352] : memref<262144xf32, #tpu.memory_space<vmem_shared>> -> memref<262144xf32, #tpu.memory_space<vmem_shared>>
      tpu.wait_indirect_dma semaphore(%arg14 : memref<!tpu.dma_semaphore, #tpu.memory_space<semaphore_mem>>) src(%dma_wait3A_2348 : memref<128xf32, #tpu.memory_space<vmem>>) dst(%dma_wait3A_2353 : memref<262144xf32, #tpu.memory_space<vmem_shared>>)
      %dma_wait3A_2354 = arith.constant 1 : i32
      %dma_wait3A_2355 = arith.constant 1 : i32
      %dma_wait3A_2356 = arith.constant 0 : i32
      %dma_wait3A_2357 = tpu.memref_slice %arg10[%dma_wait3A_2354, %dma_wait3A_2356] : memref<8x128xf32, #tpu.memory_space<vmem>> -> memref<1x128xf32, #tpu.memory_space<vmem>>
      %dma_wait3A_2358 = tpu.memref_squeeze %dma_wait3A_2357 : memref<1x128xf32, #tpu.memory_space<vmem>> -> memref<128xf32, #tpu.memory_space<vmem>>
      %dma_wait3A_2359 = arith.constant 0 : i32
      %dma_wait3A_2360 = tpu.memref_slice %arg8[%dma_wait3A_2355, %dma_wait3A_2359] : memref<8x128xi32, #tpu.memory_space<vmem>> -> memref<1x128xi32, #tpu.memory_space<vmem>>
      %dma_wait3A_2361 = tpu.memref_squeeze %dma_wait3A_2360 : memref<1x128xi32, #tpu.memory_space<vmem>> -> memref<128xi32, #tpu.memory_space<vmem>>
      %dma_wait3A_2362 = arith.constant 0 : i32
      %dma_wait3A_2363 = tpu.memref_slice %arg13[%dma_wait3A_2362] : memref<262144xf32, #tpu.memory_space<vmem_shared>> -> memref<262144xf32, #tpu.memory_space<vmem_shared>>
      tpu.wait_indirect_dma semaphore(%arg14 : memref<!tpu.dma_semaphore, #tpu.memory_space<semaphore_mem>>) src(%dma_wait3A_2358 : memref<128xf32, #tpu.memory_space<vmem>>) dst(%dma_wait3A_2363 : memref<262144xf32, #tpu.memory_space<vmem_shared>>)
      %dma_wait3A_2364 = arith.constant 2 : i32
      %dma_wait3A_2365 = arith.constant 2 : i32
      %dma_wait3A_2366 = arith.constant 0 : i32
      %dma_wait3A_2367 = tpu.memref_slice %arg9[%dma_wait3A_2364, %dma_wait3A_2366] : memref<8x128xf32, #tpu.memory_space<vmem>> -> memref<1x128xf32, #tpu.memory_space<vmem>>
      %dma_wait3A_2368 = tpu.memref_squeeze %dma_wait3A_2367 : memref<1x128xf32, #tpu.memory_space<vmem>> -> memref<128xf32, #tpu.memory_space<vmem>>
      %dma_wait3A_2369 = arith.constant 0 : i32
      %dma_wait3A_2370 = tpu.memref_slice %arg8[%dma_wait3A_2365, %dma_wait3A_2369] : memref<8x128xi32, #tpu.memory_space<vmem>> -> memref<1x128xi32, #tpu.memory_space<vmem>>
      %dma_wait3A_2371 = tpu.memref_squeeze %dma_wait3A_2370 : memref<1x128xi32, #tpu.memory_space<vmem>> -> memref<128xi32, #tpu.memory_space<vmem>>
      %dma_wait3A_2372 = arith.constant 0 : i32
      %dma_wait3A_2373 = tpu.memref_slice %arg12[%dma_wait3A_2372] : memref<262144xf32, #tpu.memory_space<vmem_shared>> -> memref<262144xf32, #tpu.memory_space<vmem_shared>>
      tpu.wait_indirect_dma semaphore(%arg14 : memref<!tpu.dma_semaphore, #tpu.memory_space<semaphore_mem>>) src(%dma_wait3A_2368 : memref<128xf32, #tpu.memory_space<vmem>>) dst(%dma_wait3A_2373 : memref<262144xf32, #tpu.memory_space<vmem_shared>>)
      %dma_wait3A_2374 = arith.constant 2 : i32
      %dma_wait3A_2375 = arith.constant 2 : i32
      %dma_wait3A_2376 = arith.constant 0 : i32
      %dma_wait3A_2377 = tpu.memref_slice %arg10[%dma_wait3A_2374, %dma_wait3A_2376] : memref<8x128xf32, #tpu.memory_space<vmem>> -> memref<1x128xf32, #tpu.memory_space<vmem>>
      %dma_wait3A_2378 = tpu.memref_squeeze %dma_wait3A_2377 : memref<1x128xf32, #tpu.memory_space<vmem>> -> memref<128xf32, #tpu.memory_space<vmem>>
      %dma_wait3A_2379 = arith.constant 0 : i32
      %dma_wait3A_2380 = tpu.memref_slice %arg8[%dma_wait3A_2375, %dma_wait3A_2379] : memref<8x128xi32, #tpu.memory_space<vmem>> -> memref<1x128xi32, #tpu.memory_space<vmem>>
      %dma_wait3A_2381 = tpu.memref_squeeze %dma_wait3A_2380 : memref<1x128xi32, #tpu.memory_space<vmem>> -> memref<128xi32, #tpu.memory_space<vmem>>
      %dma_wait3A_2382 = arith.constant 0 : i32
      %dma_wait3A_2383 = tpu.memref_slice %arg13[%dma_wait3A_2382] : memref<262144xf32, #tpu.memory_space<vmem_shared>> -> memref<262144xf32, #tpu.memory_space<vmem_shared>>
      tpu.wait_indirect_dma semaphore(%arg14 : memref<!tpu.dma_semaphore, #tpu.memory_space<semaphore_mem>>) src(%dma_wait3A_2378 : memref<128xf32, #tpu.memory_space<vmem>>) dst(%dma_wait3A_2383 : memref<262144xf32, #tpu.memory_space<vmem_shared>>)
      %dma_wait3A_2384 = arith.constant 3 : i32
      %dma_wait3A_2385 = arith.constant 3 : i32
      %dma_wait3A_2386 = arith.constant 0 : i32
      %dma_wait3A_2387 = tpu.memref_slice %arg9[%dma_wait3A_2384, %dma_wait3A_2386] : memref<8x128xf32, #tpu.memory_space<vmem>> -> memref<1x128xf32, #tpu.memory_space<vmem>>
      %dma_wait3A_2388 = tpu.memref_squeeze %dma_wait3A_2387 : memref<1x128xf32, #tpu.memory_space<vmem>> -> memref<128xf32, #tpu.memory_space<vmem>>
      %dma_wait3A_2389 = arith.constant 0 : i32
      %dma_wait3A_2390 = tpu.memref_slice %arg8[%dma_wait3A_2385, %dma_wait3A_2389] : memref<8x128xi32, #tpu.memory_space<vmem>> -> memref<1x128xi32, #tpu.memory_space<vmem>>
      %dma_wait3A_2391 = tpu.memref_squeeze %dma_wait3A_2390 : memref<1x128xi32, #tpu.memory_space<vmem>> -> memref<128xi32, #tpu.memory_space<vmem>>
      %dma_wait3A_2392 = arith.constant 0 : i32
      %dma_wait3A_2393 = tpu.memref_slice %arg12[%dma_wait3A_2392] : memref<262144xf32, #tpu.memory_space<vmem_shared>> -> memref<262144xf32, #tpu.memory_space<vmem_shared>>
      tpu.wait_indirect_dma semaphore(%arg14 : memref<!tpu.dma_semaphore, #tpu.memory_space<semaphore_mem>>) src(%dma_wait3A_2388 : memref<128xf32, #tpu.memory_space<vmem>>) dst(%dma_wait3A_2393 : memref<262144xf32, #tpu.memory_space<vmem_shared>>)
      %dma_wait3A_2394 = arith.constant 3 : i32
      %dma_wait3A_2395 = arith.constant 3 : i32
      %dma_wait3A_2396 = arith.constant 0 : i32
      %dma_wait3A_2397 = tpu.memref_slice %arg10[%dma_wait3A_2394, %dma_wait3A_2396] : memref<8x128xf32, #tpu.memory_space<vmem>> -> memref<1x128xf32, #tpu.memory_space<vmem>>
      %dma_wait3A_2398 = tpu.memref_squeeze %dma_wait3A_2397 : memref<1x128xf32, #tpu.memory_space<vmem>> -> memref<128xf32, #tpu.memory_space<vmem>>
      %dma_wait3A_2399 = arith.constant 0 : i32
      %dma_wait3A_2400 = tpu.memref_slice %arg8[%dma_wait3A_2395, %dma_wait3A_2399] : memref<8x128xi32, #tpu.memory_space<vmem>> -> memref<1x128xi32, #tpu.memory_space<vmem>>
      %dma_wait3A_2401 = tpu.memref_squeeze %dma_wait3A_2400 : memref<1x128xi32, #tpu.memory_space<vmem>> -> memref<128xi32, #tpu.memory_space<vmem>>
      %dma_wait3A_2402 = arith.constant 0 : i32
      %dma_wait3A_2403 = tpu.memref_slice %arg13[%dma_wait3A_2402] : memref<262144xf32, #tpu.memory_space<vmem_shared>> -> memref<262144xf32, #tpu.memory_space<vmem_shared>>
      tpu.wait_indirect_dma semaphore(%arg14 : memref<!tpu.dma_semaphore, #tpu.memory_space<semaphore_mem>>) src(%dma_wait3A_2398 : memref<128xf32, #tpu.memory_space<vmem>>) dst(%dma_wait3A_2403 : memref<262144xf32, #tpu.memory_space<vmem_shared>>)
      %dma_wait3A_2404 = arith.constant 4 : i32
      %dma_wait3A_2405 = arith.constant 4 : i32
      %dma_wait3A_2406 = arith.constant 0 : i32
      %dma_wait3A_2407 = tpu.memref_slice %arg9[%dma_wait3A_2404, %dma_wait3A_2406] : memref<8x128xf32, #tpu.memory_space<vmem>> -> memref<1x128xf32, #tpu.memory_space<vmem>>
      %dma_wait3A_2408 = tpu.memref_squeeze %dma_wait3A_2407 : memref<1x128xf32, #tpu.memory_space<vmem>> -> memref<128xf32, #tpu.memory_space<vmem>>
      %dma_wait3A_2409 = arith.constant 0 : i32
      %dma_wait3A_2410 = tpu.memref_slice %arg8[%dma_wait3A_2405, %dma_wait3A_2409] : memref<8x128xi32, #tpu.memory_space<vmem>> -> memref<1x128xi32, #tpu.memory_space<vmem>>
      %dma_wait3A_2411 = tpu.memref_squeeze %dma_wait3A_2410 : memref<1x128xi32, #tpu.memory_space<vmem>> -> memref<128xi32, #tpu.memory_space<vmem>>
      %dma_wait3A_2412 = arith.constant 0 : i32
      %dma_wait3A_2413 = tpu.memref_slice %arg12[%dma_wait3A_2412] : memref<262144xf32, #tpu.memory_space<vmem_shared>> -> memref<262144xf32, #tpu.memory_space<vmem_shared>>
      tpu.wait_indirect_dma semaphore(%arg14 : memref<!tpu.dma_semaphore, #tpu.memory_space<semaphore_mem>>) src(%dma_wait3A_2408 : memref<128xf32, #tpu.memory_space<vmem>>) dst(%dma_wait3A_2413 : memref<262144xf32, #tpu.memory_space<vmem_shared>>)
      %dma_wait3A_2414 = arith.constant 4 : i32
      %dma_wait3A_2415 = arith.constant 4 : i32
      %dma_wait3A_2416 = arith.constant 0 : i32
      %dma_wait3A_2417 = tpu.memref_slice %arg10[%dma_wait3A_2414, %dma_wait3A_2416] : memref<8x128xf32, #tpu.memory_space<vmem>> -> memref<1x128xf32, #tpu.memory_space<vmem>>
      %dma_wait3A_2418 = tpu.memref_squeeze %dma_wait3A_2417 : memref<1x128xf32, #tpu.memory_space<vmem>> -> memref<128xf32, #tpu.memory_space<vmem>>
      %dma_wait3A_2419 = arith.constant 0 : i32
      %dma_wait3A_2420 = tpu.memref_slice %arg8[%dma_wait3A_2415, %dma_wait3A_2419] : memref<8x128xi32, #tpu.memory_space<vmem>> -> memref<1x128xi32, #tpu.memory_space<vmem>>
      %dma_wait3A_2421 = tpu.memref_squeeze %dma_wait3A_2420 : memref<1x128xi32, #tpu.memory_space<vmem>> -> memref<128xi32, #tpu.memory_space<vmem>>
      %dma_wait3A_2422 = arith.constant 0 : i32
      %dma_wait3A_2423 = tpu.memref_slice %arg13[%dma_wait3A_2422] : memref<262144xf32, #tpu.memory_space<vmem_shared>> -> memref<262144xf32, #tpu.memory_space<vmem_shared>>
      tpu.wait_indirect_dma semaphore(%arg14 : memref<!tpu.dma_semaphore, #tpu.memory_space<semaphore_mem>>) src(%dma_wait3A_2418 : memref<128xf32, #tpu.memory_space<vmem>>) dst(%dma_wait3A_2423 : memref<262144xf32, #tpu.memory_space<vmem_shared>>)
      %dma_wait3A_2424 = arith.constant 5 : i32
      %dma_wait3A_2425 = arith.constant 5 : i32
      %dma_wait3A_2426 = arith.constant 0 : i32
      %dma_wait3A_2427 = tpu.memref_slice %arg9[%dma_wait3A_2424, %dma_wait3A_2426] : memref<8x128xf32, #tpu.memory_space<vmem>> -> memref<1x128xf32, #tpu.memory_space<vmem>>
      %dma_wait3A_2428 = tpu.memref_squeeze %dma_wait3A_2427 : memref<1x128xf32, #tpu.memory_space<vmem>> -> memref<128xf32, #tpu.memory_space<vmem>>
      %dma_wait3A_2429 = arith.constant 0 : i32
      %dma_wait3A_2430 = tpu.memref_slice %arg8[%dma_wait3A_2425, %dma_wait3A_2429] : memref<8x128xi32, #tpu.memory_space<vmem>> -> memref<1x128xi32, #tpu.memory_space<vmem>>
      %dma_wait3A_2431 = tpu.memref_squeeze %dma_wait3A_2430 : memref<1x128xi32, #tpu.memory_space<vmem>> -> memref<128xi32, #tpu.memory_space<vmem>>
      %dma_wait3A_2432 = arith.constant 0 : i32
      %dma_wait3A_2433 = tpu.memref_slice %arg12[%dma_wait3A_2432] : memref<262144xf32, #tpu.memory_space<vmem_shared>> -> memref<262144xf32, #tpu.memory_space<vmem_shared>>
      tpu.wait_indirect_dma semaphore(%arg14 : memref<!tpu.dma_semaphore, #tpu.memory_space<semaphore_mem>>) src(%dma_wait3A_2428 : memref<128xf32, #tpu.memory_space<vmem>>) dst(%dma_wait3A_2433 : memref<262144xf32, #tpu.memory_space<vmem_shared>>)
      %dma_wait3A_2434 = arith.constant 5 : i32
      %dma_wait3A_2435 = arith.constant 5 : i32
      %dma_wait3A_2436 = arith.constant 0 : i32
      %dma_wait3A_2437 = tpu.memref_slice %arg10[%dma_wait3A_2434, %dma_wait3A_2436] : memref<8x128xf32, #tpu.memory_space<vmem>> -> memref<1x128xf32, #tpu.memory_space<vmem>>
      %dma_wait3A_2438 = tpu.memref_squeeze %dma_wait3A_2437 : memref<1x128xf32, #tpu.memory_space<vmem>> -> memref<128xf32, #tpu.memory_space<vmem>>
      %dma_wait3A_2439 = arith.constant 0 : i32
      %dma_wait3A_2440 = tpu.memref_slice %arg8[%dma_wait3A_2435, %dma_wait3A_2439] : memref<8x128xi32, #tpu.memory_space<vmem>> -> memref<1x128xi32, #tpu.memory_space<vmem>>
      %dma_wait3A_2441 = tpu.memref_squeeze %dma_wait3A_2440 : memref<1x128xi32, #tpu.memory_space<vmem>> -> memref<128xi32, #tpu.memory_space<vmem>>
      %dma_wait3A_2442 = arith.constant 0 : i32
      %dma_wait3A_2443 = tpu.memref_slice %arg13[%dma_wait3A_2442] : memref<262144xf32, #tpu.memory_space<vmem_shared>> -> memref<262144xf32, #tpu.memory_space<vmem_shared>>
      tpu.wait_indirect_dma semaphore(%arg14 : memref<!tpu.dma_semaphore, #tpu.memory_space<semaphore_mem>>) src(%dma_wait3A_2438 : memref<128xf32, #tpu.memory_space<vmem>>) dst(%dma_wait3A_2443 : memref<262144xf32, #tpu.memory_space<vmem_shared>>)
      %dma_wait3A_2444 = arith.constant 6 : i32
      %dma_wait3A_2445 = arith.constant 6 : i32
      %dma_wait3A_2446 = arith.constant 0 : i32
      %dma_wait3A_2447 = tpu.memref_slice %arg9[%dma_wait3A_2444, %dma_wait3A_2446] : memref<8x128xf32, #tpu.memory_space<vmem>> -> memref<1x128xf32, #tpu.memory_space<vmem>>
      %dma_wait3A_2448 = tpu.memref_squeeze %dma_wait3A_2447 : memref<1x128xf32, #tpu.memory_space<vmem>> -> memref<128xf32, #tpu.memory_space<vmem>>
      %dma_wait3A_2449 = arith.constant 0 : i32
      %dma_wait3A_2450 = tpu.memref_slice %arg8[%dma_wait3A_2445, %dma_wait3A_2449] : memref<8x128xi32, #tpu.memory_space<vmem>> -> memref<1x128xi32, #tpu.memory_space<vmem>>
      %dma_wait3A_2451 = tpu.memref_squeeze %dma_wait3A_2450 : memref<1x128xi32, #tpu.memory_space<vmem>> -> memref<128xi32, #tpu.memory_space<vmem>>
      %dma_wait3A_2452 = arith.constant 0 : i32
      %dma_wait3A_2453 = tpu.memref_slice %arg12[%dma_wait3A_2452] : memref<262144xf32, #tpu.memory_space<vmem_shared>> -> memref<262144xf32, #tpu.memory_space<vmem_shared>>
      tpu.wait_indirect_dma semaphore(%arg14 : memref<!tpu.dma_semaphore, #tpu.memory_space<semaphore_mem>>) src(%dma_wait3A_2448 : memref<128xf32, #tpu.memory_space<vmem>>) dst(%dma_wait3A_2453 : memref<262144xf32, #tpu.memory_space<vmem_shared>>)
      %dma_wait3A_2454 = arith.constant 6 : i32
      %dma_wait3A_2455 = arith.constant 6 : i32
      %dma_wait3A_2456 = arith.constant 0 : i32
      %dma_wait3A_2457 = tpu.memref_slice %arg10[%dma_wait3A_2454, %dma_wait3A_2456] : memref<8x128xf32, #tpu.memory_space<vmem>> -> memref<1x128xf32, #tpu.memory_space<vmem>>
      %dma_wait3A_2458 = tpu.memref_squeeze %dma_wait3A_2457 : memref<1x128xf32, #tpu.memory_space<vmem>> -> memref<128xf32, #tpu.memory_space<vmem>>
      %dma_wait3A_2459 = arith.constant 0 : i32
      %dma_wait3A_2460 = tpu.memref_slice %arg8[%dma_wait3A_2455, %dma_wait3A_2459] : memref<8x128xi32, #tpu.memory_space<vmem>> -> memref<1x128xi32, #tpu.memory_space<vmem>>
      %dma_wait3A_2461 = tpu.memref_squeeze %dma_wait3A_2460 : memref<1x128xi32, #tpu.memory_space<vmem>> -> memref<128xi32, #tpu.memory_space<vmem>>
      %dma_wait3A_2462 = arith.constant 0 : i32
      %dma_wait3A_2463 = tpu.memref_slice %arg13[%dma_wait3A_2462] : memref<262144xf32, #tpu.memory_space<vmem_shared>> -> memref<262144xf32, #tpu.memory_space<vmem_shared>>
      tpu.wait_indirect_dma semaphore(%arg14 : memref<!tpu.dma_semaphore, #tpu.memory_space<semaphore_mem>>) src(%dma_wait3A_2458 : memref<128xf32, #tpu.memory_space<vmem>>) dst(%dma_wait3A_2463 : memref<262144xf32, #tpu.memory_space<vmem_shared>>)
      %dma_wait3A_2464 = arith.constant 7 : i32
      %dma_wait3A_2465 = arith.constant 7 : i32
      %dma_wait3A_2466 = arith.constant 0 : i32
      %dma_wait3A_2467 = tpu.memref_slice %arg9[%dma_wait3A_2464, %dma_wait3A_2466] : memref<8x128xf32, #tpu.memory_space<vmem>> -> memref<1x128xf32, #tpu.memory_space<vmem>>
      %dma_wait3A_2468 = tpu.memref_squeeze %dma_wait3A_2467 : memref<1x128xf32, #tpu.memory_space<vmem>> -> memref<128xf32, #tpu.memory_space<vmem>>
      %dma_wait3A_2469 = arith.constant 0 : i32
      %dma_wait3A_2470 = tpu.memref_slice %arg8[%dma_wait3A_2465, %dma_wait3A_2469] : memref<8x128xi32, #tpu.memory_space<vmem>> -> memref<1x128xi32, #tpu.memory_space<vmem>>
      %dma_wait3A_2471 = tpu.memref_squeeze %dma_wait3A_2470 : memref<1x128xi32, #tpu.memory_space<vmem>> -> memref<128xi32, #tpu.memory_space<vmem>>
      %dma_wait3A_2472 = arith.constant 0 : i32
      %dma_wait3A_2473 = tpu.memref_slice %arg12[%dma_wait3A_2472] : memref<262144xf32, #tpu.memory_space<vmem_shared>> -> memref<262144xf32, #tpu.memory_space<vmem_shared>>
      tpu.wait_indirect_dma semaphore(%arg14 : memref<!tpu.dma_semaphore, #tpu.memory_space<semaphore_mem>>) src(%dma_wait3A_2468 : memref<128xf32, #tpu.memory_space<vmem>>) dst(%dma_wait3A_2473 : memref<262144xf32, #tpu.memory_space<vmem_shared>>)
      %dma_wait3A_2474 = arith.constant 7 : i32
      %dma_wait3A_2475 = arith.constant 7 : i32
      %dma_wait3A_2476 = arith.constant 0 : i32
      %dma_wait3A_2477 = tpu.memref_slice %arg10[%dma_wait3A_2474, %dma_wait3A_2476] : memref<8x128xf32, #tpu.memory_space<vmem>> -> memref<1x128xf32, #tpu.memory_space<vmem>>
      %dma_wait3A_2478 = tpu.memref_squeeze %dma_wait3A_2477 : memref<1x128xf32, #tpu.memory_space<vmem>> -> memref<128xf32, #tpu.memory_space<vmem>>
      %dma_wait3A_2479 = arith.constant 0 : i32
      %dma_wait3A_2480 = tpu.memref_slice %arg8[%dma_wait3A_2475, %dma_wait3A_2479] : memref<8x128xi32, #tpu.memory_space<vmem>> -> memref<1x128xi32, #tpu.memory_space<vmem>>
      %dma_wait3A_2481 = tpu.memref_squeeze %dma_wait3A_2480 : memref<1x128xi32, #tpu.memory_space<vmem>> -> memref<128xi32, #tpu.memory_space<vmem>>
      %dma_wait3A_2482 = arith.constant 0 : i32
      %dma_wait3A_2483 = tpu.memref_slice %arg13[%dma_wait3A_2482] : memref<262144xf32, #tpu.memory_space<vmem_shared>> -> memref<262144xf32, #tpu.memory_space<vmem_shared>>
      tpu.wait_indirect_dma semaphore(%arg14 : memref<!tpu.dma_semaphore, #tpu.memory_space<semaphore_mem>>) src(%dma_wait3A_2478 : memref<128xf32, #tpu.memory_space<vmem>>) dst(%dma_wait3A_2483 : memref<262144xf32, #tpu.memory_space<vmem_shared>>)
      %scan3A_2484 = arith.constant 0 : i32
      scf.yield %scan3A_2484 : i32
    }
    %scan3A_14 = arith.constant 32 : i32
    %barrier3A_15 = arith.constant 0 : index
    tpu.barrier barrier_id(%barrier3A_15)
    %mul3A_16 = arith.constant 16384 : i32
    %mul3A_17 = arith.muli %arg1, %mul3A_16 : i32
    "tpu.region"() ({
      %run_scoped3A_25 = tpu.sem_alloc : memref<!tpu.dma_semaphore, #tpu.memory_space<semaphore_mem>>
      %dma_start3A = tpu.memref_slice %arg12[%mul3A_17] : memref<262144xf32, #tpu.memory_space<vmem_shared>> -> memref<16384xf32, #tpu.memory_space<vmem_shared>>
      %dma_start3A_26 = tpu.memref_slice %arg12[%mul3A_17] : memref<262144xf32, #tpu.memory_space<vmem_shared>> -> memref<16384xf32, #tpu.memory_space<vmem_shared>>
      tpu.enqueue_dma source(%dma_start3A_26 : memref<16384xf32, #tpu.memory_space<vmem_shared>>) target(%arg11 : memref<16384xf32, #tpu.memory_space<vmem>>) target_semaphore(%run_scoped3A_25 : memref<!tpu.dma_semaphore, #tpu.memory_space<semaphore_mem>>)
      %dma_wait3A = tpu.memref_slice %arg12[%mul3A_17] : memref<262144xf32, #tpu.memory_space<vmem_shared>> -> memref<16384xf32, #tpu.memory_space<vmem_shared>>
      %dma_wait3A_27 = tpu.memref_slice %arg12[%mul3A_17] : memref<262144xf32, #tpu.memory_space<vmem_shared>> -> memref<16384xf32, #tpu.memory_space<vmem_shared>>
      tpu.wait_dma2 semaphore(%run_scoped3A_25 : memref<!tpu.dma_semaphore, #tpu.memory_space<semaphore_mem>>) src(%dma_wait3A_27 : memref<16384xf32, #tpu.memory_space<vmem_shared>>) dst(%arg11 : memref<16384xf32, #tpu.memory_space<vmem>>)
      tpu.yield
    }) : () -> ()
    %mul3A_18 = arith.constant 16384 : i32
    %mul3A_19 = arith.muli %arg1, %mul3A_18 : i32
    %run_scoped3A = arith.constant 0 : i32
    "tpu.region"() ({
      %run_scoped3A_25 = tpu.sem_alloc : memref<!tpu.dma_semaphore, #tpu.memory_space<semaphore_mem>>
      %dma_start3A = tpu.memref_slice %arg5[%arg0, %run_scoped3A, %mul3A_19] : memref<2x2x262144xf32, #tpu.memory_space<hbm>> -> memref<1x1x16384xf32, #tpu.memory_space<hbm>>
      %dma_start3A_26 = tpu.memref_squeeze %dma_start3A : memref<1x1x16384xf32, #tpu.memory_space<hbm>> -> memref<16384xf32, #tpu.memory_space<hbm>>
      %dma_start3A_27 = tpu.memref_slice %arg5[%arg0, %run_scoped3A, %mul3A_19] : memref<2x2x262144xf32, #tpu.memory_space<hbm>> -> memref<1x1x16384xf32, #tpu.memory_space<hbm>>
      %dma_start3A_28 = tpu.memref_squeeze %dma_start3A_27 : memref<1x1x16384xf32, #tpu.memory_space<hbm>> -> memref<16384xf32, #tpu.memory_space<hbm>>
      tpu.enqueue_dma source(%arg11 : memref<16384xf32, #tpu.memory_space<vmem>>) target(%dma_start3A_28 : memref<16384xf32, #tpu.memory_space<hbm>>) target_semaphore(%run_scoped3A_25 : memref<!tpu.dma_semaphore, #tpu.memory_space<semaphore_mem>>)
      %dma_wait3A = tpu.memref_slice %arg5[%arg0, %run_scoped3A, %mul3A_19] : memref<2x2x262144xf32, #tpu.memory_space<hbm>> -> memref<1x1x16384xf32, #tpu.memory_space<hbm>>
      %dma_wait3A_29 = tpu.memref_squeeze %dma_wait3A : memref<1x1x16384xf32, #tpu.memory_space<hbm>> -> memref<16384xf32, #tpu.memory_space<hbm>>
      %dma_wait3A_30 = tpu.memref_slice %arg5[%arg0, %run_scoped3A, %mul3A_19] : memref<2x2x262144xf32, #tpu.memory_space<hbm>> -> memref<1x1x16384xf32, #tpu.memory_space<hbm>>
      %dma_wait3A_31 = tpu.memref_squeeze %dma_wait3A_30 : memref<1x1x16384xf32, #tpu.memory_space<hbm>> -> memref<16384xf32, #tpu.memory_space<hbm>>
      tpu.wait_dma2 semaphore(%run_scoped3A_25 : memref<!tpu.dma_semaphore, #tpu.memory_space<semaphore_mem>>) src(%arg11 : memref<16384xf32, #tpu.memory_space<vmem>>) dst(%dma_wait3A_31 : memref<16384xf32, #tpu.memory_space<hbm>>)
      tpu.yield
    }) : () -> ()
    %mul3A_20 = arith.constant 16384 : i32
    %mul3A_21 = arith.muli %arg1, %mul3A_20 : i32
    "tpu.region"() ({
      %run_scoped3A_25 = tpu.sem_alloc : memref<!tpu.dma_semaphore, #tpu.memory_space<semaphore_mem>>
      %dma_start3A = tpu.memref_slice %arg13[%mul3A_21] : memref<262144xf32, #tpu.memory_space<vmem_shared>> -> memref<16384xf32, #tpu.memory_space<vmem_shared>>
      %dma_start3A_26 = tpu.memref_slice %arg13[%mul3A_21] : memref<262144xf32, #tpu.memory_space<vmem_shared>> -> memref<16384xf32, #tpu.memory_space<vmem_shared>>
      tpu.enqueue_dma source(%dma_start3A_26 : memref<16384xf32, #tpu.memory_space<vmem_shared>>) target(%arg11 : memref<16384xf32, #tpu.memory_space<vmem>>) target_semaphore(%run_scoped3A_25 : memref<!tpu.dma_semaphore, #tpu.memory_space<semaphore_mem>>)
      %dma_wait3A = tpu.memref_slice %arg13[%mul3A_21] : memref<262144xf32, #tpu.memory_space<vmem_shared>> -> memref<16384xf32, #tpu.memory_space<vmem_shared>>
      %dma_wait3A_27 = tpu.memref_slice %arg13[%mul3A_21] : memref<262144xf32, #tpu.memory_space<vmem_shared>> -> memref<16384xf32, #tpu.memory_space<vmem_shared>>
      tpu.wait_dma2 semaphore(%run_scoped3A_25 : memref<!tpu.dma_semaphore, #tpu.memory_space<semaphore_mem>>) src(%dma_wait3A_27 : memref<16384xf32, #tpu.memory_space<vmem_shared>>) dst(%arg11 : memref<16384xf32, #tpu.memory_space<vmem>>)
      tpu.yield
    }) : () -> ()
    %mul3A_22 = arith.constant 16384 : i32
    %mul3A_23 = arith.muli %arg1, %mul3A_22 : i32
    %run_scoped3A_24 = arith.constant 1 : i32
    "tpu.region"() ({
      %run_scoped3A_25 = tpu.sem_alloc : memref<!tpu.dma_semaphore, #tpu.memory_space<semaphore_mem>>
      %dma_start3A = tpu.memref_slice %arg5[%arg0, %run_scoped3A_24, %mul3A_23] : memref<2x2x262144xf32, #tpu.memory_space<hbm>> -> memref<1x1x16384xf32, #tpu.memory_space<hbm>>
      %dma_start3A_26 = tpu.memref_squeeze %dma_start3A : memref<1x1x16384xf32, #tpu.memory_space<hbm>> -> memref<16384xf32, #tpu.memory_space<hbm>>
      %dma_start3A_27 = tpu.memref_slice %arg5[%arg0, %run_scoped3A_24, %mul3A_23] : memref<2x2x262144xf32, #tpu.memory_space<hbm>> -> memref<1x1x16384xf32, #tpu.memory_space<hbm>>
      %dma_start3A_28 = tpu.memref_squeeze %dma_start3A_27 : memref<1x1x16384xf32, #tpu.memory_space<hbm>> -> memref<16384xf32, #tpu.memory_space<hbm>>
      tpu.enqueue_dma source(%arg11 : memref<16384xf32, #tpu.memory_space<vmem>>) target(%dma_start3A_28 : memref<16384xf32, #tpu.memory_space<hbm>>) target_semaphore(%run_scoped3A_25 : memref<!tpu.dma_semaphore, #tpu.memory_space<semaphore_mem>>)
      %dma_wait3A = tpu.memref_slice %arg5[%arg0, %run_scoped3A_24, %mul3A_23] : memref<2x2x262144xf32, #tpu.memory_space<hbm>> -> memref<1x1x16384xf32, #tpu.memory_space<hbm>>
      %dma_wait3A_29 = tpu.memref_squeeze %dma_wait3A : memref<1x1x16384xf32, #tpu.memory_space<hbm>> -> memref<16384xf32, #tpu.memory_space<hbm>>
      %dma_wait3A_30 = tpu.memref_slice %arg5[%arg0, %run_scoped3A_24, %mul3A_23] : memref<2x2x262144xf32, #tpu.memory_space<hbm>> -> memref<1x1x16384xf32, #tpu.memory_space<hbm>>
      %dma_wait3A_31 = tpu.memref_squeeze %dma_wait3A_30 : memref<1x1x16384xf32, #tpu.memory_space<hbm>> -> memref<16384xf32, #tpu.memory_space<hbm>>
      tpu.wait_dma2 semaphore(%run_scoped3A_25 : memref<!tpu.dma_semaphore, #tpu.memory_space<semaphore_mem>>) src(%arg11 : memref<16384xf32, #tpu.memory_space<vmem>>) dst(%dma_wait3A_31 : memref<16384xf32, #tpu.memory_space<hbm>>)
      tpu.yield
    }) : () -> ()
    return
  }
}

module attributes {stable_mosaic.version = 14 : i64} {
  func.func @_tc_body(%arg0: i32, %arg1: memref<1x3x512x512xf32, #tpu.memory_space<vmem>>, %arg2: memref<2x2x512x512xf32, #tpu.memory_space<vmem>>, %arg3: memref<8x2xf32, #tpu.memory_space<vmem>>) attributes {dimension_semantics = [#tpu.dimension_semantics<arbitrary>], iteration_bounds = array<i64: 8>, scalar_prefetch = 0 : i64, scratch_operands = 0 : i64, tpu.core_type = #tpu.core_type<tc>, window_params = [{transform_indices = @transform_0, window_bounds = array<i64: 1, 3, 512, 512>}, {pipeline_mode = #tpu.pipeline_mode<synchronous>, transform_indices = @transform_1, window_bounds = array<i64: 2, 2, 512, 512>}, {pipeline_mode = #tpu.pipeline_mode<synchronous>, transform_indices = @transform_2, window_bounds = array<i64: 8, 2>}]} {
    %get3A = arith.constant 0 : index
    %get3A_0 = arith.constant 0 : index
    %get3A_1 = arith.constant 0 : index
    %get3A_2 = arith.constant 0 : index
    %get3A_3 = vector.load %arg1[%get3A, %get3A_0, %get3A_1, %get3A_2] : memref<1x3x512x512xf32, #tpu.memory_space<vmem>>, vector<1x3x512x512xf32>
    %slice3A = vector.extract_strided_slice %get3A_3 {offsets = [0, 0, 0, 0], sizes = [1, 1, 512, 512], strides = [1, 1, 1, 1]} : vector<1x3x512x512xf32> to vector<1x1x512x512xf32>
    %squeeze3A = vector.shape_cast %slice3A : vector<1x1x512x512xf32> to vector<512x512xf32>
    %slice3A_4 = vector.extract_strided_slice %get3A_3 {offsets = [0, 1, 0, 0], sizes = [1, 1, 512, 512], strides = [1, 1, 1, 1]} : vector<1x3x512x512xf32> to vector<1x1x512x512xf32>
    %squeeze3A_5 = vector.shape_cast %slice3A_4 : vector<1x1x512x512xf32> to vector<512x512xf32>
    %add3A = arith.addf %squeeze3A, %squeeze3A_5 : vector<512x512xf32>
    %slice3A_6 = vector.extract_strided_slice %get3A_3 {offsets = [0, 2, 0, 0], sizes = [1, 1, 512, 512], strides = [1, 1, 1, 1]} : vector<1x3x512x512xf32> to vector<1x1x512x512xf32>
    %squeeze3A_7 = vector.shape_cast %slice3A_6 : vector<1x1x512x512xf32> to vector<512x512xf32>
    %add3A_8 = arith.addf %add3A, %squeeze3A_7 : vector<512x512xf32>
    %get3A_9 = arith.constant 0 : index
    %get3A_10 = arith.constant 0 : index
    %get3A_11 = arith.constant 0 : index
    %get3A_12 = arith.constant 0 : index
    %get3A_13 = vector.load %arg2[%get3A_9, %get3A_10, %get3A_11, %get3A_12] : memref<2x2x512x512xf32, #tpu.memory_space<vmem>>, vector<2x2x512x512xf32>
    %slice3A_14 = vector.extract_strided_slice %get3A_13 {offsets = [0, 0, 0, 0], sizes = [1, 1, 512, 512], strides = [1, 1, 1, 1]} : vector<2x2x512x512xf32> to vector<1x1x512x512xf32>
    %squeeze3A_15 = vector.shape_cast %slice3A_14 : vector<1x1x512x512xf32> to vector<512x512xf32>
    %slice3A_16 = vector.extract_strided_slice %get3A_13 {offsets = [1, 0, 0, 0], sizes = [1, 1, 512, 512], strides = [1, 1, 1, 1]} : vector<2x2x512x512xf32> to vector<1x1x512x512xf32>
    %squeeze3A_17 = vector.shape_cast %slice3A_16 : vector<1x1x512x512xf32> to vector<512x512xf32>
    %add3A_18 = arith.addf %squeeze3A_15, %squeeze3A_17 : vector<512x512xf32>
    %slice3A_19 = vector.extract_strided_slice %get3A_13 {offsets = [0, 1, 0, 0], sizes = [1, 1, 512, 512], strides = [1, 1, 1, 1]} : vector<2x2x512x512xf32> to vector<1x1x512x512xf32>
    %squeeze3A_20 = vector.shape_cast %slice3A_19 : vector<1x1x512x512xf32> to vector<512x512xf32>
    %slice3A_21 = vector.extract_strided_slice %get3A_13 {offsets = [1, 1, 0, 0], sizes = [1, 1, 512, 512], strides = [1, 1, 1, 1]} : vector<2x2x512x512xf32> to vector<1x1x512x512xf32>
    %squeeze3A_22 = vector.shape_cast %slice3A_21 : vector<1x1x512x512xf32> to vector<512x512xf32>
    %add3A_23 = arith.addf %squeeze3A_20, %squeeze3A_22 : vector<512x512xf32>
    %mul3A = arith.mulf %add3A_8, %add3A_18 : vector<512x512xf32>
    %reduce_sum3A = vector.shape_cast %mul3A : vector<512x512xf32> to vector<1x512x512xf32>
    %reduce_sum3A_24 = arith.constant dense<0.000000e+00> : vector<1xf32>
    %reduce_sum3A_25 = vector.multi_reduction <add>, %reduce_sum3A, %reduce_sum3A_24 [1, 2] : vector<1x512x512xf32> to vector<1xf32>
    %reduce_sum3A_26 = vector.shape_cast %reduce_sum3A_25 : vector<1xf32> to vector<1x1x1xf32>
    %reduce_sum3A_27 = vector.extract %reduce_sum3A_26[0, 0, 0] : f32 from vector<1x1x1xf32>
    %reshape3A = vector.broadcast %reduce_sum3A_27 : f32 to vector<1x1xf32>
    %mul3A_28 = arith.mulf %add3A_8, %add3A_23 : vector<512x512xf32>
    %reduce_sum3A_29 = vector.shape_cast %mul3A_28 : vector<512x512xf32> to vector<1x512x512xf32>
    %reduce_sum3A_30 = arith.constant dense<0.000000e+00> : vector<1xf32>
    %reduce_sum3A_31 = vector.multi_reduction <add>, %reduce_sum3A_29, %reduce_sum3A_30 [1, 2] : vector<1x512x512xf32> to vector<1xf32>
    %reduce_sum3A_32 = vector.shape_cast %reduce_sum3A_31 : vector<1xf32> to vector<1x1x1xf32>
    %reduce_sum3A_33 = vector.extract %reduce_sum3A_32[0, 0, 0] : f32 from vector<1x1x1xf32>
    %reshape3A_34 = vector.broadcast %reduce_sum3A_33 : f32 to vector<1x1xf32>
    %concatenate3A = tpu.concatenate %reshape3A, %reshape3A_34 in 1 : vector<1x1xf32>, vector<1x1xf32> -> vector<1x2xf32>
    %swap3A = arith.index_cast %arg0 : i32 to index
    %swap3A_35 = arith.constant 0 : index
    %swap3A_36 = vector.load %arg3[%swap3A, %swap3A_35] : memref<8x2xf32, #tpu.memory_space<vmem>>, vector<1x2xf32>
    tpu.vector_store %arg3[%swap3A, %swap3A_35], %concatenate3A {strides = array<i32>} : memref<8x2xf32, #tpu.memory_space<vmem>>, vector<1x2xf32>,
    return
  }
  func.func @transform_0(%arg0: i32) -> (i32, i32, i32, i32) {
    %c0_i32 = arith.constant 0 : i32
    %c0_i32_0 = arith.constant 0 : i32
    %c0_i32_1 = arith.constant 0 : i32
    %c0_i32_2 = arith.constant 0 : i32
    return %arg0, %c0_i32, %c0_i32_0, %c0_i32_1 : i32, i32, i32, i32
  }
  func.func @transform_1(%arg0: i32) -> (i32, i32, i32, i32) {
    %c0_i32 = arith.constant 0 : i32
    %c0_i32_0 = arith.constant 0 : i32
    %c0_i32_1 = arith.constant 0 : i32
    %c0_i32_2 = arith.constant 0 : i32
    %c0_i32_3 = arith.constant 0 : i32
    return %c0_i32, %c0_i32_0, %c0_i32_1, %c0_i32_2 : i32, i32, i32, i32
  }
  func.func @transform_2(%arg0: i32) -> (i32, i32) {
    %c0_i32 = arith.constant 0 : i32
    %c0_i32_0 = arith.constant 0 : i32
    %c0_i32_1 = arith.constant 0 : i32
    return %c0_i32, %c0_i32_0 : i32, i32
  }
}

</mosaic_0001>

<sc_bundles>
// kernel: kernel.4.cloned.1.call-start
scs
__scs_entry_jumppad:
0x0: {  	(pc) =	sbr.rel $0x88, $3  }
0x1: {  	(tag) =	ssettag $0x0;
	lr =	simm.s32 $0x1  }
0x2: {  	[smem:$0x3F9F] =	sst lr;
	_ =	strace $0xD0000000  }
0x3: {  	_ = 	snop  }
0x4: {  	_ = 	snop  }
0x5: {  	_ = 	snop  }
0x6: {  	_ = 	snop  }
0x7: {  	_ = 	snop  }
__scs_overlays_trampoline_lowered:
0x8: {  	[smem:$0x3FAE] =	sst s0  }
0x9: {  	[smem:$0x3FAF] =	sst s1  }
0xa: {  	[smem:$0x3FB0] =	sst s2  }
0xb: {  	[smem:$0x3FB1] =	sst s3  }
0xc: {  	[smem:$0x3FB2] =	sst s4  }
0xd: {  	[smem:$0x3FB3] =	sst s5  }
0xe: {  	[smem:$0x3FB4] =	sst s6  }
0xf: {  	[smem:$0x3FB5] =	sst s7  }
0x10: {  	[smem:$0x3FB6] =	sst s8  }
0x11: {  	[smem:$0x3FB7] =	sst s9;
	s0 =	simm.s32 @!p0 $0x0  }
0x12: {  	s1 =	sld [smem:$0x3F9D];
	s0 =	simm.s32 @p0 $0x1  }
0x13: {  	[smem:$0x3FB8] =	sst s0;
	s0 =	simm.s32 @!p1 $0x0  }
0x14: {  	s2 =	sld [smem:$0x3F9C];
	s0 =	simm.s32 @p1 $0x1  }
0x15: {  	[smem:$0x3FB9] =	sst s0;
	s0 =	simm.s32 @!p2 $0x0  }
0x16: {  	s3 =	sld [smem:$0x3FDB];
	s0 =	simm.s32 @p2 $0x1  }
0x17: {  	s4 =	simm.s32 $0x1BF5;
	[smem:$0x3FBB] =	sst s0  }
0x18: {  	s0 =	sld [smem:$0x3F9E];
	_ =	swait.ge [sflag:s4], $0x0  }
0x19: {  	s7 =	sld [smem:$0x3F9F]  }
0x1a: {  	s8 =	sadd.s32 $0xFFFFE003, lr  }
0x1b: {  	s9 =	sadd.s32 $0xFFFFFEF7, lr;
	s5 =	simm.s32 $0xFFFFFFFF;
	p2 =	slt.u32 s8, $0xFFFFF086  }
0x1c: {  	p1 =	slt.u32 s9, $0xF7A;
	s5 =	simm.s32 @!p2 $0x0  }
0x1d: {  	s5 =	simm.s32 @p1 $0x1;
	p0 =	seq.s32 s7, s2  }
0x1e: {  	s7 =	smul.u32 @!p0 $0xF7A, s2;
	p2 =	seq.s32 @!p0 s5, $0x0  }
0x1f: {  	s9 =	smul.u32 $0xF7A, s1;
	s8 =	simm.s32 @!p0 $0x1BF5;
	p2 =	por !p2, p0  }
0x20: {  	[sflag:s8] =	ssyncset.s32 @!p0 $0xFFFFF086;
	s6 =	sadd.s32 @!p0 s3, s7;
	s7 =	simm.s32 @!p0 $0x108  }
0x21: {  	s3 =	sadd.s32 s3, s9;
	s6 =	sadd.s32 @!p0 $0x88, s6;
	s7 =	simm.s32 @p2 $0x1082  }
0x22: {  	[simem:s7], [sflag:s8] =	dma.local @!p0 [hbm:s6], $0xF7A  }
0x23: {  	s9 =	sor.u32 $0xD0000000, s2;
	s6 =	simm.s32 $0x108;
	_ =	swait.ge @!p0 [sflag:s8], $0x0  }
0x24: {  	s3 =	sadd.s32 $0x88, s3;
	s6 =	simm.s32 @!p1 $0x1082;
	[sflag:s4] =	ssyncset.s32 $0xFFFFF086  }
0x25: {  	[simem:s6], [sflag:s4] =	dma.local [hbm:s3], $0xF7A  }
0x26: {  	[smem:$0x3F9F] =	sst s1;
	(tag) =	ssettag s2;
	_ =	strace s9  }
0x27: {  	s1 =	sld [smem:$0x3FAF]  }
0x28: {  	s2 =	sld [smem:$0x3FB0]  }
0x29: {  	s4 =	sld [smem:$0x3FB2]  }
0x2a: {  	p0 =	seq.s32 s5, $0x0;
	s5 =	sld [smem:$0x3FB3]  }
0x2b: {  	s6 =	sld [smem:$0x3FB4]  }
0x2c: {  	s7 =	sld [smem:$0x3FB5]  }
0x2d: {  	s3 =	simm.s32 $0x108;
	s8 =	sld [smem:$0x3FB6]  }
0x2e: {  	s3 =	simm.s32 @!p0 $0x1082;
	s9 =	sld [smem:$0x3FB7]  }
0x2f: {  	lr =	sadd.s32 s0, s3;
	s0 =	sld [smem:$0x3FAE]  }
0x30: {  	s3 =	sld [smem:$0x3FB1]  }
0x31: {  	[smem:$0x3FBA] =	sst s10  }
0x32: {  	s10 =	sld [smem:$0x3FB8];
	_ =	sdelay $0x3  }
0x33: {  	p0 =	seq.s32 s10, $0x1;
	s10 =	sld [smem:$0x3FBA];
	_ =	sdelay $0x3  }
0x34: {  	[smem:$0x3FBA] =	sst s10  }
0x35: {  	s10 =	sld [smem:$0x3FB9];
	_ =	sdelay $0x3  }
0x36: {  	p1 =	seq.s32 s10, $0x1;
	s10 =	sld [smem:$0x3FBA];
	_ =	sdelay $0x3  }
0x37: {  	[smem:$0x3FBA] =	sst s10  }
0x38: {  	s10 =	sld [smem:$0x3FBB]  }
0x39: {  	_ = 	snop;
	(pc) =	sbr.ind lr, $3  }
0x3a: {  	_ = 	snop  }
0x3b: {  	_ = 	snop  }
0x3c: {  	p2 =	seq.s32 s10, $0x1;
	s10 =	sld [smem:$0x3FBA]  }
0x3d: {  	_ =	shalt  }
0x3e: {  	_ =	shalt  }
0x3f: {  	_ =	shalt  }
0x40: {  	_ =	shalt  }
0x41: {  	_ =	shalt  }
0x42: {  	_ =	shalt  }
0x43: {  	_ =	shalt  }
0x44: {  	_ =	shalt  }
0x45: {  	_ =	shalt  }
0x46: {  	_ =	shalt  }
0x47: {  	_ =	shalt  }
0x48: {  	_ =	shalt  }
0x49: {  	_ =	shalt  }
0x4a: {  	_ =	shalt  }
0x4b: {  	_ =	shalt  }
0x4c: {  	_ =	shalt  }
0x4d: {  	_ =	shalt  }
0x4e: {  	_ =	shalt  }
0x4f: {  	_ =	shalt  }
0x50: {  	_ =	shalt  }
0x51: {  	_ =	shalt  }
0x52: {  	_ =	shalt  }
0x53: {  	_ =	shalt  }
0x54: {  	_ =	shalt  }
0x55: {  	_ =	shalt  }
0x56: {  	_ =	shalt  }
0x57: {  	_ =	shalt  }
0x58: {  	_ =	shalt  }
0x59: {  	_ =	shalt  }
0x5a: {  	_ =	shalt  }
0x5b: {  	_ =	shalt  }
0x5c: {  	_ =	shalt  }
0x5d: {  	_ =	shalt  }
0x5e: {  	_ =	shalt  }
0x5f: {  	_ =	shalt  }
0x60: {  	_ =	shalt  }
0x61: {  	_ =	shalt  }
0x62: {  	_ =	shalt  }
0x63: {  	_ =	shalt  }
0x64: {  	_ =	shalt  }
0x65: {  	_ =	shalt  }
0x66: {  	_ =	shalt  }
0x67: {  	_ =	shalt  }
0x68: {  	_ =	shalt  }
0x69: {  	_ =	shalt  }
0x6a: {  	_ =	shalt  }
0x6b: {  	_ =	shalt  }
0x6c: {  	_ =	shalt  }
0x6d: {  	_ =	shalt  }
0x6e: {  	_ =	shalt  }
0x6f: {  	_ =	shalt  }
0x70: {  	_ =	shalt  }
0x71: {  	_ =	shalt  }
0x72: {  	_ =	shalt  }
0x73: {  	_ =	shalt  }
0x74: {  	_ =	shalt  }
0x75: {  	_ =	shalt  }
0x76: {  	_ =	shalt  }
0x77: {  	_ =	shalt  }
0x78: {  	_ =	shalt  }
0x79: {  	_ =	shalt  }
0x7a: {  	_ =	shalt  }
0x7b: {  	_ =	shalt  }
0x7c: {  	_ =	shalt  }
0x7d: {  	_ =	shalt  }
0x7e: {  	_ =	shalt  }
0x7f: {  	_ =	shalt  }
0x80: {  	_ =	shalt  }
0x81: {  	_ =	shalt  }
0x82: {  	_ =	shalt  }
0x83: {  	_ =	shalt  }
0x84: {  	_ =	shalt  }
0x85: {  	_ =	shalt  }
0x86: {  	_ =	shalt  }
0x87: {  	_ =	shalt  }
.Lfunc_end0:
.L_simem_size_0:
called_computation_lowered:
.L_overlay_start_0:
0x88: {  	s2 =	sld [smem:$0x3FD9]  }
0x89: {  	s3 =	sld [smem:$0x3FFE];
	_ =	sdelay $0x1  }
0x8a: {  	s1 =	srdreg.scid  }
0x8b: {  	s0 =	sand.u32 $0x1, s1  }
0x8c: {  	s16 =	sshll.u32 s0, $0xA;
	s2 =	sadd.s32 s3, s2  }
0x8d: {  	s2 =	sadd.s32 s2, s16  }
0x8e: {  	[smem:$0x3FC6] =	sst s2  }
0x8f: {  	_ = 	snop  }
0x90: {  	(tm) =	ssettm $0x1  }
0x91: {  	s17 =	sld [smem:$0x3FFB];
	_ =	sdelay $0x3  }
0x92: {  	_ =	strace s17  }
0x93: {  	s2 =	sld [smem:$0x3FFC];
	_ =	sdelay $0x3  }
0x94: {  	_ =	strace s2  }
0x95: {  	s2 =	sld [smem:$0x3FFD];
	_ =	sdelay $0x3  }
0x96: {  	_ =	strace s2  }
0x97: {  	_ =	strace $0x8FFFFFFF  }
0x98: {  	s18 =	sld [smem:$0x3FDB];
	_ =	sdelay $0x1  }
0x99: {  	s19 =	simm.s32 $_scs_section_size  }
0x9a: {  	s4 =	simm.s32 $_size__tile_overlayer_lowered;
	s5 =	simm.s32 $_tile_overlayer_lowered  }
0x9b: {  	s22 =	simm.s32 $0x1BFF;
	s21 =	sshll.u32 s5, $0x1;
	s2 =	sadd.s32 s19, s18  }
0x9c: {  	s6 =	simm.s32 $0x0;
	s20 =	sshll.u32 s4, $0x1;
	s4 =	sadd.s32 s21, s2  }
0x9d: {  	[timem:s6], [sflag:s22] =	dma.local [hbm:s4], s20  }
0x9e: {  	_ =	swait.ge [sflag:s22], s20  }
0x9f: {  	s3 =	ssub.s32 $0x0, s20;
	[sflag:s22] =	ssyncset.done $0x0  }
0xa0: {  	[sflag:s22] =	ssyncadd.s32 s3;
	_ =	sdelay $0x1  }
0xa1: {  	s23 =	simm.s32 $0x1B8B  }
0xa2: {  	_ =	swait.ge [sflag:s23], $0x1  }
0xa3: {  	[sflag:s23] =	ssyncset.done $0x0  }
0xa4: {  	s25 =	simm.s32 $0x1B8E;
	s24 =	sld [smem:$0x3FFE];
	[sflag:s23] =	ssyncadd.s32 $0xFFFFFFFF  }
0xa5: {  	s26 =	simm.s32 $execute0_lowered;
	[smem:$0x3FD2] =	sst s25  }
0xa6: {  	s4 =	sshll.u32 s26, $0x1;
	_ =	strace $0x80000046;
	[dreg:$0x1] =	wrdreg $0xFFFFFFFF  }
0xa7: {  	s28 =	simm.s32 $_size_execute0_lowered;
	s2 =	sadd.s32 s2, s4;
	[dreg:$0x0] =	wrdreg $0x0  }
0xa8: {  	s4 =	sshll.u32 s28, $0x1;
	[dreg:$0x2] =	wrdreg s2  }
0xa9: {  	[dreg:$0x3] =	wrdreg s4  }
0xaa: {  	[dreg:$0x4] =	wrdreg $0xC0  }
0xab: {  	_ =	task [dreg:s6], $0x5FFFF  }
0xac: {  	[dreg:$0x1] =	wrdreg $0xFFFFFFFF  }
0xad: {  	[dreg:$0x0] =	wrdreg $0x60  }
0xae: {  	[dreg:$0x2] =	wrdreg s24  }
0xaf: {  	[dreg:$0x3] =	wrdreg $0x8C000  }
0xb0: {  	[dreg:$0x4] =	wrdreg $0xCC000  }
0xb1: {  	[dreg:$0x5] =	wrdreg $0x9  }
0xb2: {  	_ =	task.clear_ibuf [dreg:s6], $0x6FFFF;
	_ =	strace $0x90000046  }
0xb3: {  	s29 =	simm.s32 $0x9;
	_ =	strace $0x80000048  }
0xb4: {  	_ =	swait.ge [sflag:s29], $0x1  }
0xb5: {  	[sflag:s29] =	ssyncadd.s32 $0xFFFFFFFF  }
0xb6: {  	_ =	strace $0x90000048  }
0xb7: {  	_ =	sfence  }
0xb8: {  	s30 =	sld [smem:$0x0];
	_ =	sdelay $0x2  }
0xb9: {  	s31 =	sshll.u32 s1, $0xD;
	s1 =	sshrl.u32 s1, $0x2  }
0xba: {  	s3 =	sand.u32 $0x4000, s31;
	s1 =	sadd.s32 s1, s30  }
0xbb: {  	s0 =	sor.u32 s3, s0;
	s1 =	sshll.u32 s1, $0x11  }
0xbc: {  	s0 =	sor.u32 s1, s0  }
0xbd: {  	s0 =	sadd.s32 $0x8F2B, s0  }
0xbe: {  	[sflag:s0] =	ssyncadd.remote.s32 $0x1  }
0xbf: {  	_ =	sfence.sel $0xFFFF  }
0xc0: {  	[dreg:$0x0] =	wrdreg $0xFFFFFFFF;
	(pc) =	sbr.abs _section_cstart, $3  }
0xc1: {  	[dreg:$0x1] =	wrdreg $0xFFFFFFFF  }
0xc2: {  	_ =	task.clear_ibuf [dreg:s6], $0x2FFFF;
	_ =	strace $0x9FFFFFFF  }
0xc3: {  	(tm) =	ssettm $0x7FFFFFFF  }
tec
execute0_lowered:
.L_overlay_start_1:
0x0: {  	(tag) =	ssettag $0x1  }
0x1: {  	s0 =	rddreg [dreg:$0x0]  }
0x2: {  	s2 =	rddreg [dreg:$0x1]  }
0x3: {  	s3 =	rddreg [dreg:$0x2]  }
0x4: {  	s1 =	srdreg.scid;
	s6 =	stileid.u32;
	s7 =	simm.s32 $0x0  }
0x5: {  	s16 =	simm.s32 $0x80;
	s26 =	simm.s32 $0x4400;
	s17 =	simm.s32 $0x4000  }
0x6: {  	s19 =	simm.s32 $0x4080;
	s28 =	simm.s32 $0x4980;
	s29 =	simm.s32 $0x4200  }
0x7: {  	s30 =	simm.s32 $0x4600;
	s31 =	simm.s32 $0x4A00;
	s15 =	simm.s32 $0x4A80  }
0x8: {  	s9 =	simm.s32 $0x4B00;
	s10 =	simm.s32 $0x4380;
	s11 =	simm.s32 $0x4780  }
0x9: {  	s12 =	simm.s32 $0x4B80;
	s14 =	simm.s32 $0x0;
	s1 =	sand.u32 $0x1, s1  }
0xa: {  	s4 =	sshll.u32 s6, $0xE;
	[smem:$0x7FF] =	sst s7;
	s6 =	sshll.u32 s6, $0xC  }
0xb: {  	s8 =	sadd.s32 $0x10600, s0;
	s5 =	sshll.u32 s1, $0xD;
	_ =	strace $0x80000047  }
0xc: {  	s20 =	sshll.u32 s1, $0x10;
	s1 =	ssub.s32 $0x2, s1;
	[dreg:$0x5] =	wrdreg s8  }
0xd: {  	s13 =	sadd.s32 s4, s2;
	[dreg:$0x4] =	wrdreg s26;
	s26 =	simm.s32 $0x4580  }
0xe: {  	s8 =	simm.s32 $0x4700;
	s5 =	sor.u32 s5, s4;
	s21 =	sshrl.u32 s1, $0x1  }
0xf: {  	s6 =	sor.u32 s6, s20;
	s5 =	sshrl.u32 s5, $0x3;
	s1 =	ssub.s32 s1, s21  }
0x10: {  	[dreg:$0x6] =	wrdreg s13;
	s5 =	sadd.s32 s5, s0;
	s25 =	smax.u32 s1, $0x1  }
0x11: {  	s0 =	sadd.s32 s6, s0;
	s6 =	sadd.s32 s4, s3;
	[dreg:$0xc] =	wrdreg s25  }
0x12: {  	s21 =	simm.s32 $0x4880;
	s22 =	sadd.s32 $0x8600, s5;
	[dreg:$0x7] =	wrdreg s6  }
0x13: {  	s1 =	simm.s32 $0x4680;
	s23 =	sadd.s32 $0x600, s5;
	[dreg:$0x8] =	wrdreg s22  }
0x14: {  	s4 =	simm.s32 $0x1;
	s24 =	sadd.s32 $0x10E00, s0;
	[dreg:$0x9] =	wrdreg s23  }
0x15: {  	s0 =	sadd.s32 $0x10E10, s0;
	s25 =	simm.s32 $0x4180;
	[dreg:$0xa] =	wrdreg s24  }
0x16: {  	s5 =	simm.s32 $0x4300;
	[dreg:$0xb] =	wrdreg s0;
	s22 =	simm.s32 $0x4100  }
0x17: {  	s23 =	simm.s32 $0x4500;
	s24 =	simm.s32 $0x4900;
	s0 =	simm.s32 $0x4280  }
.LBB2_1:
0x18: {  	[dreg:$0xd] =	wrdreg s14;
	s20 =	simm.s32 $0x2  }
0x19: {  	s18 =	simm.s32 $0x4C00;
	s14 =	simm.s32 $0x0;
	s7 =	rddreg [dreg:$0x5]  }
0x1a: {  	[tilespmem:s18], [sflag:$0x2] =	stream.linear.gather [hbm4b:s7+s14], $0x4000, $0x38;
	[tilespmem:$0x10C00] =	vst v63  }
0x1b: {  	_ =	swait.ge [sflag:s20], $0x4000  }
0x1c: {  	[sflag:s20] =	ssyncset.done $0x0  }
0x1d: {  	[sflag:s20] =	ssyncadd.s32 $0xFFFFC000  }
0x1e: {  	[spmem:s13] =	stream.linear.scatter [tilespmem:s18], [sflag:$0x2], $0x4000, $0x38;
	[tilespmem:$0x10C00] =	vst v63  }
0x1f: {  	_ =	swait.ge [sflag:s20], $0x4000  }
0x20: {  	[sflag:s20] =	ssyncset.done $0x0  }
0x21: {  	[sflag:s20] =	ssyncadd.s32 $0xFFFFC000  }
0x22: {  	[spmem:s6] =	stream.linear.scatter [tilespmem:s18], [sflag:$0x2], $0x4000, $0x38;
	[tilespmem:$0x10C00] =	vst v63  }
0x23: {  	s18 =	simm.s32 $0x2  }
0x24: {  	_ =	swait.ge [sflag:s18], $0x4000  }
0x25: {  	[sflag:s18] =	ssyncset.done $0x0  }
0x26: {  	[sflag:s18] =	ssyncadd.s32 $0xFFFFC000  }
0x27: {  	[bflag:$0x0] =	sbarrier.arrive $0xFFFF  }
0x28: {  	s13 =	rddreg [dreg:$0x8]  }
0x29: {  	[tilespmem:s14], [sflag:$0x2] =	stream.linear.gather [hbm4b:s13+s14], $0x2000, $0x38;
	[tilespmem:$0x10C00] =	vst v63  }
0x2a: {  	_ =	swait.ge [sflag:s18], $0x2000  }
0x2b: {  	[sflag:s18] =	ssyncset.done $0x0  }
0x2c: {  	s13 =	simm.s32 $0x2000;
	s7 =	rddreg [dreg:$0x9];
	[sflag:s18] =	ssyncadd.s32 $0xFFFFE000  }
0x2d: {  	[tilespmem:s13], [sflag:$0x2] =	stream.linear.gather [hbm4b:s7+s14], $0x2000, $0x38;
	[tilespmem:$0x10C00] =	vst v63  }
0x2e: {  	_ =	swait.ge [sflag:s18], $0x2000  }
0x2f: {  	s20 =	simm.s32 $0x4800;
	[sflag:s18] =	ssyncset.done $0x0  }
0x30: {  	s7 =	simm.s32 $0x0;
	s14 =	simm.s32 $0x4480;
	[sflag:s18] =	ssyncadd.s32 $0xFFFFE000  }
.LBB2_2:
0x31: {  	s13 =	sshra.s32 s7, $0x2  }
0x32: {  	v1 =	vld [tilespmem:s13+$0x0]  }
0x33: {  	v0 =	vld [tilespmem:s13+$0x2000];
	_ =	sdelay $0x3  }
0x34: {  	v1 =	vmul.f32 $5.110000000e+02, v1  }
0x35: {  	v0 =	vmul.f32 $5.110000000e+02, v0  }
0x36: {  	v3 =	vtrunc.f32 v1  }
0x37: {  	v2 =	vtrunc.f32 v0;
	v3 =	vcvt.f32.s32 v3  }
0x38: {  	v2 =	vcvt.f32.s32 v2  }
0x39: {  	v5 =	vcvt.s32.f32 v3;
	v3 =	vshll.u32 v3, $0x9  }
0x3a: {  	v4 =	vcvt.s32.f32 v2;
	v2 =	vadd.s32 v2, v3  }
0x3b: {  	[tilespmem:$0x4000] =	vst v2;
	v22 =	vadd.s32 $0x1, v2  }
0x3c: {  	v25 =	vadd.s32 $0x200, v2;
	[tilespmem:$0x4020] =	vst v22  }
0x3d: {  	v0 =	vsub.f32 v4, v0;
	v2 =	vadd.s32 $0x201, v2;
	[tilespmem:$0x4040] =	vst v25  }
0x3e: {  	v1 =	vsub.f32 v5, v1;
	[tilespmem:$0x4060] =	vst v2  }
0x3f: {  	v20 =	vsub.f32 $-1.000000000e+00, v0;
	[tilespmem:$0x4420] =	vst v0  }
0x40: {  	v21 =	vsub.f32 $-1.000000000e+00, v1;
	[tilespmem:$0x4840] =	vst v1  }
0x41: {  	v23 =	vadd.f32 $1.000000000e+00, v1;
	[tilespmem:$0x4400] =	vst v20  }
0x42: {  	v24 =	vadd.f32 $1.000000000e+00, v0;
	[tilespmem:$0x4800] =	vst v21  }
0x43: {  	v0 =	vsub.f32 $0.0e+00, v0;
	[tilespmem:$0x4820] =	vst v23  }
0x44: {  	v1 =	vsub.f32 $0.0e+00, v1;
	[tilespmem:$0x4440] =	vst v24  }
0x45: {  	[tilespmem:$0x4460] =	vst v0  }
0x46: {  	[tilespmem:$0x4860] =	vst v1  }
0x47: {  	v1 =	vld [tilespmem:s13+$0x10]  }
0x48: {  	v0 =	vld [tilespmem:s13+$0x2010];
	_ =	sdelay $0x3  }
0x49: {  	v1 =	vmul.f32 $5.110000000e+02, v1  }
0x4a: {  	v0 =	vmul.f32 $5.110000000e+02, v0  }
0x4b: {  	v27 =	vtrunc.f32 v1  }
0x4c: {  	v26 =	vtrunc.f32 v0;
	v3 =	vcvt.f32.s32 v27  }
0x4d: {  	v2 =	vcvt.f32.s32 v26  }
0x4e: {  	v29 =	vcvt.s32.f32 v3;
	v3 =	vshll.u32 v3, $0x9  }
0x4f: {  	v28 =	vcvt.s32.f32 v2;
	v2 =	vadd.s32 v2, v3  }
0x50: {  	[tilespmem:$0x4010] =	vst v2;
	v32 =	vadd.s32 $0x1, v2  }
0x51: {  	v35 =	vadd.s32 $0x200, v2;
	[tilespmem:$0x4030] =	vst v32  }
0x52: {  	v0 =	vsub.f32 v28, v0;
	v2 =	vadd.s32 $0x201, v2;
	[tilespmem:$0x4050] =	vst v35  }
0x53: {  	v1 =	vsub.f32 v29, v1;
	[tilespmem:$0x4070] =	vst v2  }
0x54: {  	v30 =	vsub.f32 $-1.000000000e+00, v0;
	[tilespmem:$0x4430] =	vst v0  }
0x55: {  	v31 =	vsub.f32 $-1.000000000e+00, v1;
	[tilespmem:$0x4850] =	vst v1  }
0x56: {  	v33 =	vadd.f32 $1.000000000e+00, v1;
	[tilespmem:$0x4410] =	vst v30  }
0x57: {  	v34 =	vadd.f32 $1.000000000e+00, v0;
	[tilespmem:$0x4810] =	vst v31  }
0x58: {  	v0 =	vsub.f32 $0.0e+00, v0;
	[tilespmem:$0x4830] =	vst v33  }
0x59: {  	v1 =	vsub.f32 $0.0e+00, v1;
	[tilespmem:$0x4450] =	vst v34  }
0x5a: {  	[tilespmem:$0x4470] =	vst v0  }
0x5b: {  	s6 =	rddreg [dreg:$0x4];
	[tilespmem:$0x4870] =	vst v1  }
0x5c: {  	[spmem:s2] =	stream.indirect.scatter.add.f32 [tilespmem:s6], [sflag:$0x1], $0x1, s17, s16, $0xb8;
	[tilespmem:$0x10C00] =	vst v63  }
0x5d: {  	_ = 	snop  }
0x5e: {  	[spmem:s3] =	stream.indirect.scatter.add.f32 [tilespmem:s20], [sflag:$0x1], $0x1, s17, s16, $0xb8;
	[tilespmem:$0x10C00] =	vst v63  }
0x5f: {  	v1 =	vld [tilespmem:s13+$0x20]  }
0x60: {  	v0 =	vld [tilespmem:s13+$0x2020];
	_ =	sdelay $0x3  }
0x61: {  	v1 =	vmul.f32 $5.110000000e+02, v1  }
0x62: {  	v0 =	vmul.f32 $5.110000000e+02, v0  }
0x63: {  	v37 =	vtrunc.f32 v1  }
0x64: {  	v36 =	vtrunc.f32 v0;
	v3 =	vcvt.f32.s32 v37  }
0x65: {  	v2 =	vcvt.f32.s32 v36  }
0x66: {  	v39 =	vcvt.s32.f32 v3;
	v3 =	vshll.u32 v3, $0x9  }
0x67: {  	v38 =	vcvt.s32.f32 v2;
	v2 =	vadd.s32 v2, v3  }
0x68: {  	[tilespmem:$0x4080] =	vst v2;
	v42 =	vadd.s32 $0x1, v2  }
0x69: {  	v45 =	vadd.s32 $0x200, v2;
	[tilespmem:$0x40A0] =	vst v42  }
0x6a: {  	v0 =	vsub.f32 v38, v0;
	v2 =	vadd.s32 $0x201, v2;
	[tilespmem:$0x40C0] =	vst v45  }
0x6b: {  	v1 =	vsub.f32 v39, v1;
	[tilespmem:$0x40E0] =	vst v2  }
0x6c: {  	v40 =	vsub.f32 $-1.000000000e+00, v0;
	[tilespmem:$0x44A0] =	vst v0  }
0x6d: {  	v41 =	vsub.f32 $-1.000000000e+00, v1;
	[tilespmem:$0x48C0] =	vst v1  }
0x6e: {  	v43 =	vadd.f32 $1.000000000e+00, v1;
	[tilespmem:$0x4480] =	vst v40  }
0x6f: {  	v44 =	vadd.f32 $1.000000000e+00, v0;
	[tilespmem:$0x4880] =	vst v41  }
0x70: {  	v0 =	vsub.f32 $0.0e+00, v0;
	[tilespmem:$0x48A0] =	vst v43  }
0x71: {  	v1 =	vsub.f32 $0.0e+00, v1;
	[tilespmem:$0x44C0] =	vst v44  }
0x72: {  	[tilespmem:$0x44E0] =	vst v0  }
0x73: {  	[tilespmem:$0x48E0] =	vst v1  }
0x74: {  	v1 =	vld [tilespmem:s13+$0x30]  }
0x75: {  	v0 =	vld [tilespmem:s13+$0x2030];
	_ =	sdelay $0x3  }
0x76: {  	v1 =	vmul.f32 $5.110000000e+02, v1  }
0x77: {  	v0 =	vmul.f32 $5.110000000e+02, v0  }
0x78: {  	v47 =	vtrunc.f32 v1  }
0x79: {  	v46 =	vtrunc.f32 v0;
	v3 =	vcvt.f32.s32 v47  }
0x7a: {  	v2 =	vcvt.f32.s32 v46  }
0x7b: {  	v49 =	vcvt.s32.f32 v3;
	v3 =	vshll.u32 v3, $0x9  }
0x7c: {  	v48 =	vcvt.s32.f32 v2;
	v2 =	vadd.s32 v2, v3  }
0x7d: {  	[tilespmem:$0x4090] =	vst v2;
	v52 =	vadd.s32 $0x1, v2  }
0x7e: {  	v55 =	vadd.s32 $0x200, v2;
	[tilespmem:$0x40B0] =	vst v52  }
0x7f: {  	v0 =	vsub.f32 v48, v0;
	v2 =	vadd.s32 $0x201, v2;
	[tilespmem:$0x40D0] =	vst v55  }
0x80: {  	v1 =	vsub.f32 v49, v1;
	[tilespmem:$0x40F0] =	vst v2  }
0x81: {  	v50 =	vsub.f32 $-1.000000000e+00, v0;
	[tilespmem:$0x44B0] =	vst v0  }
0x82: {  	v51 =	vsub.f32 $-1.000000000e+00, v1;
	[tilespmem:$0x48D0] =	vst v1  }
0x83: {  	v53 =	vadd.f32 $1.000000000e+00, v1;
	[tilespmem:$0x4490] =	vst v50  }
0x84: {  	v54 =	vadd.f32 $1.000000000e+00, v0;
	[tilespmem:$0x4890] =	vst v51  }
0x85: {  	v0 =	vsub.f32 $0.0e+00, v0;
	[tilespmem:$0x48B0] =	vst v53  }
0x86: {  	v1 =	vsub.f32 $0.0e+00, v1;
	[tilespmem:$0x44D0] =	vst v54  }
0x87: {  	[tilespmem:$0x44F0] =	vst v0  }
0x88: {  	[tilespmem:$0x48F0] =	vst v1  }
0x89: {  	[spmem:s2] =	stream.indirect.scatter.add.f32 [tilespmem:s14], [sflag:$0x1], $0x1, s19, s16, $0xb8;
	[tilespmem:$0x10C00] =	vst v63  }
0x8a: {  	_ = 	snop  }
0x8b: {  	[spmem:s3] =	stream.indirect.scatter.add.f32 [tilespmem:s21], [sflag:$0x1], $0x1, s19, s16, $0xb8;
	[tilespmem:$0x10C00] =	vst v63  }
0x8c: {  	v1 =	vld [tilespmem:s13+$0x40]  }
0x8d: {  	v0 =	vld [tilespmem:s13+$0x2040];
	_ =	sdelay $0x3  }
0x8e: {  	v1 =	vmul.f32 $5.110000000e+02, v1  }
0x8f: {  	v0 =	vmul.f32 $5.110000000e+02, v0  }
0x90: {  	v57 =	vtrunc.f32 v1  }
0x91: {  	v56 =	vtrunc.f32 v0;
	v3 =	vcvt.f32.s32 v57  }
0x92: {  	v2 =	vcvt.f32.s32 v56  }
0x93: {  	v59 =	vcvt.s32.f32 v3;
	v3 =	vshll.u32 v3, $0x9  }
0x94: {  	v58 =	vcvt.s32.f32 v2;
	v2 =	vadd.s32 v2, v3  }
0x95: {  	[tilespmem:$0x4100] =	vst v2;
	v62 =	vadd.s32 $0x1, v2  }
0x96: {  	v9 =	vadd.s32 $0x200, v2;
	[tilespmem:$0x4120] =	vst v62  }
0x97: {  	v0 =	vsub.f32 v58, v0;
	v2 =	vadd.s32 $0x201, v2;
	[tilespmem:$0x4140] =	vst v9  }
0x98: {  	v1 =	vsub.f32 v59, v1;
	[tilespmem:$0x4160] =	vst v2  }
0x99: {  	v60 =	vsub.f32 $-1.000000000e+00, v0;
	[tilespmem:$0x4520] =	vst v0  }
0x9a: {  	v61 =	vsub.f32 $-1.000000000e+00, v1;
	[tilespmem:$0x4940] =	vst v1  }
0x9b: {  	v63 =	vadd.f32 $1.000000000e+00, v1;
	[tilespmem:$0x4500] =	vst v60  }
0x9c: {  	v8 =	vadd.f32 $1.000000000e+00, v0;
	[tilespmem:$0x4900] =	vst v61  }
0x9d: {  	v0 =	vsub.f32 $0.0e+00, v0;
	[tilespmem:$0x4920] =	vst v63  }
0x9e: {  	v1 =	vsub.f32 $0.0e+00, v1;
	[tilespmem:$0x4540] =	vst v8  }
0x9f: {  	[tilespmem:$0x4560] =	vst v0  }
0xa0: {  	[tilespmem:$0x4960] =	vst v1  }
0xa1: {  	v1 =	vld [tilespmem:s13+$0x50]  }
0xa2: {  	v0 =	vld [tilespmem:s13+$0x2050];
	_ =	sdelay $0x3  }
0xa3: {  	v1 =	vmul.f32 $5.110000000e+02, v1  }
0xa4: {  	v0 =	vmul.f32 $5.110000000e+02, v0  }
0xa5: {  	v11 =	vtrunc.f32 v1  }
0xa6: {  	v10 =	vtrunc.f32 v0;
	v3 =	vcvt.f32.s32 v11  }
0xa7: {  	v2 =	vcvt.f32.s32 v10  }
0xa8: {  	v13 =	vcvt.s32.f32 v3;
	v3 =	vshll.u32 v3, $0x9  }
0xa9: {  	v12 =	vcvt.s32.f32 v2;
	v2 =	vadd.s32 v2, v3  }
0xaa: {  	[tilespmem:$0x4110] =	vst v2;
	v16 =	vadd.s32 $0x1, v2  }
0xab: {  	v19 =	vadd.s32 $0x200, v2;
	[tilespmem:$0x4130] =	vst v16  }
0xac: {  	v0 =	vsub.f32 v12, v0;
	v2 =	vadd.s32 $0x201, v2;
	[tilespmem:$0x4150] =	vst v19  }
0xad: {  	v1 =	vsub.f32 v13, v1;
	[tilespmem:$0x4170] =	vst v2  }
0xae: {  	v14 =	vsub.f32 $-1.000000000e+00, v0;
	[tilespmem:$0x4530] =	vst v0  }
0xaf: {  	v15 =	vsub.f32 $-1.000000000e+00, v1;
	[tilespmem:$0x4950] =	vst v1  }
0xb0: {  	v17 =	vadd.f32 $1.000000000e+00, v1;
	[tilespmem:$0x4510] =	vst v14  }
0xb1: {  	v18 =	vadd.f32 $1.000000000e+00, v0;
	[tilespmem:$0x4910] =	vst v15  }
0xb2: {  	v0 =	vsub.f32 $0.0e+00, v0;
	[tilespmem:$0x4930] =	vst v17  }
0xb3: {  	v1 =	vsub.f32 $0.0e+00, v1;
	[tilespmem:$0x4550] =	vst v18  }
0xb4: {  	[tilespmem:$0x4570] =	vst v0  }
0xb5: {  	[tilespmem:$0x4970] =	vst v1  }
0xb6: {  	[spmem:s2] =	stream.indirect.scatter.add.f32 [tilespmem:s23], [sflag:$0x1], $0x1, s22, s16, $0xb8;
	[tilespmem:$0x10C00] =	vst v63  }
0xb7: {  	_ = 	snop  }
0xb8: {  	[spmem:s3] =	stream.indirect.scatter.add.f32 [tilespmem:s24], [sflag:$0x1], $0x1, s22, s16, $0xb8;
	[tilespmem:$0x10C00] =	vst v63  }
0xb9: {  	v1 =	vld [tilespmem:s13+$0x60]  }
0xba: {  	v0 =	vld [tilespmem:s13+$0x2060];
	_ =	sdelay $0x3  }
0xbb: {  	v1 =	vmul.f32 $5.110000000e+02, v1  }
0xbc: {  	v0 =	vmul.f32 $5.110000000e+02, v0  }
0xbd: {  	v21 =	vtrunc.f32 v1  }
0xbe: {  	v20 =	vtrunc.f32 v0;
	v3 =	vcvt.f32.s32 v21  }
0xbf: {  	v2 =	vcvt.f32.s32 v20  }
0xc0: {  	v23 =	vcvt.s32.f32 v3;
	v3 =	vshll.u32 v3, $0x9  }
0xc1: {  	v22 =	vcvt.s32.f32 v2;
	v2 =	vadd.s32 v2, v3  }
0xc2: {  	[tilespmem:$0x4180] =	vst v2;
	v26 =	vadd.s32 $0x1, v2  }
0xc3: {  	v29 =	vadd.s32 $0x200, v2;
	[tilespmem:$0x41A0] =	vst v26  }
0xc4: {  	v0 =	vsub.f32 v22, v0;
	v2 =	vadd.s32 $0x201, v2;
	[tilespmem:$0x41C0] =	vst v29  }
0xc5: {  	v1 =	vsub.f32 v23, v1;
	[tilespmem:$0x41E0] =	vst v2  }
0xc6: {  	v24 =	vsub.f32 $-1.000000000e+00, v0;
	[tilespmem:$0x45A0] =	vst v0  }
0xc7: {  	v25 =	vsub.f32 $-1.000000000e+00, v1;
	[tilespmem:$0x49C0] =	vst v1  }
0xc8: {  	v27 =	vadd.f32 $1.000000000e+00, v1;
	[tilespmem:$0x4580] =	vst v24  }
0xc9: {  	v28 =	vadd.f32 $1.000000000e+00, v0;
	[tilespmem:$0x4980] =	vst v25  }
0xca: {  	v0 =	vsub.f32 $0.0e+00, v0;
	[tilespmem:$0x49A0] =	vst v27  }
0xcb: {  	v1 =	vsub.f32 $0.0e+00, v1;
	[tilespmem:$0x45C0] =	vst v28  }
0xcc: {  	[tilespmem:$0x45E0] =	vst v0  }
0xcd: {  	[tilespmem:$0x49E0] =	vst v1  }
0xce: {  	v1 =	vld [tilespmem:s13+$0x70]  }
0xcf: {  	v0 =	vld [tilespmem:s13+$0x2070];
	_ =	sdelay $0x3  }
0xd0: {  	v1 =	vmul.f32 $5.110000000e+02, v1  }
0xd1: {  	v0 =	vmul.f32 $5.110000000e+02, v0  }
0xd2: {  	v31 =	vtrunc.f32 v1  }
0xd3: {  	v30 =	vtrunc.f32 v0;
	v3 =	vcvt.f32.s32 v31  }
0xd4: {  	v2 =	vcvt.f32.s32 v30  }
0xd5: {  	v33 =	vcvt.s32.f32 v3;
	v3 =	vshll.u32 v3, $0x9  }
0xd6: {  	v32 =	vcvt.s32.f32 v2;
	v2 =	vadd.s32 v2, v3  }
0xd7: {  	[tilespmem:$0x4190] =	vst v2;
	v36 =	vadd.s32 $0x1, v2  }
0xd8: {  	v39 =	vadd.s32 $0x200, v2;
	[tilespmem:$0x41B0] =	vst v36  }
0xd9: {  	v0 =	vsub.f32 v32, v0;
	v2 =	vadd.s32 $0x201, v2;
	[tilespmem:$0x41D0] =	vst v39  }
0xda: {  	v1 =	vsub.f32 v33, v1;
	[tilespmem:$0x41F0] =	vst v2  }
0xdb: {  	v34 =	vsub.f32 $-1.000000000e+00, v0;
	[tilespmem:$0x45B0] =	vst v0  }
0xdc: {  	v35 =	vsub.f32 $-1.000000000e+00, v1;
	[tilespmem:$0x49D0] =	vst v1  }
0xdd: {  	v37 =	vadd.f32 $1.000000000e+00, v1;
	[tilespmem:$0x4590] =	vst v34  }
0xde: {  	v38 =	vadd.f32 $1.000000000e+00, v0;
	[tilespmem:$0x4990] =	vst v35  }
0xdf: {  	v0 =	vsub.f32 $0.0e+00, v0;
	[tilespmem:$0x49B0] =	vst v37  }
0xe0: {  	v1 =	vsub.f32 $0.0e+00, v1;
	[tilespmem:$0x45D0] =	vst v38  }
0xe1: {  	[tilespmem:$0x45F0] =	vst v0  }
0xe2: {  	[tilespmem:$0x49F0] =	vst v1  }
0xe3: {  	[spmem:s2] =	stream.indirect.scatter.add.f32 [tilespmem:s26], [sflag:$0x1], $0x1, s25, s16, $0xb8;
	[tilespmem:$0x10C00] =	vst v63  }
0xe4: {  	_ = 	snop  }
0xe5: {  	[spmem:s3] =	stream.indirect.scatter.add.f32 [tilespmem:s28], [sflag:$0x1], $0x1, s25, s16, $0xb8;
	[tilespmem:$0x10C00] =	vst v63  }
0xe6: {  	v1 =	vld [tilespmem:s13+$0x80]  }
0xe7: {  	v0 =	vld [tilespmem:s13+$0x2080];
	_ =	sdelay $0x3  }
0xe8: {  	v1 =	vmul.f32 $5.110000000e+02, v1  }
0xe9: {  	v0 =	vmul.f32 $5.110000000e+02, v0  }
0xea: {  	v41 =	vtrunc.f32 v1  }
0xeb: {  	v40 =	vtrunc.f32 v0;
	v3 =	vcvt.f32.s32 v41  }
0xec: {  	v2 =	vcvt.f32.s32 v40  }
0xed: {  	v43 =	vcvt.s32.f32 v3;
	v3 =	vshll.u32 v3, $0x9  }
0xee: {  	v42 =	vcvt.s32.f32 v2;
	v2 =	vadd.s32 v2, v3  }
0xef: {  	[tilespmem:$0x4200] =	vst v2;
	v46 =	vadd.s32 $0x1, v2  }
0xf0: {  	v49 =	vadd.s32 $0x200, v2;
	[tilespmem:$0x4220] =	vst v46  }
0xf1: {  	v0 =	vsub.f32 v42, v0;
	v2 =	vadd.s32 $0x201, v2;
	[tilespmem:$0x4240] =	vst v49  }
0xf2: {  	v1 =	vsub.f32 v43, v1;
	[tilespmem:$0x4260] =	vst v2  }
0xf3: {  	v44 =	vsub.f32 $-1.000000000e+00, v0;
	[tilespmem:$0x4620] =	vst v0  }
0xf4: {  	v45 =	vsub.f32 $-1.000000000e+00, v1;
	[tilespmem:$0x4A40] =	vst v1  }
0xf5: {  	v47 =	vadd.f32 $1.000000000e+00, v1;
	[tilespmem:$0x4600] =	vst v44  }
0xf6: {  	v48 =	vadd.f32 $1.000000000e+00, v0;
	[tilespmem:$0x4A00] =	vst v45  }
0xf7: {  	v0 =	vsub.f32 $0.0e+00, v0;
	[tilespmem:$0x4A20] =	vst v47  }
0xf8: {  	v1 =	vsub.f32 $0.0e+00, v1;
	[tilespmem:$0x4640] =	vst v48  }
0xf9: {  	[tilespmem:$0x4660] =	vst v0  }
0xfa: {  	[tilespmem:$0x4A60] =	vst v1  }
0xfb: {  	v1 =	vld [tilespmem:s13+$0x90]  }
0xfc: {  	v0 =	vld [tilespmem:s13+$0x2090];
	_ =	sdelay $0x3  }
0xfd: {  	v1 =	vmul.f32 $5.110000000e+02, v1  }
0xfe: {  	v0 =	vmul.f32 $5.110000000e+02, v0  }
0xff: {  	v51 =	vtrunc.f32 v1  }
0x100: {  	v50 =	vtrunc.f32 v0;
	v3 =	vcvt.f32.s32 v51  }
0x101: {  	v2 =	vcvt.f32.s32 v50  }
0x102: {  	v53 =	vcvt.s32.f32 v3;
	v3 =	vshll.u32 v3, $0x9  }
0x103: {  	v52 =	vcvt.s32.f32 v2;
	v2 =	vadd.s32 v2, v3  }
0x104: {  	[tilespmem:$0x4210] =	vst v2;
	v56 =	vadd.s32 $0x1, v2  }
0x105: {  	v59 =	vadd.s32 $0x200, v2;
	[tilespmem:$0x4230] =	vst v56  }
0x106: {  	v0 =	vsub.f32 v52, v0;
	v2 =	vadd.s32 $0x201, v2;
	[tilespmem:$0x4250] =	vst v59  }
0x107: {  	v1 =	vsub.f32 v53, v1;
	[tilespmem:$0x4270] =	vst v2  }
0x108: {  	v54 =	vsub.f32 $-1.000000000e+00, v0;
	[tilespmem:$0x4630] =	vst v0  }
0x109: {  	v55 =	vsub.f32 $-1.000000000e+00, v1;
	[tilespmem:$0x4A50] =	vst v1  }
0x10a: {  	v57 =	vadd.f32 $1.000000000e+00, v1;
	[tilespmem:$0x4610] =	vst v54  }
0x10b: {  	v58 =	vadd.f32 $1.000000000e+00, v0;
	[tilespmem:$0x4A10] =	vst v55  }
0x10c: {  	v0 =	vsub.f32 $0.0e+00, v0;
	[tilespmem:$0x4A30] =	vst v57  }
0x10d: {  	v1 =	vsub.f32 $0.0e+00, v1;
	[tilespmem:$0x4650] =	vst v58  }
0x10e: {  	[tilespmem:$0x4670] =	vst v0  }
0x10f: {  	[tilespmem:$0x4A70] =	vst v1  }
0x110: {  	[spmem:s2] =	stream.indirect.scatter.add.f32 [tilespmem:s30], [sflag:$0x1], $0x1, s29, s16, $0xb8;
	[tilespmem:$0x10C00] =	vst v63  }
0x111: {  	_ = 	snop  }
0x112: {  	[spmem:s3] =	stream.indirect.scatter.add.f32 [tilespmem:s31], [sflag:$0x1], $0x1, s29, s16, $0xb8;
	[tilespmem:$0x10C00] =	vst v63  }
0x113: {  	v1 =	vld [tilespmem:s13+$0xA0]  }
0x114: {  	v0 =	vld [tilespmem:s13+$0x20A0];
	_ =	sdelay $0x3  }
0x115: {  	v1 =	vmul.f32 $5.110000000e+02, v1  }
0x116: {  	v0 =	vmul.f32 $5.110000000e+02, v0  }
0x117: {  	v61 =	vtrunc.f32 v1  }
0x118: {  	v60 =	vtrunc.f32 v0;
	v3 =	vcvt.f32.s32 v61  }
0x119: {  	v2 =	vcvt.f32.s32 v60  }
0x11a: {  	v63 =	vcvt.s32.f32 v3;
	v3 =	vshll.u32 v3, $0x9  }
0x11b: {  	v62 =	vcvt.s32.f32 v2;
	v2 =	vadd.s32 v2, v3  }
0x11c: {  	[tilespmem:$0x4280] =	vst v2;
	v10 =	vadd.s32 $0x1, v2  }
0x11d: {  	v13 =	vadd.s32 $0x200, v2;
	[tilespmem:$0x42A0] =	vst v10  }
0x11e: {  	v0 =	vsub.f32 v62, v0;
	v2 =	vadd.s32 $0x201, v2;
	[tilespmem:$0x42C0] =	vst v13  }
0x11f: {  	v1 =	vsub.f32 v63, v1;
	[tilespmem:$0x42E0] =	vst v2  }
0x120: {  	v8 =	vsub.f32 $-1.000000000e+00, v0;
	[tilespmem:$0x46A0] =	vst v0  }
0x121: {  	v9 =	vsub.f32 $-1.000000000e+00, v1;
	[tilespmem:$0x4AC0] =	vst v1  }
0x122: {  	v11 =	vadd.f32 $1.000000000e+00, v1;
	[tilespmem:$0x4680] =	vst v8  }
0x123: {  	v12 =	vadd.f32 $1.000000000e+00, v0;
	[tilespmem:$0x4A80] =	vst v9  }
0x124: {  	v0 =	vsub.f32 $0.0e+00, v0;
	[tilespmem:$0x4AA0] =	vst v11  }
0x125: {  	v1 =	vsub.f32 $0.0e+00, v1;
	[tilespmem:$0x46C0] =	vst v12  }
0x126: {  	[tilespmem:$0x46E0] =	vst v0  }
0x127: {  	[tilespmem:$0x4AE0] =	vst v1  }
0x128: {  	v1 =	vld [tilespmem:s13+$0xB0]  }
0x129: {  	v0 =	vld [tilespmem:s13+$0x20B0];
	_ =	sdelay $0x3  }
0x12a: {  	v1 =	vmul.f32 $5.110000000e+02, v1  }
0x12b: {  	v0 =	vmul.f32 $5.110000000e+02, v0  }
0x12c: {  	v15 =	vtrunc.f32 v1  }
0x12d: {  	v14 =	vtrunc.f32 v0;
	v3 =	vcvt.f32.s32 v15  }
0x12e: {  	v2 =	vcvt.f32.s32 v14  }
0x12f: {  	v17 =	vcvt.s32.f32 v3;
	v3 =	vshll.u32 v3, $0x9  }
0x130: {  	v16 =	vcvt.s32.f32 v2;
	v2 =	vadd.s32 v2, v3  }
0x131: {  	[tilespmem:$0x4290] =	vst v2;
	v20 =	vadd.s32 $0x1, v2  }
0x132: {  	v23 =	vadd.s32 $0x200, v2;
	[tilespmem:$0x42B0] =	vst v20  }
0x133: {  	v0 =	vsub.f32 v16, v0;
	v2 =	vadd.s32 $0x201, v2;
	[tilespmem:$0x42D0] =	vst v23  }
0x134: {  	v1 =	vsub.f32 v17, v1;
	[tilespmem:$0x42F0] =	vst v2  }
0x135: {  	v18 =	vsub.f32 $-1.000000000e+00, v0;
	[tilespmem:$0x46B0] =	vst v0  }
0x136: {  	v19 =	vsub.f32 $-1.000000000e+00, v1;
	[tilespmem:$0x4AD0] =	vst v1  }
0x137: {  	v21 =	vadd.f32 $1.000000000e+00, v1;
	[tilespmem:$0x4690] =	vst v18  }
0x138: {  	v22 =	vadd.f32 $1.000000000e+00, v0;
	[tilespmem:$0x4A90] =	vst v19  }
0x139: {  	v0 =	vsub.f32 $0.0e+00, v0;
	[tilespmem:$0x4AB0] =	vst v21  }
0x13a: {  	v1 =	vsub.f32 $0.0e+00, v1;
	[tilespmem:$0x46D0] =	vst v22  }
0x13b: {  	[tilespmem:$0x46F0] =	vst v0  }
0x13c: {  	[tilespmem:$0x4AF0] =	vst v1  }
0x13d: {  	[spmem:s2] =	stream.indirect.scatter.add.f32 [tilespmem:s1], [sflag:$0x1], $0x1, s0, s16, $0xb8;
	[tilespmem:$0x10C00] =	vst v63  }
0x13e: {  	_ = 	snop  }
0x13f: {  	[spmem:s3] =	stream.indirect.scatter.add.f32 [tilespmem:s15], [sflag:$0x1], $0x1, s0, s16, $0xb8;
	[tilespmem:$0x10C00] =	vst v63  }
0x140: {  	v1 =	vld [tilespmem:s13+$0xC0]  }
0x141: {  	v0 =	vld [tilespmem:s13+$0x20C0];
	_ =	sdelay $0x3  }
0x142: {  	v1 =	vmul.f32 $5.110000000e+02, v1  }
0x143: {  	v0 =	vmul.f32 $5.110000000e+02, v0  }
0x144: {  	v25 =	vtrunc.f32 v1  }
0x145: {  	v24 =	vtrunc.f32 v0;
	v3 =	vcvt.f32.s32 v25  }
0x146: {  	v2 =	vcvt.f32.s32 v24  }
0x147: {  	v27 =	vcvt.s32.f32 v3;
	v3 =	vshll.u32 v3, $0x9  }
0x148: {  	v26 =	vcvt.s32.f32 v2;
	v2 =	vadd.s32 v2, v3  }
0x149: {  	[tilespmem:$0x4300] =	vst v2;
	v30 =	vadd.s32 $0x1, v2  }
0x14a: {  	v33 =	vadd.s32 $0x200, v2;
	[tilespmem:$0x4320] =	vst v30  }
0x14b: {  	v0 =	vsub.f32 v26, v0;
	v2 =	vadd.s32 $0x201, v2;
	[tilespmem:$0x4340] =	vst v33  }
0x14c: {  	v1 =	vsub.f32 v27, v1;
	[tilespmem:$0x4360] =	vst v2  }
0x14d: {  	v28 =	vsub.f32 $-1.000000000e+00, v0;
	[tilespmem:$0x4720] =	vst v0  }
0x14e: {  	v29 =	vsub.f32 $-1.000000000e+00, v1;
	[tilespmem:$0x4B40] =	vst v1  }
0x14f: {  	v31 =	vadd.f32 $1.000000000e+00, v1;
	[tilespmem:$0x4700] =	vst v28  }
0x150: {  	v32 =	vadd.f32 $1.000000000e+00, v0;
	[tilespmem:$0x4B00] =	vst v29  }
0x151: {  	v0 =	vsub.f32 $0.0e+00, v0;
	[tilespmem:$0x4B20] =	vst v31  }
0x152: {  	v1 =	vsub.f32 $0.0e+00, v1;
	[tilespmem:$0x4740] =	vst v32  }
0x153: {  	[tilespmem:$0x4760] =	vst v0  }
0x154: {  	[tilespmem:$0x4B60] =	vst v1  }
0x155: {  	v1 =	vld [tilespmem:s13+$0xD0]  }
0x156: {  	v0 =	vld [tilespmem:s13+$0x20D0];
	_ =	sdelay $0x3  }
0x157: {  	v1 =	vmul.f32 $5.110000000e+02, v1  }
0x158: {  	v0 =	vmul.f32 $5.110000000e+02, v0  }
0x159: {  	v35 =	vtrunc.f32 v1  }
0x15a: {  	v34 =	vtrunc.f32 v0;
	v3 =	vcvt.f32.s32 v35  }
0x15b: {  	v2 =	vcvt.f32.s32 v34  }
0x15c: {  	v37 =	vcvt.s32.f32 v3;
	v3 =	vshll.u32 v3, $0x9  }
0x15d: {  	v36 =	vcvt.s32.f32 v2;
	v2 =	vadd.s32 v2, v3  }
0x15e: {  	[tilespmem:$0x4310] =	vst v2;
	v40 =	vadd.s32 $0x1, v2  }
0x15f: {  	v43 =	vadd.s32 $0x200, v2;
	[tilespmem:$0x4330] =	vst v40  }
0x160: {  	v0 =	vsub.f32 v36, v0;
	v2 =	vadd.s32 $0x201, v2;
	[tilespmem:$0x4350] =	vst v43  }
0x161: {  	v1 =	vsub.f32 v37, v1;
	[tilespmem:$0x4370] =	vst v2  }
0x162: {  	v38 =	vsub.f32 $-1.000000000e+00, v0;
	[tilespmem:$0x4730] =	vst v0  }
0x163: {  	v39 =	vsub.f32 $-1.000000000e+00, v1;
	[tilespmem:$0x4B50] =	vst v1  }
0x164: {  	v41 =	vadd.f32 $1.000000000e+00, v1;
	[tilespmem:$0x4710] =	vst v38  }
0x165: {  	v42 =	vadd.f32 $1.000000000e+00, v0;
	[tilespmem:$0x4B10] =	vst v39  }
0x166: {  	v0 =	vsub.f32 $0.0e+00, v0;
	[tilespmem:$0x4B30] =	vst v41  }
0x167: {  	v1 =	vsub.f32 $0.0e+00, v1;
	[tilespmem:$0x4750] =	vst v42  }
0x168: {  	[tilespmem:$0x4770] =	vst v0  }
0x169: {  	[tilespmem:$0x4B70] =	vst v1  }
0x16a: {  	[spmem:s2] =	stream.indirect.scatter.add.f32 [tilespmem:s8], [sflag:$0x1], $0x1, s5, s16, $0xb8;
	[tilespmem:$0x10C00] =	vst v63  }
0x16b: {  	_ = 	snop  }
0x16c: {  	[spmem:s3] =	stream.indirect.scatter.add.f32 [tilespmem:s9], [sflag:$0x1], $0x1, s5, s16, $0xb8;
	[tilespmem:$0x10C00] =	vst v63  }
0x16d: {  	v1 =	vld [tilespmem:s13+$0xE0]  }
0x16e: {  	v0 =	vld [tilespmem:s13+$0x20E0];
	_ =	sdelay $0x3  }
0x16f: {  	v1 =	vmul.f32 $5.110000000e+02, v1  }
0x170: {  	v0 =	vmul.f32 $5.110000000e+02, v0  }
0x171: {  	v45 =	vtrunc.f32 v1  }
0x172: {  	v44 =	vtrunc.f32 v0;
	v3 =	vcvt.f32.s32 v45  }
0x173: {  	v2 =	vcvt.f32.s32 v44  }
0x174: {  	v47 =	vcvt.s32.f32 v3;
	v3 =	vshll.u32 v3, $0x9  }
0x175: {  	v46 =	vcvt.s32.f32 v2;
	v2 =	vadd.s32 v2, v3  }
0x176: {  	[tilespmem:$0x4380] =	vst v2;
	v50 =	vadd.s32 $0x1, v2  }
0x177: {  	v53 =	vadd.s32 $0x200, v2;
	[tilespmem:$0x43A0] =	vst v50  }
0x178: {  	v0 =	vsub.f32 v46, v0;
	v2 =	vadd.s32 $0x201, v2;
	[tilespmem:$0x43C0] =	vst v53  }
0x179: {  	v1 =	vsub.f32 v47, v1;
	[tilespmem:$0x43E0] =	vst v2  }
0x17a: {  	v48 =	vsub.f32 $-1.000000000e+00, v0;
	[tilespmem:$0x47A0] =	vst v0  }
0x17b: {  	v49 =	vsub.f32 $-1.000000000e+00, v1;
	[tilespmem:$0x4BC0] =	vst v1  }
0x17c: {  	v51 =	vadd.f32 $1.000000000e+00, v1;
	[tilespmem:$0x4780] =	vst v48  }
0x17d: {  	v52 =	vadd.f32 $1.000000000e+00, v0;
	[tilespmem:$0x4B80] =	vst v49  }
0x17e: {  	v0 =	vsub.f32 $0.0e+00, v0;
	[tilespmem:$0x4BA0] =	vst v51  }
0x17f: {  	v1 =	vsub.f32 $0.0e+00, v1;
	[tilespmem:$0x47C0] =	vst v52  }
0x180: {  	[tilespmem:$0x47E0] =	vst v0  }
0x181: {  	[tilespmem:$0x4BE0] =	vst v1  }
0x182: {  	v1 =	vld [tilespmem:s13+$0xF0]  }
0x183: {  	v0 =	vld [tilespmem:s13+$0x20F0];
	_ =	sdelay $0x3  }
0x184: {  	v1 =	vmul.f32 $5.110000000e+02, v1  }
0x185: {  	v0 =	vmul.f32 $5.110000000e+02, v0  }
0x186: {  	v55 =	vtrunc.f32 v1  }
0x187: {  	v54 =	vtrunc.f32 v0;
	v3 =	vcvt.f32.s32 v55  }
0x188: {  	v2 =	vcvt.f32.s32 v54  }
0x189: {  	v57 =	vcvt.s32.f32 v3;
	v3 =	vshll.u32 v3, $0x9  }
0x18a: {  	v56 =	vcvt.s32.f32 v2;
	v2 =	vadd.s32 v2, v3  }
0x18b: {  	[tilespmem:$0x4390] =	vst v2;
	v60 =	vadd.s32 $0x1, v2  }
0x18c: {  	v63 =	vadd.s32 $0x200, v2;
	[tilespmem:$0x43B0] =	vst v60  }
0x18d: {  	v0 =	vsub.f32 v56, v0;
	v2 =	vadd.s32 $0x201, v2;
	[tilespmem:$0x43D0] =	vst v63  }
0x18e: {  	v1 =	vsub.f32 v57, v1;
	[tilespmem:$0x43F0] =	vst v2  }
0x18f: {  	v58 =	vsub.f32 $-1.000000000e+00, v0;
	[tilespmem:$0x47B0] =	vst v0  }
0x190: {  	v59 =	vsub.f32 $-1.000000000e+00, v1;
	[tilespmem:$0x4BD0] =	vst v1  }
0x191: {  	v61 =	vadd.f32 $1.000000000e+00, v1;
	[tilespmem:$0x4790] =	vst v58  }
0x192: {  	v62 =	vadd.f32 $1.000000000e+00, v0;
	[tilespmem:$0x4B90] =	vst v59  }
0x193: {  	v0 =	vsub.f32 $0.0e+00, v0;
	[tilespmem:$0x4BB0] =	vst v61  }
0x194: {  	v1 =	vsub.f32 $0.0e+00, v1;
	[tilespmem:$0x47D0] =	vst v62  }
0x195: {  	[tilespmem:$0x47F0] =	vst v0  }
0x196: {  	[tilespmem:$0x4BF0] =	vst v1  }
0x197: {  	[spmem:s2] =	stream.indirect.scatter.add.f32 [tilespmem:s11], [sflag:$0x1], $0x1, s10, s16, $0xb8;
	[tilespmem:$0x10C00] =	vst v63  }
0x198: {  	_ = 	snop  }
0x199: {  	[spmem:s3] =	stream.indirect.scatter.add.f32 [tilespmem:s12], [sflag:$0x1], $0x1, s10, s16, $0xb8;
	[tilespmem:$0x10C00] =	vst v63  }
0x19a: {  	_ =	swait.ge [sflag:s4], $0x80  }
0x19b: {  	[sflag:s4] =	ssyncset.done $0x0  }
0x19c: {  	[sflag:s4] =	ssyncadd.s32 $0xFFFFFF80  }
0x19d: {  	_ =	swait.ge [sflag:s4], $0x80  }
0x19e: {  	[sflag:s4] =	ssyncset.done $0x0  }
0x19f: {  	[sflag:s4] =	ssyncadd.s32 $0xFFFFFF80  }
0x1a0: {  	_ =	swait.ge [sflag:s4], $0x80  }
0x1a1: {  	[sflag:s4] =	ssyncset.done $0x0  }
0x1a2: {  	[sflag:s4] =	ssyncadd.s32 $0xFFFFFF80  }
0x1a3: {  	_ =	swait.ge [sflag:s4], $0x80  }
0x1a4: {  	[sflag:s4] =	ssyncset.done $0x0  }
0x1a5: {  	[sflag:s4] =	ssyncadd.s32 $0xFFFFFF80  }
0x1a6: {  	_ =	swait.ge [sflag:s4], $0x80  }
0x1a7: {  	[sflag:s4] =	ssyncset.done $0x0  }
0x1a8: {  	[sflag:s4] =	ssyncadd.s32 $0xFFFFFF80  }
0x1a9: {  	_ =	swait.ge [sflag:s4], $0x80  }
0x1aa: {  	[sflag:s4] =	ssyncset.done $0x0  }
0x1ab: {  	[sflag:s4] =	ssyncadd.s32 $0xFFFFFF80  }
0x1ac: {  	_ =	swait.ge [sflag:s4], $0x80  }
0x1ad: {  	[sflag:s4] =	ssyncset.done $0x0  }
0x1ae: {  	[sflag:s4] =	ssyncadd.s32 $0xFFFFFF80  }
0x1af: {  	_ =	swait.ge [sflag:s4], $0x80  }
0x1b0: {  	[sflag:s4] =	ssyncset.done $0x0  }
0x1b1: {  	[sflag:s4] =	ssyncadd.s32 $0xFFFFFF80  }
0x1b2: {  	_ =	swait.ge [sflag:s4], $0x80  }
0x1b3: {  	[sflag:s4] =	ssyncset.done $0x0  }
0x1b4: {  	[sflag:s4] =	ssyncadd.s32 $0xFFFFFF80  }
0x1b5: {  	_ =	swait.ge [sflag:s4], $0x80  }
0x1b6: {  	[sflag:s4] =	ssyncset.done $0x0  }
0x1b7: {  	[sflag:s4] =	ssyncadd.s32 $0xFFFFFF80  }
0x1b8: {  	_ =	swait.ge [sflag:s4], $0x80  }
0x1b9: {  	[sflag:s4] =	ssyncset.done $0x0  }
0x1ba: {  	[sflag:s4] =	ssyncadd.s32 $0xFFFFFF80  }
0x1bb: {  	_ =	swait.ge [sflag:s4], $0x80  }
0x1bc: {  	[sflag:s4] =	ssyncset.done $0x0  }
0x1bd: {  	[sflag:s4] =	ssyncadd.s32 $0xFFFFFF80  }
0x1be: {  	_ =	swait.ge [sflag:s4], $0x80  }
0x1bf: {  	[sflag:s4] =	ssyncset.done $0x0  }
0x1c0: {  	[sflag:s4] =	ssyncadd.s32 $0xFFFFFF80  }
0x1c1: {  	_ =	swait.ge [sflag:s4], $0x80  }
0x1c2: {  	[sflag:s4] =	ssyncset.done $0x0  }
0x1c3: {  	[sflag:s4] =	ssyncadd.s32 $0xFFFFFF80  }
0x1c4: {  	p0 =	sne.s32 s7, $0x7C00;
	_ =	swait.ge [sflag:s4], $0x80  }
.Ltmp0:
0x1c5: {  	[sflag:s4] =	ssyncset.done $0x0;
	(pc) =	sbr.rel @p0 .LBB2_2-.Ltmp0, $4  }
0x1c6: {  	[sflag:s4] =	ssyncadd.s32 $0xFFFFFF80  }
0x1c7: {  	_ =	swait.ge [sflag:s4], $0x80  }
0x1c8: {  	[sflag:s4] =	ssyncset.done $0x0  }
0x1c9: {  	s7 =	sadd.s32 $0x400, s7;
	[sflag:s4] =	ssyncadd.s32 $0xFFFFFF80  }
0x1ca: {  	[bflag:$0x0] =	sbarrier.arrive $0xFFFF  }
0x1cb: {  	s14 =	simm.s32 $0x4C00;
	s13 =	rddreg [dreg:$0x6]  }
0x1cc: {  	[tilespmem:s14], [sflag:$0x2] =	stream.linear.gather [spmem:s13], $0x4000, $0x38;
	[tilespmem:$0x10C00] =	vst v63  }
0x1cd: {  	_ =	swait.ge [sflag:s18], $0x4000  }
0x1ce: {  	[sflag:s18] =	ssyncset.done $0x0  }
0x1cf: {  	s20 =	simm.s32 $0x100;
	s6 =	rddreg [dreg:$0xa];
	[sflag:s18] =	ssyncadd.s32 $0xFFFFC000  }
0x1d0: {  	[hbm4b:s6+s16] =	stream.strided.scatter [tilespmem:s14], [sflag:$0x2], $0x4000, s20, s16, $0x38;
	[tilespmem:$0x10C00] =	vst v63  }
0x1d1: {  	_ =	swait.ge [sflag:s18], $0x4000  }
0x1d2: {  	[sflag:s18] =	ssyncset.done $0x0  }
0x1d3: {  	s6 =	rddreg [dreg:$0x7];
	[sflag:s18] =	ssyncadd.s32 $0xFFFFC000  }
0x1d4: {  	[tilespmem:s14], [sflag:$0x2] =	stream.linear.gather [spmem:s6], $0x4000, $0x38;
	[tilespmem:$0x10C00] =	vst v63  }
0x1d5: {  	_ =	swait.ge [sflag:s18], $0x4000  }
0x1d6: {  	[sflag:s18] =	ssyncset.done $0x0  }
0x1d7: {  	s7 =	rddreg [dreg:$0xb];
	[sflag:s18] =	ssyncadd.s32 $0xFFFFC000  }
0x1d8: {  	[hbm4b:s7+s16] =	stream.strided.scatter [tilespmem:s14], [sflag:$0x2], $0x4000, s20, s16, $0x38;
	[tilespmem:$0x10C00] =	vst v63  }
0x1d9: {  	_ =	swait.ge [sflag:s18], $0x4000  }
0x1da: {  	s7 =	rddreg [dreg:$0xd]  }
0x1db: {  	s20 =	rddreg [dreg:$0xc];
	s14 =	sadd.s32 $0x1, s7  }
0x1dc: {  	p0 =	sne.s32 s14, s20  }
.Ltmp1:
0x1dd: {  	_ = 	snop;
	(pc) =	sbr.rel @p0 .LBB2_1-.Ltmp1, $3  }
0x1de: {  	_ =	sdelay $0x1  }
0x1df: {  	[sflag:s18] =	ssyncset.done $0x0  }
0x1e0: {  	[sflag:s18] =	ssyncadd.s32 $0xFFFFC000  }
0x1e1: {  	_ =	sfence.sel $0x180000  }
0x1e2: {  	[bflag:$0x0] =	sbarrier.arrive $0xFFFF  }
0x1e3: {  	_ =	strace $0x90000047  }
0x1e4: {  	s0 =	stileid.u32;
	[bflag:$0x2] =	sbarrier.arrive $0xFFFF  }
0x1e5: {  	p0 =	sne.s32 s0, $0x0;
	s0 =	rddreg [dreg:$0x3]  }
0x1e6: {  	s0 =	sadd.s32 @!p0 $0x100000, s0  }
0x1e7: {  	[sflag:s0] =	ssyncadd.tile.s32 @!p0 $0x1;
	_ =	shalt  }
.Lfunc_end2:
_tile_overlayer_lowered:
.L_overlay_start_2:
0x1e8: {  	(tag) =	ssettag $0x2  }
0x1e9: {  	s0 =	rddreg [dreg:$0x0];
	s2 =	stileid.u32  }
0x1ea: {  	s1 =	rddreg [dreg:$0x1];
	p0 =	sne.s32 s2, $0x0  }
0x1eb: {  	s3 =	rddreg [dreg:$0x2];
	[bflag:$0x3] =	sbarrier.arrive $0xFFFF;
	s2 =	simm.s32 @!p0 $0x1C02  }
0x1ec: {  	[timem:s3], [sflag:s2] =	dma.local @!p0 [hbm:s0], s1  }
0x1ed: {  	s0 =	simm.s32 @!p0 $0x2  }
0x1ee: {  	_ =	swait.ge @!p0 [sflag:s0], s1  }
0x1ef: {  	s1 =	ssub.s32 @!p0 $0x0, s1;
	[sflag:s0] =	ssyncset.done @!p0 $0x0  }
0x1f0: {  	[sflag:s0] =	ssyncadd.s32 @!p0 s1  }
0x1f1: {  	[bflag:$0x3] =	sbarrier.arrive $0xFFFF  }
0x1f2: {  	_ =	shalt  }

</sc_bundles>
